<compile_context>
chip_gen: v7x
topology: tpu7x:2x2x1
jax: 0.10.2.dev20260603
libtpu: 0.0.44.dev20260713+nightly
codegen_flags: <defaults>
</compile_context>

<pallas_src>
import jax
import jax.numpy as jnp
from jax import lax
from jax.experimental import pallas as pl
from jax.experimental.pallas import tpu as pltpu
from jax.experimental.pallas import tpu_sc as plsc
from jax._src.pallas import mpmd as _mpmd
from jax._src.pallas import core as _pallas_core

N = 10000
NP = 10240
E = 320000
D = 128
NC = 2
NS = 16
NW = NC * NS
K = 128
CH = 79
T = CH * K
EPAD = NW * T - E
RPW = NP // NS
L = 16
NB = 8
DB = NP // 1280

_vmesh = plsc.VectorSubcoreMesh(core_axis_name="core", subcore_axis_name="subcore")
_smesh = plsc.ScalarSubcoreMesh(axis_name="core", num_cores=NC)


def _tec_vmem(shape, dtype):
    return _pallas_core.CoreMemorySpace(pltpu.VMEM, _vmesh)(shape, dtype)


def _deg_tec(he_hbm, out_hbm, idx_v, hist_v, cnt_v):
    c = lax.axis_index("core")
    s = lax.axis_index("subcore")
    wid = s * NC + c

    iota = lax.iota(jnp.int32, L)
    bankoff = lax.bitwise_and(iota, NB - 1) * NP
    m_lo = iota < NB
    m_hi = jnp.logical_not(m_lo)
    ones = jnp.ones((L,), jnp.float32)

    @pl.loop(0, NP * NB, step=L, unroll=4)
    def _(i):
        hist_v[pl.ds(i, L)] = jnp.zeros((L,), jnp.float32)

    for which in range(2):
        pltpu.sync_copy(he_hbm.at[which, wid], idx_v)

        @pl.loop(0, CH)
        def _(j):
            @pl.loop(0, K, step=L, unroll=4)
            def _(m):
                v = idx_v[j, pl.ds(m, L)]
                flat = v + bankoff
                plsc.addupdate_scatter(hist_v, [flat], ones, mask=m_lo)
                plsc.addupdate_scatter(hist_v, [flat], ones, mask=m_hi)

        @pl.loop(0, NP, step=L, unroll=4)
        def _(b):
            acc = hist_v[pl.ds(b, L)]
            for q in range(1, NB):
                acc = acc + hist_v[pl.ds(q * NP + b, L)]
            if which == 0:
                cnt_v[pl.ds(b, L)] = acc
            else:
                cnt_v[pl.ds(b, L)] = acc - cnt_v[pl.ds(b, L)]

        @pl.loop(0, DB)
        def _(t):
            pltpu.sync_copy(cnt_v.at[pl.ds(t * 1280, 1280)],
                            out_hbm.at[t, wid, which])


_degrees_sc = pl.kernel(
    _deg_tec,
    out_type=jax.ShapeDtypeStruct((DB, NW, 2, 1280), jnp.float32),
    mesh=_vmesh,
    compiler_params=pltpu.CompilerParams(needs_layout_passes=False),
    scratch_types=[
        pltpu.VMEM((CH, K), jnp.int32),
        pltpu.VMEM((NP * NB,), jnp.float32),
        pltpu.VMEM((NP,), jnp.float32),
    ],
)


def _agg_scs(*_refs):
    pass


def _agg_tec(scaled0_hbm, scaled1_hbm, he_hbm, out_hbm, idx0_v, idx1_v,
             rows_v, zero_v, acc_sh):
    pl.run_scoped(
        lambda sems: _agg_tec_inner(scaled0_hbm, scaled1_hbm, he_hbm,
                                    out_hbm, idx0_v, idx1_v, rows_v,
                                    zero_v, acc_sh, sems),
        [pltpu.SemaphoreType.DMA] * 6,
    )


def _agg_tec_inner(scaled0_hbm, scaled1_hbm, he_hbm, out_hbm, idx0_v, idx1_v,
                   rows_v, zero_v, acc_sh, sems):
    c = lax.axis_index("core")
    s = lax.axis_index("subcore")
    wid = s * NC + c
    zr = RPW // 5
    HD = D // 2

    @pl.loop(0, zr)
    def _(i):
        @pl.loop(0, HD, step=L)
        def _(j):
            zero_v[i, pl.ds(j, L)] = jnp.zeros((L,), jnp.float32)

    pltpu.sync_copy(he_hbm.at[0, wid], idx0_v)
    pltpu.sync_copy(he_hbm.at[1, wid], idx1_v)

    for h in range(2):
        src_hbm = scaled0_hbm if h == 0 else scaled1_hbm

        @pl.loop(0, 5)
        def _(t):
            pltpu.sync_copy(zero_v, acc_sh.at[pl.ds(s * RPW + t * zr, zr)])

        plsc.subcore_barrier()

        for t in range(6):
            pltpu.async_copy(src_hbm.at[idx1_v.at[t]], rows_v.at[t], sems[t])

        @pl.loop(0, 73, step=6)
        def _(j):
            for t in range(6):
                jt = j + t
                pltpu.make_async_copy(src_hbm.at[idx1_v.at[jt]],
                                      rows_v.at[t], sems[t]).wait()
                pltpu.sync_copy(rows_v.at[t], acc_sh.at[idx0_v.at[jt]],
                                add=True)

                @pl.when(jt + 6 < CH)
                def _():
                    pltpu.async_copy(src_hbm.at[idx1_v.at[jt + 6]],
                                     rows_v.at[t], sems[t])

        last = CH - 1
        pltpu.make_async_copy(src_hbm.at[idx1_v.at[last]], rows_v.at[0],
                              sems[0]).wait()
        pltpu.sync_copy(rows_v.at[0], acc_sh.at[idx0_v.at[last]], add=True)

        plsc.subcore_barrier()
        pltpu.sync_copy(acc_sh.at[pl.ds(s * RPW, RPW)],
                        out_hbm.at[c, pl.ds(s * RPW, RPW),
                                   pl.ds(h * (D // 2), D // 2)])
        plsc.subcore_barrier()


_aggregate_sc = _mpmd.mpmd_map(
    [(_smesh, _agg_scs), (_vmesh, _agg_tec)],
    out_types=[jax.ShapeDtypeStruct((NC, NP, D), jnp.float32)],
    scratch_types=[
        _tec_vmem((CH, K), jnp.int32),
        _tec_vmem((CH, K), jnp.int32),
        _tec_vmem((6, K, D // 2), jnp.float32),
        _tec_vmem((RPW // 5, D // 2), jnp.float32),
        pltpu.VMEM_SHARED((NP, D // 2), jnp.float32),
    ],
    compiler_params=pltpu.CompilerParams(use_tc_tiling_on_sc=False),
)


_BM = 1280


def _matmul_body(x_ref, w_ref, o_ref):
    o_ref[...] = jnp.dot(x_ref[...], w_ref[...],
                         preferred_element_type=jnp.float32)


def _scale_body(mm_ref, degp_ref, o0_ref, o1_ref):
    d = jnp.sum(degp_ref[0][:, 1, :], axis=0)
    b = 1.0 / (d + 1e-5)
    bcol = jnp.broadcast_to(b.reshape(_BM, 1), (_BM, D // 2))
    acc = mm_ref[...]
    o0_ref[...] = acc[:, :D // 2] * bcol
    o1_ref[...] = acc[:, D // 2:] * bcol


def _finalize_body(acc_ref, degp_ref, o_ref):
    ssum = acc_ref[0] + acc_ref[1]
    d = jnp.sum(degp_ref[0][:, 0, :], axis=0)
    a = jnp.where(d > 0, lax.rsqrt(d), 0.0)
    acol = jnp.broadcast_to(a.reshape(_BM, 1), (_BM, D))
    o_ref[...] = ssum * acol


_matmul = pl.pallas_call(
    _matmul_body,
    grid=(NP // _BM,),
    in_specs=[
        pl.BlockSpec((_BM, D), lambda i: (i, 0)),
        pl.BlockSpec((D, D), lambda i: (0, 0)),
    ],
    out_specs=pl.BlockSpec((_BM, D), lambda i: (i, 0)),
    out_shape=jax.ShapeDtypeStruct((NP, D), jnp.float32),
)

_scale = pl.pallas_call(
    _scale_body,
    grid=(NP // _BM,),
    in_specs=[
        pl.BlockSpec((_BM, D), lambda i: (i, 0)),
        pl.BlockSpec((1, NW, 2, _BM), lambda i: (i, 0, 0, 0)),
    ],
    out_specs=[pl.BlockSpec((_BM, D // 2), lambda i: (i, 0)),
               pl.BlockSpec((_BM, D // 2), lambda i: (i, 0))],
    out_shape=[jax.ShapeDtypeStruct((NP, D // 2), jnp.float32),
               jax.ShapeDtypeStruct((NP, D // 2), jnp.float32)],
)

_finalize = pl.pallas_call(
    _finalize_body,
    grid=(NP // _BM,),
    in_specs=[
        pl.BlockSpec((NC, _BM, D), lambda i: (0, i, 0)),
        pl.BlockSpec((1, NW, 2, _BM), lambda i: (i, 0, 0, 0)),
    ],
    out_specs=pl.BlockSpec((_BM, D), lambda i: (i, 0)),
    out_shape=jax.ShapeDtypeStruct((N, D), jnp.float32),
)


def kernel(x, hyperedge_index, W):
    pad = N + (jnp.arange(EPAD, dtype=jnp.int32) % (NP - N))
    he = jnp.concatenate(
        [hyperedge_index, jnp.stack([pad, pad])], axis=1
    ).reshape(2, NW, CH, K)
    degs = _degrees_sc(he)
    mm = _matmul(x, W)
    sc0, sc1 = _scale(mm, degs)
    (acc,) = _aggregate_sc(sc0, sc1, he)
    return _finalize(acc, degs)

# --- scband reference (transcript-rebuilt; emitter-appended) ---
"""Pipeline reference for scband-hypergraph-conv-34454227648547 (READ-ONLY COPY).

The authoritative reference and input builder live on the scoring server;
editing this copy changes nothing except your own understanding.
"""

import jax, jax.numpy as jnp
import numpy as np

N_NODES = 10000
N_INCID = 320000
D_IN = 128
D_OUT = 128


def setup_inputs(seed: int = 0) -> dict:
    key = jax.random.key(seed)
    k1, k2, k3 = jax.random.split(key, 3)
    x = jax.random.normal(k1, (N_NODES, D_IN), dtype=jnp.float32)
    hyperedge_index = jax.random.randint(k2, (2, N_INCID), 0, N_NODES, dtype=jnp.int32)
    # xavier_uniform for weight [in_features, out_features]
    bound = float(np.sqrt(6.0 / (D_IN + D_OUT)))
    W = jax.random.uniform(k3, (D_IN, D_OUT), minval=-bound, maxval=bound, dtype=jnp.float32)
    return {"x": x, "hyperedge_index": hyperedge_index, "W": W}


def reference(x, hyperedge_index, W):
    num_nodes = x.shape[0]
    num_edges = hyperedge_index.shape[1]  # number of incidence entries
    hyperedge_weight = jnp.ones((num_edges,), dtype=jnp.float32)
    row0 = hyperedge_index[0]
    row1 = hyperedge_index[1]
    # degree computations (bincount with minlength semantics)
    node_degrees = jnp.bincount(row0, length=num_nodes).astype(jnp.float32)
    edge_degrees = jnp.bincount(row1, length=num_edges).astype(jnp.float32)
    node_deg_inv_sqrt = node_degrees ** (-0.5)
    edge_deg_inv = 1.0 / (edge_degrees + 1e-05)
    norm = node_deg_inv_sqrt[row0] * edge_deg_inv[row1]
    # dense transform
    out = x @ W
    # sparse COO (rows=row0, cols=row1, vals=norm*weight) times out; duplicates sum
    vals = norm * hyperedge_weight
    gathered = out[row1] * vals[:, None]
    sparse_out = jax.ops.segment_sum(gathered, row0, num_segments=num_nodes)
    return sparse_out

if __name__ == "__main__":
    import jax
    _d = setup_inputs()
    print(jax.jit(kernel)(*tuple(_d.values())))

</pallas_src>

<mosaic_0001>
#map = affine_map<(d0) -> (0, 0)>
#map1 = affine_map<(d0) -> (0, 0, 0, 0)>
#map2 = affine_map<(d0) -> (0, 0, 0)>
#map3 = affine_map<(d0, d1) -> (0, 0)>
#map4 = affine_map<(d0, d1) -> (0, 0, 0, 0)>
#map5 = affine_map<(d0, d1) -> (0, 0, 0)>
module attributes {stable_mosaic.version = 14 : i64} {
  func.func @_agg_scs(%arg0: i32, %arg1: memref<10240x64xf32, #tpu.memory_space<hbm>>, %arg2: memref<10240x64xf32, #tpu.memory_space<hbm>>, %arg3: memref<2x32x79x128xi32, #tpu.memory_space<hbm>>, %arg4: memref<2x10240x128xf32, #tpu.memory_space<hbm>>, %arg5: memref<79x128xi32, #tpu.memory_space<vmem, sc_vector_subcore>>, %arg6: memref<79x128xi32, #tpu.memory_space<vmem, sc_vector_subcore>>, %arg7: memref<6x128x64xf32, #tpu.memory_space<vmem, sc_vector_subcore>>, %arg8: memref<128x64xf32, #tpu.memory_space<vmem, sc_vector_subcore>>, %arg9: memref<10240x64xf32, #tpu.memory_space<vmem_shared>>) attributes {dimension_semantics = [#tpu.dimension_semantics<core_parallel>], iteration_bounds = array<i64: 2>, scalar_prefetch = 0 : i64, scratch_operands = 5 : i64, tpu.core_type = #tpu.core_type<sc_scalar_subcore>, window_params = [{transform_indices = #map}, {transform_indices = #map}, {transform_indices = #map1}, {transform_indices = #map2}]} {
    return
  }
  func.func @_agg_tec(%arg0: i32, %arg1: i32, %arg2: memref<10240x64xf32, #tpu.memory_space<hbm>>, %arg3: memref<10240x64xf32, #tpu.memory_space<hbm>>, %arg4: memref<2x32x79x128xi32, #tpu.memory_space<hbm>>, %arg5: memref<2x10240x128xf32, #tpu.memory_space<hbm>>, %arg6: memref<79x128xi32, #tpu.memory_space<vmem>>, %arg7: memref<79x128xi32, #tpu.memory_space<vmem>>, %arg8: memref<6x128x64xf32, #tpu.memory_space<vmem>>, %arg9: memref<128x64xf32, #tpu.memory_space<vmem>>, %arg10: memref<10240x64xf32, #tpu.memory_space<vmem_shared>>) attributes {dimension_semantics = [#tpu.dimension_semantics<core_parallel>, #tpu.dimension_semantics<subcore_parallel>], iteration_bounds = array<i64: 2, 16>, scalar_prefetch = 0 : i64, scratch_operands = 5 : i64, tpu.core_type = #tpu.core_type<sc_vector_subcore>, window_params = [{transform_indices = #map3}, {transform_indices = #map3}, {transform_indices = #map4}, {transform_indices = #map5}]} {
    "tpu.region"() ({
      %run_scoped3A = tpu.sem_alloc : memref<!tpu.dma_semaphore, #tpu.memory_space<semaphore_mem>>
      %run_scoped3A_0 = tpu.sem_alloc : memref<!tpu.dma_semaphore, #tpu.memory_space<semaphore_mem>>
      %run_scoped3A_1 = tpu.sem_alloc : memref<!tpu.dma_semaphore, #tpu.memory_space<semaphore_mem>>
      %run_scoped3A_2 = tpu.sem_alloc : memref<!tpu.dma_semaphore, #tpu.memory_space<semaphore_mem>>
      %run_scoped3A_3 = tpu.sem_alloc : memref<!tpu.dma_semaphore, #tpu.memory_space<semaphore_mem>>
      %run_scoped3A_4 = tpu.sem_alloc : memref<!tpu.dma_semaphore, #tpu.memory_space<semaphore_mem>>
      %mul3A = arith.constant 2 : i32
      %mul3A_5 = arith.muli %arg1, %mul3A : i32
      %add3A = arith.addi %mul3A_5, %arg0 : i32
      %scan3A = arith.constant 0 : i32
      %scan3A_6 = arith.constant 128 : i32
      %scan3A_7 = arith.addi %scan3A, %scan3A_6 : i32
      %scan3A_8 = arith.constant 1 : i32
      scf.for %scan3A_215 = %scan3A to %scan3A_7 step %scan3A_8  : i32 {
        %mul3A_216 = arith.constant 1 : i32
        %mul3A_217 = arith.muli %scan3A_215, %mul3A_216 : i32
        %add3A_218 = arith.constant 0 : i32
        %add3A_219 = arith.addi %add3A_218, %mul3A_217 : i32
        %scan3A_220 = arith.constant 0 : i32
        %scan3A_221 = arith.constant 4 : i32
        %scan3A_222 = arith.addi %scan3A_220, %scan3A_221 : i32
        %scan3A_223 = arith.constant 1 : i32
        scf.for %scan3A_225 = %scan3A_220 to %scan3A_222 step %scan3A_223  : i32 {
          %mul3A_226 = arith.constant 16 : i32
          %mul3A_227 = arith.muli %scan3A_225, %mul3A_226 : i32
          %add3A_228 = arith.constant 0 : i32
          %add3A_229 = arith.addi %add3A_228, %mul3A_227 : i32
          %broadcast_in_dim3A = arith.constant 0.000000e+00 : f32
          %broadcast_in_dim3A_230 = vector.broadcast %broadcast_in_dim3A : f32 to vector<16xf32>
          %swap3A = arith.index_cast %add3A_219 : i32 to index
          %swap3A_231 = arith.index_cast %add3A_229 : i32 to index
          %swap3A_232 = tpu.vector_load %arg9[%swap3A, %swap3A_231] {strides = array<i32>} : memref<128x64xf32, #tpu.memory_space<vmem>>, vector<1x16xf32>,
          %swap3A_233 = vector.shape_cast %swap3A_232 : vector<1x16xf32> to vector<16xf32>
          %swap3A_234 = vector.shape_cast %broadcast_in_dim3A_230 : vector<16xf32> to vector<1x16xf32>
          tpu.vector_store %arg9[%swap3A, %swap3A_231], %swap3A_234 {strides = array<i32>} : memref<128x64xf32, #tpu.memory_space<vmem>>, vector<1x16xf32>,
        }
        %scan3A_224 = arith.constant 4 : i32
      }
      %scan3A_9 = arith.constant 128 : i32
      %run_scoped3A_10 = arith.constant 0 : i32
      "tpu.region"() ({
        %run_scoped3A_215 = tpu.sem_alloc : memref<!tpu.dma_semaphore, #tpu.memory_space<semaphore_mem>>
        %dma_start3A_216 = arith.constant 0 : i32
        %dma_start3A_217 = arith.constant 0 : i32
        %dma_start3A_218 = tpu.memref_slice %arg4[%run_scoped3A_10, %add3A, %dma_start3A_216, %dma_start3A_217] : memref<2x32x79x128xi32, #tpu.memory_space<hbm>> -> memref<1x1x79x128xi32, #tpu.memory_space<hbm>>
        %dma_start3A_219 = tpu.memref_squeeze %dma_start3A_218 : memref<1x1x79x128xi32, #tpu.memory_space<hbm>> -> memref<79x128xi32, #tpu.memory_space<hbm>>
        %dma_start3A_220 = arith.constant 0 : i32
        %dma_start3A_221 = arith.constant 0 : i32
        %dma_start3A_222 = tpu.memref_slice %arg4[%run_scoped3A_10, %add3A, %dma_start3A_220, %dma_start3A_221] : memref<2x32x79x128xi32, #tpu.memory_space<hbm>> -> memref<1x1x79x128xi32, #tpu.memory_space<hbm>>
        %dma_start3A_223 = tpu.memref_squeeze %dma_start3A_222 : memref<1x1x79x128xi32, #tpu.memory_space<hbm>> -> memref<79x128xi32, #tpu.memory_space<hbm>>
        tpu.enqueue_dma source(%dma_start3A_223 : memref<79x128xi32, #tpu.memory_space<hbm>>) target(%arg6 : memref<79x128xi32, #tpu.memory_space<vmem>>) target_semaphore(%run_scoped3A_215 : memref<!tpu.dma_semaphore, #tpu.memory_space<semaphore_mem>>)
        %dma_wait3A_224 = arith.constant 0 : i32
        %dma_wait3A_225 = arith.constant 0 : i32
        %dma_wait3A_226 = tpu.memref_slice %arg4[%run_scoped3A_10, %add3A, %dma_wait3A_224, %dma_wait3A_225] : memref<2x32x79x128xi32, #tpu.memory_space<hbm>> -> memref<1x1x79x128xi32, #tpu.memory_space<hbm>>
        %dma_wait3A_227 = tpu.memref_squeeze %dma_wait3A_226 : memref<1x1x79x128xi32, #tpu.memory_space<hbm>> -> memref<79x128xi32, #tpu.memory_space<hbm>>
        %dma_wait3A_228 = arith.constant 0 : i32
        %dma_wait3A_229 = arith.constant 0 : i32
        %dma_wait3A_230 = tpu.memref_slice %arg4[%run_scoped3A_10, %add3A, %dma_wait3A_228, %dma_wait3A_229] : memref<2x32x79x128xi32, #tpu.memory_space<hbm>> -> memref<1x1x79x128xi32, #tpu.memory_space<hbm>>
        %dma_wait3A_231 = tpu.memref_squeeze %dma_wait3A_230 : memref<1x1x79x128xi32, #tpu.memory_space<hbm>> -> memref<79x128xi32, #tpu.memory_space<hbm>>
        tpu.wait_dma2 semaphore(%run_scoped3A_215 : memref<!tpu.dma_semaphore, #tpu.memory_space<semaphore_mem>>) src(%dma_wait3A_231 : memref<79x128xi32, #tpu.memory_space<hbm>>) dst(%arg6 : memref<79x128xi32, #tpu.memory_space<vmem>>)
        tpu.yield
      }) : () -> ()
      %run_scoped3A_11 = arith.constant 1 : i32
      "tpu.region"() ({
        %run_scoped3A_215 = tpu.sem_alloc : memref<!tpu.dma_semaphore, #tpu.memory_space<semaphore_mem>>
        %dma_start3A_216 = arith.constant 0 : i32
        %dma_start3A_217 = arith.constant 0 : i32
        %dma_start3A_218 = tpu.memref_slice %arg4[%run_scoped3A_11, %add3A, %dma_start3A_216, %dma_start3A_217] : memref<2x32x79x128xi32, #tpu.memory_space<hbm>> -> memref<1x1x79x128xi32, #tpu.memory_space<hbm>>
        %dma_start3A_219 = tpu.memref_squeeze %dma_start3A_218 : memref<1x1x79x128xi32, #tpu.memory_space<hbm>> -> memref<79x128xi32, #tpu.memory_space<hbm>>
        %dma_start3A_220 = arith.constant 0 : i32
        %dma_start3A_221 = arith.constant 0 : i32
        %dma_start3A_222 = tpu.memref_slice %arg4[%run_scoped3A_11, %add3A, %dma_start3A_220, %dma_start3A_221] : memref<2x32x79x128xi32, #tpu.memory_space<hbm>> -> memref<1x1x79x128xi32, #tpu.memory_space<hbm>>
        %dma_start3A_223 = tpu.memref_squeeze %dma_start3A_222 : memref<1x1x79x128xi32, #tpu.memory_space<hbm>> -> memref<79x128xi32, #tpu.memory_space<hbm>>
        tpu.enqueue_dma source(%dma_start3A_223 : memref<79x128xi32, #tpu.memory_space<hbm>>) target(%arg7 : memref<79x128xi32, #tpu.memory_space<vmem>>) target_semaphore(%run_scoped3A_215 : memref<!tpu.dma_semaphore, #tpu.memory_space<semaphore_mem>>)
        %dma_wait3A_224 = arith.constant 0 : i32
        %dma_wait3A_225 = arith.constant 0 : i32
        %dma_wait3A_226 = tpu.memref_slice %arg4[%run_scoped3A_11, %add3A, %dma_wait3A_224, %dma_wait3A_225] : memref<2x32x79x128xi32, #tpu.memory_space<hbm>> -> memref<1x1x79x128xi32, #tpu.memory_space<hbm>>
        %dma_wait3A_227 = tpu.memref_squeeze %dma_wait3A_226 : memref<1x1x79x128xi32, #tpu.memory_space<hbm>> -> memref<79x128xi32, #tpu.memory_space<hbm>>
        %dma_wait3A_228 = arith.constant 0 : i32
        %dma_wait3A_229 = arith.constant 0 : i32
        %dma_wait3A_230 = tpu.memref_slice %arg4[%run_scoped3A_11, %add3A, %dma_wait3A_228, %dma_wait3A_229] : memref<2x32x79x128xi32, #tpu.memory_space<hbm>> -> memref<1x1x79x128xi32, #tpu.memory_space<hbm>>
        %dma_wait3A_231 = tpu.memref_squeeze %dma_wait3A_230 : memref<1x1x79x128xi32, #tpu.memory_space<hbm>> -> memref<79x128xi32, #tpu.memory_space<hbm>>
        tpu.wait_dma2 semaphore(%run_scoped3A_215 : memref<!tpu.dma_semaphore, #tpu.memory_space<semaphore_mem>>) src(%dma_wait3A_231 : memref<79x128xi32, #tpu.memory_space<hbm>>) dst(%arg7 : memref<79x128xi32, #tpu.memory_space<vmem>>)
        tpu.yield
      }) : () -> ()
      %scan3A_12 = arith.constant 0 : i32
      %scan3A_13 = arith.constant 5 : i32
      %scan3A_14 = arith.addi %scan3A_12, %scan3A_13 : i32
      %scan3A_15 = arith.constant 1 : i32
      scf.for %scan3A_215 = %scan3A_12 to %scan3A_14 step %scan3A_15  : i32 {
        %mul3A_216 = arith.constant 1 : i32
        %mul3A_217 = arith.muli %scan3A_215, %mul3A_216 : i32
        %add3A_218 = arith.constant 0 : i32
        %add3A_219 = arith.addi %add3A_218, %mul3A_217 : i32
        %mul3A_220 = arith.constant 640 : i32
        %mul3A_221 = arith.muli %arg1, %mul3A_220 : i32
        %mul3A_222 = arith.constant 128 : i32
        %mul3A_223 = arith.muli %add3A_219, %mul3A_222 : i32
        %add3A_224 = arith.addi %mul3A_221, %mul3A_223 : i32
        "tpu.region"() ({
          %run_scoped3A_225 = tpu.sem_alloc : memref<!tpu.dma_semaphore, #tpu.memory_space<semaphore_mem>>
          %dma_start3A_226 = arith.constant 0 : i32
          %dma_start3A_227 = tpu.memref_slice %arg10[%add3A_224, %dma_start3A_226] : memref<10240x64xf32, #tpu.memory_space<vmem_shared>> -> memref<128x64xf32, #tpu.memory_space<vmem_shared>>
          %dma_start3A_228 = arith.constant 0 : i32
          %dma_start3A_229 = tpu.memref_slice %arg10[%add3A_224, %dma_start3A_228] : memref<10240x64xf32, #tpu.memory_space<vmem_shared>> -> memref<128x64xf32, #tpu.memory_space<vmem_shared>>
          tpu.enqueue_dma source(%arg9 : memref<128x64xf32, #tpu.memory_space<vmem>>) target(%dma_start3A_229 : memref<128x64xf32, #tpu.memory_space<vmem_shared>>) target_semaphore(%run_scoped3A_225 : memref<!tpu.dma_semaphore, #tpu.memory_space<semaphore_mem>>)
          %dma_wait3A_230 = arith.constant 0 : i32
          %dma_wait3A_231 = tpu.memref_slice %arg10[%add3A_224, %dma_wait3A_230] : memref<10240x64xf32, #tpu.memory_space<vmem_shared>> -> memref<128x64xf32, #tpu.memory_space<vmem_shared>>
          %dma_wait3A_232 = arith.constant 0 : i32
          %dma_wait3A_233 = tpu.memref_slice %arg10[%add3A_224, %dma_wait3A_232] : memref<10240x64xf32, #tpu.memory_space<vmem_shared>> -> memref<128x64xf32, #tpu.memory_space<vmem_shared>>
          tpu.wait_dma2 semaphore(%run_scoped3A_225 : memref<!tpu.dma_semaphore, #tpu.memory_space<semaphore_mem>>) src(%arg9 : memref<128x64xf32, #tpu.memory_space<vmem>>) dst(%dma_wait3A_233 : memref<128x64xf32, #tpu.memory_space<vmem_shared>>)
          tpu.yield
        }) : () -> ()
      }
      %scan3A_16 = arith.constant 5 : i32
      %barrier3A = arith.constant 0 : index
      tpu.barrier barrier_id(%barrier3A)
      %dma_start3A = arith.constant 0 : i32
      %dma_start3A_17 = arith.constant 0 : i32
      %dma_start3A_18 = arith.constant 0 : i32
      %dma_start3A_19 = arith.constant 0 : i32
      %dma_start3A_20 = tpu.memref_slice %arg8[%dma_start3A_17, %dma_start3A_18, %dma_start3A_19] : memref<6x128x64xf32, #tpu.memory_space<vmem>> -> memref<1x128x64xf32, #tpu.memory_space<vmem>>
      %dma_start3A_21 = tpu.memref_squeeze %dma_start3A_20 : memref<1x128x64xf32, #tpu.memory_space<vmem>> -> memref<128x64xf32, #tpu.memory_space<vmem>>
      %dma_start3A_22 = arith.constant 0 : i32
      %dma_start3A_23 = tpu.memref_slice %arg7[%dma_start3A, %dma_start3A_22] : memref<79x128xi32, #tpu.memory_space<vmem>> -> memref<1x128xi32, #tpu.memory_space<vmem>>
      %dma_start3A_24 = tpu.memref_squeeze %dma_start3A_23 : memref<1x128xi32, #tpu.memory_space<vmem>> -> memref<128xi32, #tpu.memory_space<vmem>>
      %dma_start3A_25 = arith.constant 0 : i32
      %dma_start3A_26 = arith.constant 0 : i32
      %dma_start3A_27 = tpu.memref_slice %arg2[%dma_start3A_25, %dma_start3A_26] : memref<10240x64xf32, #tpu.memory_space<hbm>> -> memref<10240x64xf32, #tpu.memory_space<hbm>>
      tpu.enqueue_indirect_dma source(%dma_start3A_27 : memref<10240x64xf32, #tpu.memory_space<hbm>>) target(%dma_start3A_21 : memref<128x64xf32, #tpu.memory_space<vmem>>) offsets(%dma_start3A_24 : memref<128xi32, #tpu.memory_space<vmem>>) semaphore(%run_scoped3A : memref<!tpu.dma_semaphore, #tpu.memory_space<semaphore_mem>>)
      %dma_start3A_28 = arith.constant 1 : i32
      %dma_start3A_29 = arith.constant 1 : i32
      %dma_start3A_30 = arith.constant 0 : i32
      %dma_start3A_31 = arith.constant 0 : i32
      %dma_start3A_32 = tpu.memref_slice %arg8[%dma_start3A_29, %dma_start3A_30, %dma_start3A_31] : memref<6x128x64xf32, #tpu.memory_space<vmem>> -> memref<1x128x64xf32, #tpu.memory_space<vmem>>
      %dma_start3A_33 = tpu.memref_squeeze %dma_start3A_32 : memref<1x128x64xf32, #tpu.memory_space<vmem>> -> memref<128x64xf32, #tpu.memory_space<vmem>>
      %dma_start3A_34 = arith.constant 0 : i32
      %dma_start3A_35 = tpu.memref_slice %arg7[%dma_start3A_28, %dma_start3A_34] : memref<79x128xi32, #tpu.memory_space<vmem>> -> memref<1x128xi32, #tpu.memory_space<vmem>>
      %dma_start3A_36 = tpu.memref_squeeze %dma_start3A_35 : memref<1x128xi32, #tpu.memory_space<vmem>> -> memref<128xi32, #tpu.memory_space<vmem>>
      %dma_start3A_37 = arith.constant 0 : i32
      %dma_start3A_38 = arith.constant 0 : i32
      %dma_start3A_39 = tpu.memref_slice %arg2[%dma_start3A_37, %dma_start3A_38] : memref<10240x64xf32, #tpu.memory_space<hbm>> -> memref<10240x64xf32, #tpu.memory_space<hbm>>
      tpu.enqueue_indirect_dma source(%dma_start3A_39 : memref<10240x64xf32, #tpu.memory_space<hbm>>) target(%dma_start3A_33 : memref<128x64xf32, #tpu.memory_space<vmem>>) offsets(%dma_start3A_36 : memref<128xi32, #tpu.memory_space<vmem>>) semaphore(%run_scoped3A_0 : memref<!tpu.dma_semaphore, #tpu.memory_space<semaphore_mem>>)
      %dma_start3A_40 = arith.constant 2 : i32
      %dma_start3A_41 = arith.constant 2 : i32
      %dma_start3A_42 = arith.constant 0 : i32
      %dma_start3A_43 = arith.constant 0 : i32
      %dma_start3A_44 = tpu.memref_slice %arg8[%dma_start3A_41, %dma_start3A_42, %dma_start3A_43] : memref<6x128x64xf32, #tpu.memory_space<vmem>> -> memref<1x128x64xf32, #tpu.memory_space<vmem>>
      %dma_start3A_45 = tpu.memref_squeeze %dma_start3A_44 : memref<1x128x64xf32, #tpu.memory_space<vmem>> -> memref<128x64xf32, #tpu.memory_space<vmem>>
      %dma_start3A_46 = arith.constant 0 : i32
      %dma_start3A_47 = tpu.memref_slice %arg7[%dma_start3A_40, %dma_start3A_46] : memref<79x128xi32, #tpu.memory_space<vmem>> -> memref<1x128xi32, #tpu.memory_space<vmem>>
      %dma_start3A_48 = tpu.memref_squeeze %dma_start3A_47 : memref<1x128xi32, #tpu.memory_space<vmem>> -> memref<128xi32, #tpu.memory_space<vmem>>
      %dma_start3A_49 = arith.constant 0 : i32
      %dma_start3A_50 = arith.constant 0 : i32
      %dma_start3A_51 = tpu.memref_slice %arg2[%dma_start3A_49, %dma_start3A_50] : memref<10240x64xf32, #tpu.memory_space<hbm>> -> memref<10240x64xf32, #tpu.memory_space<hbm>>
      tpu.enqueue_indirect_dma source(%dma_start3A_51 : memref<10240x64xf32, #tpu.memory_space<hbm>>) target(%dma_start3A_45 : memref<128x64xf32, #tpu.memory_space<vmem>>) offsets(%dma_start3A_48 : memref<128xi32, #tpu.memory_space<vmem>>) semaphore(%run_scoped3A_1 : memref<!tpu.dma_semaphore, #tpu.memory_space<semaphore_mem>>)
      %dma_start3A_52 = arith.constant 3 : i32
      %dma_start3A_53 = arith.constant 3 : i32
      %dma_start3A_54 = arith.constant 0 : i32
      %dma_start3A_55 = arith.constant 0 : i32
      %dma_start3A_56 = tpu.memref_slice %arg8[%dma_start3A_53, %dma_start3A_54, %dma_start3A_55] : memref<6x128x64xf32, #tpu.memory_space<vmem>> -> memref<1x128x64xf32, #tpu.memory_space<vmem>>
      %dma_start3A_57 = tpu.memref_squeeze %dma_start3A_56 : memref<1x128x64xf32, #tpu.memory_space<vmem>> -> memref<128x64xf32, #tpu.memory_space<vmem>>
      %dma_start3A_58 = arith.constant 0 : i32
      %dma_start3A_59 = tpu.memref_slice %arg7[%dma_start3A_52, %dma_start3A_58] : memref<79x128xi32, #tpu.memory_space<vmem>> -> memref<1x128xi32, #tpu.memory_space<vmem>>
      %dma_start3A_60 = tpu.memref_squeeze %dma_start3A_59 : memref<1x128xi32, #tpu.memory_space<vmem>> -> memref<128xi32, #tpu.memory_space<vmem>>
      %dma_start3A_61 = arith.constant 0 : i32
      %dma_start3A_62 = arith.constant 0 : i32
      %dma_start3A_63 = tpu.memref_slice %arg2[%dma_start3A_61, %dma_start3A_62] : memref<10240x64xf32, #tpu.memory_space<hbm>> -> memref<10240x64xf32, #tpu.memory_space<hbm>>
      tpu.enqueue_indirect_dma source(%dma_start3A_63 : memref<10240x64xf32, #tpu.memory_space<hbm>>) target(%dma_start3A_57 : memref<128x64xf32, #tpu.memory_space<vmem>>) offsets(%dma_start3A_60 : memref<128xi32, #tpu.memory_space<vmem>>) semaphore(%run_scoped3A_2 : memref<!tpu.dma_semaphore, #tpu.memory_space<semaphore_mem>>)
      %dma_start3A_64 = arith.constant 4 : i32
      %dma_start3A_65 = arith.constant 4 : i32
      %dma_start3A_66 = arith.constant 0 : i32
      %dma_start3A_67 = arith.constant 0 : i32
      %dma_start3A_68 = tpu.memref_slice %arg8[%dma_start3A_65, %dma_start3A_66, %dma_start3A_67] : memref<6x128x64xf32, #tpu.memory_space<vmem>> -> memref<1x128x64xf32, #tpu.memory_space<vmem>>
      %dma_start3A_69 = tpu.memref_squeeze %dma_start3A_68 : memref<1x128x64xf32, #tpu.memory_space<vmem>> -> memref<128x64xf32, #tpu.memory_space<vmem>>
      %dma_start3A_70 = arith.constant 0 : i32
      %dma_start3A_71 = tpu.memref_slice %arg7[%dma_start3A_64, %dma_start3A_70] : memref<79x128xi32, #tpu.memory_space<vmem>> -> memref<1x128xi32, #tpu.memory_space<vmem>>
      %dma_start3A_72 = tpu.memref_squeeze %dma_start3A_71 : memref<1x128xi32, #tpu.memory_space<vmem>> -> memref<128xi32, #tpu.memory_space<vmem>>
      %dma_start3A_73 = arith.constant 0 : i32
      %dma_start3A_74 = arith.constant 0 : i32
      %dma_start3A_75 = tpu.memref_slice %arg2[%dma_start3A_73, %dma_start3A_74] : memref<10240x64xf32, #tpu.memory_space<hbm>> -> memref<10240x64xf32, #tpu.memory_space<hbm>>
      tpu.enqueue_indirect_dma source(%dma_start3A_75 : memref<10240x64xf32, #tpu.memory_space<hbm>>) target(%dma_start3A_69 : memref<128x64xf32, #tpu.memory_space<vmem>>) offsets(%dma_start3A_72 : memref<128xi32, #tpu.memory_space<vmem>>) semaphore(%run_scoped3A_3 : memref<!tpu.dma_semaphore, #tpu.memory_space<semaphore_mem>>)
      %dma_start3A_76 = arith.constant 5 : i32
      %dma_start3A_77 = arith.constant 5 : i32
      %dma_start3A_78 = arith.constant 0 : i32
      %dma_start3A_79 = arith.constant 0 : i32
      %dma_start3A_80 = tpu.memref_slice %arg8[%dma_start3A_77, %dma_start3A_78, %dma_start3A_79] : memref<6x128x64xf32, #tpu.memory_space<vmem>> -> memref<1x128x64xf32, #tpu.memory_space<vmem>>
      %dma_start3A_81 = tpu.memref_squeeze %dma_start3A_80 : memref<1x128x64xf32, #tpu.memory_space<vmem>> -> memref<128x64xf32, #tpu.memory_space<vmem>>
      %dma_start3A_82 = arith.constant 0 : i32
      %dma_start3A_83 = tpu.memref_slice %arg7[%dma_start3A_76, %dma_start3A_82] : memref<79x128xi32, #tpu.memory_space<vmem>> -> memref<1x128xi32, #tpu.memory_space<vmem>>
      %dma_start3A_84 = tpu.memref_squeeze %dma_start3A_83 : memref<1x128xi32, #tpu.memory_space<vmem>> -> memref<128xi32, #tpu.memory_space<vmem>>
      %dma_start3A_85 = arith.constant 0 : i32
      %dma_start3A_86 = arith.constant 0 : i32
      %dma_start3A_87 = tpu.memref_slice %arg2[%dma_start3A_85, %dma_start3A_86] : memref<10240x64xf32, #tpu.memory_space<hbm>> -> memref<10240x64xf32, #tpu.memory_space<hbm>>
      tpu.enqueue_indirect_dma source(%dma_start3A_87 : memref<10240x64xf32, #tpu.memory_space<hbm>>) target(%dma_start3A_81 : memref<128x64xf32, #tpu.memory_space<vmem>>) offsets(%dma_start3A_84 : memref<128xi32, #tpu.memory_space<vmem>>) semaphore(%run_scoped3A_4 : memref<!tpu.dma_semaphore, #tpu.memory_space<semaphore_mem>>)
      %scan3A_88 = arith.constant 0 : i32
      %scan3A_89 = arith.constant 13 : i32
      %scan3A_90 = arith.addi %scan3A_88, %scan3A_89 : i32
      %scan3A_91 = arith.constant 1 : i32
      scf.for %scan3A_215 = %scan3A_88 to %scan3A_90 step %scan3A_91  : i32 {
        %mul3A_216 = arith.constant 6 : i32
        %mul3A_217 = arith.muli %scan3A_215, %mul3A_216 : i32
        %add3A_218 = arith.constant 0 : i32
        %add3A_219 = arith.addi %add3A_218, %mul3A_217 : i32
        %add3A_220 = arith.constant 0 : i32
        %add3A_221 = arith.addi %add3A_219, %add3A_220 : i32
        %dma_wait3A_222 = arith.constant 0 : i32
        %dma_wait3A_223 = arith.constant 0 : i32
        %dma_wait3A_224 = arith.constant 0 : i32
        %dma_wait3A_225 = tpu.memref_slice %arg8[%dma_wait3A_222, %dma_wait3A_223, %dma_wait3A_224] : memref<6x128x64xf32, #tpu.memory_space<vmem>> -> memref<1x128x64xf32, #tpu.memory_space<vmem>>
        %dma_wait3A_226 = tpu.memref_squeeze %dma_wait3A_225 : memref<1x128x64xf32, #tpu.memory_space<vmem>> -> memref<128x64xf32, #tpu.memory_space<vmem>>
        %dma_wait3A_227 = arith.constant 0 : i32
        %dma_wait3A_228 = tpu.memref_slice %arg7[%add3A_221, %dma_wait3A_227] : memref<79x128xi32, #tpu.memory_space<vmem>> -> memref<1x128xi32, #tpu.memory_space<vmem>>
        %dma_wait3A_229 = tpu.memref_squeeze %dma_wait3A_228 : memref<1x128xi32, #tpu.memory_space<vmem>> -> memref<128xi32, #tpu.memory_space<vmem>>
        %dma_wait3A_230 = arith.constant 0 : i32
        %dma_wait3A_231 = arith.constant 0 : i32
        %dma_wait3A_232 = tpu.memref_slice %arg2[%dma_wait3A_230, %dma_wait3A_231] : memref<10240x64xf32, #tpu.memory_space<hbm>> -> memref<10240x64xf32, #tpu.memory_space<hbm>>
        tpu.wait_indirect_dma semaphore(%run_scoped3A : memref<!tpu.dma_semaphore, #tpu.memory_space<semaphore_mem>>) src(%dma_wait3A_232 : memref<10240x64xf32, #tpu.memory_space<hbm>>) dst(%dma_wait3A_226 : memref<128x64xf32, #tpu.memory_space<vmem>>)
        %run_scoped3A_233 = arith.constant 0 : i32
        "tpu.region"() ({
          %run_scoped3A_343 = tpu.sem_alloc : memref<!tpu.dma_semaphore, #tpu.memory_space<semaphore_mem>>
          %dma_start3A_344 = arith.constant 0 : i32
          %dma_start3A_345 = arith.constant 0 : i32
          %dma_start3A_346 = tpu.memref_slice %arg8[%run_scoped3A_233, %dma_start3A_344, %dma_start3A_345] : memref<6x128x64xf32, #tpu.memory_space<vmem>> -> memref<1x128x64xf32, #tpu.memory_space<vmem>>
          %dma_start3A_347 = tpu.memref_squeeze %dma_start3A_346 : memref<1x128x64xf32, #tpu.memory_space<vmem>> -> memref<128x64xf32, #tpu.memory_space<vmem>>
          %dma_start3A_348 = arith.constant 0 : i32
          %dma_start3A_349 = tpu.memref_slice %arg6[%add3A_221, %dma_start3A_348] : memref<79x128xi32, #tpu.memory_space<vmem>> -> memref<1x128xi32, #tpu.memory_space<vmem>>
          %dma_start3A_350 = tpu.memref_squeeze %dma_start3A_349 : memref<1x128xi32, #tpu.memory_space<vmem>> -> memref<128xi32, #tpu.memory_space<vmem>>
          %dma_start3A_351 = arith.constant 0 : i32
          %dma_start3A_352 = arith.constant 0 : i32
          %dma_start3A_353 = tpu.memref_slice %arg10[%dma_start3A_351, %dma_start3A_352] : memref<10240x64xf32, #tpu.memory_space<vmem_shared>> -> memref<10240x64xf32, #tpu.memory_space<vmem_shared>>
          tpu.enqueue_indirect_dma source(%dma_start3A_347 : memref<128x64xf32, #tpu.memory_space<vmem>>) target(%dma_start3A_353 : memref<10240x64xf32, #tpu.memory_space<vmem_shared>>) offsets(%dma_start3A_350 : memref<128xi32, #tpu.memory_space<vmem>>) semaphore(%run_scoped3A_343 : memref<!tpu.dma_semaphore, #tpu.memory_space<semaphore_mem>>) {add = true}
          %dma_wait3A_354 = arith.constant 0 : i32
          %dma_wait3A_355 = arith.constant 0 : i32
          %dma_wait3A_356 = tpu.memref_slice %arg8[%run_scoped3A_233, %dma_wait3A_354, %dma_wait3A_355] : memref<6x128x64xf32, #tpu.memory_space<vmem>> -> memref<1x128x64xf32, #tpu.memory_space<vmem>>
          %dma_wait3A_357 = tpu.memref_squeeze %dma_wait3A_356 : memref<1x128x64xf32, #tpu.memory_space<vmem>> -> memref<128x64xf32, #tpu.memory_space<vmem>>
          %dma_wait3A_358 = arith.constant 0 : i32
          %dma_wait3A_359 = tpu.memref_slice %arg6[%add3A_221, %dma_wait3A_358] : memref<79x128xi32, #tpu.memory_space<vmem>> -> memref<1x128xi32, #tpu.memory_space<vmem>>
          %dma_wait3A_360 = tpu.memref_squeeze %dma_wait3A_359 : memref<1x128xi32, #tpu.memory_space<vmem>> -> memref<128xi32, #tpu.memory_space<vmem>>
          %dma_wait3A_361 = arith.constant 0 : i32
          %dma_wait3A_362 = arith.constant 0 : i32
          %dma_wait3A_363 = tpu.memref_slice %arg10[%dma_wait3A_361, %dma_wait3A_362] : memref<10240x64xf32, #tpu.memory_space<vmem_shared>> -> memref<10240x64xf32, #tpu.memory_space<vmem_shared>>
          tpu.wait_indirect_dma semaphore(%run_scoped3A_343 : memref<!tpu.dma_semaphore, #tpu.memory_space<semaphore_mem>>) src(%dma_wait3A_357 : memref<128x64xf32, #tpu.memory_space<vmem>>) dst(%dma_wait3A_363 : memref<10240x64xf32, #tpu.memory_space<vmem_shared>>)
          tpu.yield
        }) : () -> ()
        %add3A_234 = arith.constant 6 : i32
        %add3A_235 = arith.addi %add3A_221, %add3A_234 : i32
        %lt3A = arith.constant 79 : i32
        %lt3A_236 = arith.cmpi slt, %add3A_235, %lt3A : i32
        %convert_element_type3A = arith.extui %lt3A_236 : i1 to i32
        %cond3A = arith.constant 0 : i32
        %cond3A_237 = arith.cmpi ne, %convert_element_type3A, %cond3A : i32
        scf.if %cond3A_237 {
          %add3A_343 = arith.constant 6 : i32
          %add3A_344 = arith.addi %add3A_221, %add3A_343 : i32
          %dma_start3A_345 = arith.constant 0 : i32
          %dma_start3A_346 = arith.constant 0 : i32
          %dma_start3A_347 = arith.constant 0 : i32
          %dma_start3A_348 = tpu.memref_slice %arg8[%dma_start3A_345, %dma_start3A_346, %dma_start3A_347] : memref<6x128x64xf32, #tpu.memory_space<vmem>> -> memref<1x128x64xf32, #tpu.memory_space<vmem>>
          %dma_start3A_349 = tpu.memref_squeeze %dma_start3A_348 : memref<1x128x64xf32, #tpu.memory_space<vmem>> -> memref<128x64xf32, #tpu.memory_space<vmem>>
          %dma_start3A_350 = arith.constant 0 : i32
          %dma_start3A_351 = tpu.memref_slice %arg7[%add3A_344, %dma_start3A_350] : memref<79x128xi32, #tpu.memory_space<vmem>> -> memref<1x128xi32, #tpu.memory_space<vmem>>
          %dma_start3A_352 = tpu.memref_squeeze %dma_start3A_351 : memref<1x128xi32, #tpu.memory_space<vmem>> -> memref<128xi32, #tpu.memory_space<vmem>>
          %dma_start3A_353 = arith.constant 0 : i32
          %dma_start3A_354 = arith.constant 0 : i32
          %dma_start3A_355 = tpu.memref_slice %arg2[%dma_start3A_353, %dma_start3A_354] : memref<10240x64xf32, #tpu.memory_space<hbm>> -> memref<10240x64xf32, #tpu.memory_space<hbm>>
          tpu.enqueue_indirect_dma source(%dma_start3A_355 : memref<10240x64xf32, #tpu.memory_space<hbm>>) target(%dma_start3A_349 : memref<128x64xf32, #tpu.memory_space<vmem>>) offsets(%dma_start3A_352 : memref<128xi32, #tpu.memory_space<vmem>>) semaphore(%run_scoped3A : memref<!tpu.dma_semaphore, #tpu.memory_space<semaphore_mem>>)
        } else {
        }
        %add3A_238 = arith.constant 1 : i32
        %add3A_239 = arith.addi %add3A_219, %add3A_238 : i32
        %dma_wait3A_240 = arith.constant 1 : i32
        %dma_wait3A_241 = arith.constant 0 : i32
        %dma_wait3A_242 = arith.constant 0 : i32
        %dma_wait3A_243 = tpu.memref_slice %arg8[%dma_wait3A_240, %dma_wait3A_241, %dma_wait3A_242] : memref<6x128x64xf32, #tpu.memory_space<vmem>> -> memref<1x128x64xf32, #tpu.memory_space<vmem>>
        %dma_wait3A_244 = tpu.memref_squeeze %dma_wait3A_243 : memref<1x128x64xf32, #tpu.memory_space<vmem>> -> memref<128x64xf32, #tpu.memory_space<vmem>>
        %dma_wait3A_245 = arith.constant 0 : i32
        %dma_wait3A_246 = tpu.memref_slice %arg7[%add3A_239, %dma_wait3A_245] : memref<79x128xi32, #tpu.memory_space<vmem>> -> memref<1x128xi32, #tpu.memory_space<vmem>>
        %dma_wait3A_247 = tpu.memref_squeeze %dma_wait3A_246 : memref<1x128xi32, #tpu.memory_space<vmem>> -> memref<128xi32, #tpu.memory_space<vmem>>
        %dma_wait3A_248 = arith.constant 0 : i32
        %dma_wait3A_249 = arith.constant 0 : i32
        %dma_wait3A_250 = tpu.memref_slice %arg2[%dma_wait3A_248, %dma_wait3A_249] : memref<10240x64xf32, #tpu.memory_space<hbm>> -> memref<10240x64xf32, #tpu.memory_space<hbm>>
        tpu.wait_indirect_dma semaphore(%run_scoped3A_0 : memref<!tpu.dma_semaphore, #tpu.memory_space<semaphore_mem>>) src(%dma_wait3A_250 : memref<10240x64xf32, #tpu.memory_space<hbm>>) dst(%dma_wait3A_244 : memref<128x64xf32, #tpu.memory_space<vmem>>)
        %run_scoped3A_251 = arith.constant 1 : i32
        "tpu.region"() ({
          %run_scoped3A_343 = tpu.sem_alloc : memref<!tpu.dma_semaphore, #tpu.memory_space<semaphore_mem>>
          %dma_start3A_344 = arith.constant 0 : i32
          %dma_start3A_345 = arith.constant 0 : i32
          %dma_start3A_346 = tpu.memref_slice %arg8[%run_scoped3A_251, %dma_start3A_344, %dma_start3A_345] : memref<6x128x64xf32, #tpu.memory_space<vmem>> -> memref<1x128x64xf32, #tpu.memory_space<vmem>>
          %dma_start3A_347 = tpu.memref_squeeze %dma_start3A_346 : memref<1x128x64xf32, #tpu.memory_space<vmem>> -> memref<128x64xf32, #tpu.memory_space<vmem>>
          %dma_start3A_348 = arith.constant 0 : i32
          %dma_start3A_349 = tpu.memref_slice %arg6[%add3A_239, %dma_start3A_348] : memref<79x128xi32, #tpu.memory_space<vmem>> -> memref<1x128xi32, #tpu.memory_space<vmem>>
          %dma_start3A_350 = tpu.memref_squeeze %dma_start3A_349 : memref<1x128xi32, #tpu.memory_space<vmem>> -> memref<128xi32, #tpu.memory_space<vmem>>
          %dma_start3A_351 = arith.constant 0 : i32
          %dma_start3A_352 = arith.constant 0 : i32
          %dma_start3A_353 = tpu.memref_slice %arg10[%dma_start3A_351, %dma_start3A_352] : memref<10240x64xf32, #tpu.memory_space<vmem_shared>> -> memref<10240x64xf32, #tpu.memory_space<vmem_shared>>
          tpu.enqueue_indirect_dma source(%dma_start3A_347 : memref<128x64xf32, #tpu.memory_space<vmem>>) target(%dma_start3A_353 : memref<10240x64xf32, #tpu.memory_space<vmem_shared>>) offsets(%dma_start3A_350 : memref<128xi32, #tpu.memory_space<vmem>>) semaphore(%run_scoped3A_343 : memref<!tpu.dma_semaphore, #tpu.memory_space<semaphore_mem>>) {add = true}
          %dma_wait3A_354 = arith.constant 0 : i32
          %dma_wait3A_355 = arith.constant 0 : i32
          %dma_wait3A_356 = tpu.memref_slice %arg8[%run_scoped3A_251, %dma_wait3A_354, %dma_wait3A_355] : memref<6x128x64xf32, #tpu.memory_space<vmem>> -> memref<1x128x64xf32, #tpu.memory_space<vmem>>
          %dma_wait3A_357 = tpu.memref_squeeze %dma_wait3A_356 : memref<1x128x64xf32, #tpu.memory_space<vmem>> -> memref<128x64xf32, #tpu.memory_space<vmem>>
          %dma_wait3A_358 = arith.constant 0 : i32
          %dma_wait3A_359 = tpu.memref_slice %arg6[%add3A_239, %dma_wait3A_358] : memref<79x128xi32, #tpu.memory_space<vmem>> -> memref<1x128xi32, #tpu.memory_space<vmem>>
          %dma_wait3A_360 = tpu.memref_squeeze %dma_wait3A_359 : memref<1x128xi32, #tpu.memory_space<vmem>> -> memref<128xi32, #tpu.memory_space<vmem>>
          %dma_wait3A_361 = arith.constant 0 : i32
          %dma_wait3A_362 = arith.constant 0 : i32
          %dma_wait3A_363 = tpu.memref_slice %arg10[%dma_wait3A_361, %dma_wait3A_362] : memref<10240x64xf32, #tpu.memory_space<vmem_shared>> -> memref<10240x64xf32, #tpu.memory_space<vmem_shared>>
          tpu.wait_indirect_dma semaphore(%run_scoped3A_343 : memref<!tpu.dma_semaphore, #tpu.memory_space<semaphore_mem>>) src(%dma_wait3A_357 : memref<128x64xf32, #tpu.memory_space<vmem>>) dst(%dma_wait3A_363 : memref<10240x64xf32, #tpu.memory_space<vmem_shared>>)
          tpu.yield
        }) : () -> ()
        %add3A_252 = arith.constant 6 : i32
        %add3A_253 = arith.addi %add3A_239, %add3A_252 : i32
        %lt3A_254 = arith.constant 79 : i32
        %lt3A_255 = arith.cmpi slt, %add3A_253, %lt3A_254 : i32
        %convert_element_type3A_256 = arith.extui %lt3A_255 : i1 to i32
        %cond3A_257 = arith.constant 0 : i32
        %cond3A_258 = arith.cmpi ne, %convert_element_type3A_256, %cond3A_257 : i32
        scf.if %cond3A_258 {
          %add3A_343 = arith.constant 6 : i32
          %add3A_344 = arith.addi %add3A_239, %add3A_343 : i32
          %dma_start3A_345 = arith.constant 1 : i32
          %dma_start3A_346 = arith.constant 0 : i32
          %dma_start3A_347 = arith.constant 0 : i32
          %dma_start3A_348 = tpu.memref_slice %arg8[%dma_start3A_345, %dma_start3A_346, %dma_start3A_347] : memref<6x128x64xf32, #tpu.memory_space<vmem>> -> memref<1x128x64xf32, #tpu.memory_space<vmem>>
          %dma_start3A_349 = tpu.memref_squeeze %dma_start3A_348 : memref<1x128x64xf32, #tpu.memory_space<vmem>> -> memref<128x64xf32, #tpu.memory_space<vmem>>
          %dma_start3A_350 = arith.constant 0 : i32
          %dma_start3A_351 = tpu.memref_slice %arg7[%add3A_344, %dma_start3A_350] : memref<79x128xi32, #tpu.memory_space<vmem>> -> memref<1x128xi32, #tpu.memory_space<vmem>>
          %dma_start3A_352 = tpu.memref_squeeze %dma_start3A_351 : memref<1x128xi32, #tpu.memory_space<vmem>> -> memref<128xi32, #tpu.memory_space<vmem>>
          %dma_start3A_353 = arith.constant 0 : i32
          %dma_start3A_354 = arith.constant 0 : i32
          %dma_start3A_355 = tpu.memref_slice %arg2[%dma_start3A_353, %dma_start3A_354] : memref<10240x64xf32, #tpu.memory_space<hbm>> -> memref<10240x64xf32, #tpu.memory_space<hbm>>
          tpu.enqueue_indirect_dma source(%dma_start3A_355 : memref<10240x64xf32, #tpu.memory_space<hbm>>) target(%dma_start3A_349 : memref<128x64xf32, #tpu.memory_space<vmem>>) offsets(%dma_start3A_352 : memref<128xi32, #tpu.memory_space<vmem>>) semaphore(%run_scoped3A_0 : memref<!tpu.dma_semaphore, #tpu.memory_space<semaphore_mem>>)
        } else {
        }
        %add3A_259 = arith.constant 2 : i32
        %add3A_260 = arith.addi %add3A_219, %add3A_259 : i32
        %dma_wait3A_261 = arith.constant 2 : i32
        %dma_wait3A_262 = arith.constant 0 : i32
        %dma_wait3A_263 = arith.constant 0 : i32
        %dma_wait3A_264 = tpu.memref_slice %arg8[%dma_wait3A_261, %dma_wait3A_262, %dma_wait3A_263] : memref<6x128x64xf32, #tpu.memory_space<vmem>> -> memref<1x128x64xf32, #tpu.memory_space<vmem>>
        %dma_wait3A_265 = tpu.memref_squeeze %dma_wait3A_264 : memref<1x128x64xf32, #tpu.memory_space<vmem>> -> memref<128x64xf32, #tpu.memory_space<vmem>>
        %dma_wait3A_266 = arith.constant 0 : i32
        %dma_wait3A_267 = tpu.memref_slice %arg7[%add3A_260, %dma_wait3A_266] : memref<79x128xi32, #tpu.memory_space<vmem>> -> memref<1x128xi32, #tpu.memory_space<vmem>>
        %dma_wait3A_268 = tpu.memref_squeeze %dma_wait3A_267 : memref<1x128xi32, #tpu.memory_space<vmem>> -> memref<128xi32, #tpu.memory_space<vmem>>
        %dma_wait3A_269 = arith.constant 0 : i32
        %dma_wait3A_270 = arith.constant 0 : i32
        %dma_wait3A_271 = tpu.memref_slice %arg2[%dma_wait3A_269, %dma_wait3A_270] : memref<10240x64xf32, #tpu.memory_space<hbm>> -> memref<10240x64xf32, #tpu.memory_space<hbm>>
        tpu.wait_indirect_dma semaphore(%run_scoped3A_1 : memref<!tpu.dma_semaphore, #tpu.memory_space<semaphore_mem>>) src(%dma_wait3A_271 : memref<10240x64xf32, #tpu.memory_space<hbm>>) dst(%dma_wait3A_265 : memref<128x64xf32, #tpu.memory_space<vmem>>)
        %run_scoped3A_272 = arith.constant 2 : i32
        "tpu.region"() ({
          %run_scoped3A_343 = tpu.sem_alloc : memref<!tpu.dma_semaphore, #tpu.memory_space<semaphore_mem>>
          %dma_start3A_344 = arith.constant 0 : i32
          %dma_start3A_345 = arith.constant 0 : i32
          %dma_start3A_346 = tpu.memref_slice %arg8[%run_scoped3A_272, %dma_start3A_344, %dma_start3A_345] : memref<6x128x64xf32, #tpu.memory_space<vmem>> -> memref<1x128x64xf32, #tpu.memory_space<vmem>>
          %dma_start3A_347 = tpu.memref_squeeze %dma_start3A_346 : memref<1x128x64xf32, #tpu.memory_space<vmem>> -> memref<128x64xf32, #tpu.memory_space<vmem>>
          %dma_start3A_348 = arith.constant 0 : i32
          %dma_start3A_349 = tpu.memref_slice %arg6[%add3A_260, %dma_start3A_348] : memref<79x128xi32, #tpu.memory_space<vmem>> -> memref<1x128xi32, #tpu.memory_space<vmem>>
          %dma_start3A_350 = tpu.memref_squeeze %dma_start3A_349 : memref<1x128xi32, #tpu.memory_space<vmem>> -> memref<128xi32, #tpu.memory_space<vmem>>
          %dma_start3A_351 = arith.constant 0 : i32
          %dma_start3A_352 = arith.constant 0 : i32
          %dma_start3A_353 = tpu.memref_slice %arg10[%dma_start3A_351, %dma_start3A_352] : memref<10240x64xf32, #tpu.memory_space<vmem_shared>> -> memref<10240x64xf32, #tpu.memory_space<vmem_shared>>
          tpu.enqueue_indirect_dma source(%dma_start3A_347 : memref<128x64xf32, #tpu.memory_space<vmem>>) target(%dma_start3A_353 : memref<10240x64xf32, #tpu.memory_space<vmem_shared>>) offsets(%dma_start3A_350 : memref<128xi32, #tpu.memory_space<vmem>>) semaphore(%run_scoped3A_343 : memref<!tpu.dma_semaphore, #tpu.memory_space<semaphore_mem>>) {add = true}
          %dma_wait3A_354 = arith.constant 0 : i32
          %dma_wait3A_355 = arith.constant 0 : i32
          %dma_wait3A_356 = tpu.memref_slice %arg8[%run_scoped3A_272, %dma_wait3A_354, %dma_wait3A_355] : memref<6x128x64xf32, #tpu.memory_space<vmem>> -> memref<1x128x64xf32, #tpu.memory_space<vmem>>
          %dma_wait3A_357 = tpu.memref_squeeze %dma_wait3A_356 : memref<1x128x64xf32, #tpu.memory_space<vmem>> -> memref<128x64xf32, #tpu.memory_space<vmem>>
          %dma_wait3A_358 = arith.constant 0 : i32
          %dma_wait3A_359 = tpu.memref_slice %arg6[%add3A_260, %dma_wait3A_358] : memref<79x128xi32, #tpu.memory_space<vmem>> -> memref<1x128xi32, #tpu.memory_space<vmem>>
          %dma_wait3A_360 = tpu.memref_squeeze %dma_wait3A_359 : memref<1x128xi32, #tpu.memory_space<vmem>> -> memref<128xi32, #tpu.memory_space<vmem>>
          %dma_wait3A_361 = arith.constant 0 : i32
          %dma_wait3A_362 = arith.constant 0 : i32
          %dma_wait3A_363 = tpu.memref_slice %arg10[%dma_wait3A_361, %dma_wait3A_362] : memref<10240x64xf32, #tpu.memory_space<vmem_shared>> -> memref<10240x64xf32, #tpu.memory_space<vmem_shared>>
          tpu.wait_indirect_dma semaphore(%run_scoped3A_343 : memref<!tpu.dma_semaphore, #tpu.memory_space<semaphore_mem>>) src(%dma_wait3A_357 : memref<128x64xf32, #tpu.memory_space<vmem>>) dst(%dma_wait3A_363 : memref<10240x64xf32, #tpu.memory_space<vmem_shared>>)
          tpu.yield
        }) : () -> ()
        %add3A_273 = arith.constant 6 : i32
        %add3A_274 = arith.addi %add3A_260, %add3A_273 : i32
        %lt3A_275 = arith.constant 79 : i32
        %lt3A_276 = arith.cmpi slt, %add3A_274, %lt3A_275 : i32
        %convert_element_type3A_277 = arith.extui %lt3A_276 : i1 to i32
        %cond3A_278 = arith.constant 0 : i32
        %cond3A_279 = arith.cmpi ne, %convert_element_type3A_277, %cond3A_278 : i32
        scf.if %cond3A_279 {
          %add3A_343 = arith.constant 6 : i32
          %add3A_344 = arith.addi %add3A_260, %add3A_343 : i32
          %dma_start3A_345 = arith.constant 2 : i32
          %dma_start3A_346 = arith.constant 0 : i32
          %dma_start3A_347 = arith.constant 0 : i32
          %dma_start3A_348 = tpu.memref_slice %arg8[%dma_start3A_345, %dma_start3A_346, %dma_start3A_347] : memref<6x128x64xf32, #tpu.memory_space<vmem>> -> memref<1x128x64xf32, #tpu.memory_space<vmem>>
          %dma_start3A_349 = tpu.memref_squeeze %dma_start3A_348 : memref<1x128x64xf32, #tpu.memory_space<vmem>> -> memref<128x64xf32, #tpu.memory_space<vmem>>
          %dma_start3A_350 = arith.constant 0 : i32
          %dma_start3A_351 = tpu.memref_slice %arg7[%add3A_344, %dma_start3A_350] : memref<79x128xi32, #tpu.memory_space<vmem>> -> memref<1x128xi32, #tpu.memory_space<vmem>>
          %dma_start3A_352 = tpu.memref_squeeze %dma_start3A_351 : memref<1x128xi32, #tpu.memory_space<vmem>> -> memref<128xi32, #tpu.memory_space<vmem>>
          %dma_start3A_353 = arith.constant 0 : i32
          %dma_start3A_354 = arith.constant 0 : i32
          %dma_start3A_355 = tpu.memref_slice %arg2[%dma_start3A_353, %dma_start3A_354] : memref<10240x64xf32, #tpu.memory_space<hbm>> -> memref<10240x64xf32, #tpu.memory_space<hbm>>
          tpu.enqueue_indirect_dma source(%dma_start3A_355 : memref<10240x64xf32, #tpu.memory_space<hbm>>) target(%dma_start3A_349 : memref<128x64xf32, #tpu.memory_space<vmem>>) offsets(%dma_start3A_352 : memref<128xi32, #tpu.memory_space<vmem>>) semaphore(%run_scoped3A_1 : memref<!tpu.dma_semaphore, #tpu.memory_space<semaphore_mem>>)
        } else {
        }
        %add3A_280 = arith.constant 3 : i32
        %add3A_281 = arith.addi %add3A_219, %add3A_280 : i32
        %dma_wait3A_282 = arith.constant 3 : i32
        %dma_wait3A_283 = arith.constant 0 : i32
        %dma_wait3A_284 = arith.constant 0 : i32
        %dma_wait3A_285 = tpu.memref_slice %arg8[%dma_wait3A_282, %dma_wait3A_283, %dma_wait3A_284] : memref<6x128x64xf32, #tpu.memory_space<vmem>> -> memref<1x128x64xf32, #tpu.memory_space<vmem>>
        %dma_wait3A_286 = tpu.memref_squeeze %dma_wait3A_285 : memref<1x128x64xf32, #tpu.memory_space<vmem>> -> memref<128x64xf32, #tpu.memory_space<vmem>>
        %dma_wait3A_287 = arith.constant 0 : i32
        %dma_wait3A_288 = tpu.memref_slice %arg7[%add3A_281, %dma_wait3A_287] : memref<79x128xi32, #tpu.memory_space<vmem>> -> memref<1x128xi32, #tpu.memory_space<vmem>>
        %dma_wait3A_289 = tpu.memref_squeeze %dma_wait3A_288 : memref<1x128xi32, #tpu.memory_space<vmem>> -> memref<128xi32, #tpu.memory_space<vmem>>
        %dma_wait3A_290 = arith.constant 0 : i32
        %dma_wait3A_291 = arith.constant 0 : i32
        %dma_wait3A_292 = tpu.memref_slice %arg2[%dma_wait3A_290, %dma_wait3A_291] : memref<10240x64xf32, #tpu.memory_space<hbm>> -> memref<10240x64xf32, #tpu.memory_space<hbm>>
        tpu.wait_indirect_dma semaphore(%run_scoped3A_2 : memref<!tpu.dma_semaphore, #tpu.memory_space<semaphore_mem>>) src(%dma_wait3A_292 : memref<10240x64xf32, #tpu.memory_space<hbm>>) dst(%dma_wait3A_286 : memref<128x64xf32, #tpu.memory_space<vmem>>)
        %run_scoped3A_293 = arith.constant 3 : i32
        "tpu.region"() ({
          %run_scoped3A_343 = tpu.sem_alloc : memref<!tpu.dma_semaphore, #tpu.memory_space<semaphore_mem>>
          %dma_start3A_344 = arith.constant 0 : i32
          %dma_start3A_345 = arith.constant 0 : i32
          %dma_start3A_346 = tpu.memref_slice %arg8[%run_scoped3A_293, %dma_start3A_344, %dma_start3A_345] : memref<6x128x64xf32, #tpu.memory_space<vmem>> -> memref<1x128x64xf32, #tpu.memory_space<vmem>>
          %dma_start3A_347 = tpu.memref_squeeze %dma_start3A_346 : memref<1x128x64xf32, #tpu.memory_space<vmem>> -> memref<128x64xf32, #tpu.memory_space<vmem>>
          %dma_start3A_348 = arith.constant 0 : i32
          %dma_start3A_349 = tpu.memref_slice %arg6[%add3A_281, %dma_start3A_348] : memref<79x128xi32, #tpu.memory_space<vmem>> -> memref<1x128xi32, #tpu.memory_space<vmem>>
          %dma_start3A_350 = tpu.memref_squeeze %dma_start3A_349 : memref<1x128xi32, #tpu.memory_space<vmem>> -> memref<128xi32, #tpu.memory_space<vmem>>
          %dma_start3A_351 = arith.constant 0 : i32
          %dma_start3A_352 = arith.constant 0 : i32
          %dma_start3A_353 = tpu.memref_slice %arg10[%dma_start3A_351, %dma_start3A_352] : memref<10240x64xf32, #tpu.memory_space<vmem_shared>> -> memref<10240x64xf32, #tpu.memory_space<vmem_shared>>
          tpu.enqueue_indirect_dma source(%dma_start3A_347 : memref<128x64xf32, #tpu.memory_space<vmem>>) target(%dma_start3A_353 : memref<10240x64xf32, #tpu.memory_space<vmem_shared>>) offsets(%dma_start3A_350 : memref<128xi32, #tpu.memory_space<vmem>>) semaphore(%run_scoped3A_343 : memref<!tpu.dma_semaphore, #tpu.memory_space<semaphore_mem>>) {add = true}
          %dma_wait3A_354 = arith.constant 0 : i32
          %dma_wait3A_355 = arith.constant 0 : i32
          %dma_wait3A_356 = tpu.memref_slice %arg8[%run_scoped3A_293, %dma_wait3A_354, %dma_wait3A_355] : memref<6x128x64xf32, #tpu.memory_space<vmem>> -> memref<1x128x64xf32, #tpu.memory_space<vmem>>
          %dma_wait3A_357 = tpu.memref_squeeze %dma_wait3A_356 : memref<1x128x64xf32, #tpu.memory_space<vmem>> -> memref<128x64xf32, #tpu.memory_space<vmem>>
          %dma_wait3A_358 = arith.constant 0 : i32
          %dma_wait3A_359 = tpu.memref_slice %arg6[%add3A_281, %dma_wait3A_358] : memref<79x128xi32, #tpu.memory_space<vmem>> -> memref<1x128xi32, #tpu.memory_space<vmem>>
          %dma_wait3A_360 = tpu.memref_squeeze %dma_wait3A_359 : memref<1x128xi32, #tpu.memory_space<vmem>> -> memref<128xi32, #tpu.memory_space<vmem>>
          %dma_wait3A_361 = arith.constant 0 : i32
          %dma_wait3A_362 = arith.constant 0 : i32
          %dma_wait3A_363 = tpu.memref_slice %arg10[%dma_wait3A_361, %dma_wait3A_362] : memref<10240x64xf32, #tpu.memory_space<vmem_shared>> -> memref<10240x64xf32, #tpu.memory_space<vmem_shared>>
          tpu.wait_indirect_dma semaphore(%run_scoped3A_343 : memref<!tpu.dma_semaphore, #tpu.memory_space<semaphore_mem>>) src(%dma_wait3A_357 : memref<128x64xf32, #tpu.memory_space<vmem>>) dst(%dma_wait3A_363 : memref<10240x64xf32, #tpu.memory_space<vmem_shared>>)
          tpu.yield
        }) : () -> ()
        %add3A_294 = arith.constant 6 : i32
        %add3A_295 = arith.addi %add3A_281, %add3A_294 : i32
        %lt3A_296 = arith.constant 79 : i32
        %lt3A_297 = arith.cmpi slt, %add3A_295, %lt3A_296 : i32
        %convert_element_type3A_298 = arith.extui %lt3A_297 : i1 to i32
        %cond3A_299 = arith.constant 0 : i32
        %cond3A_300 = arith.cmpi ne, %convert_element_type3A_298, %cond3A_299 : i32
        scf.if %cond3A_300 {
          %add3A_343 = arith.constant 6 : i32
          %add3A_344 = arith.addi %add3A_281, %add3A_343 : i32
          %dma_start3A_345 = arith.constant 3 : i32
          %dma_start3A_346 = arith.constant 0 : i32
          %dma_start3A_347 = arith.constant 0 : i32
          %dma_start3A_348 = tpu.memref_slice %arg8[%dma_start3A_345, %dma_start3A_346, %dma_start3A_347] : memref<6x128x64xf32, #tpu.memory_space<vmem>> -> memref<1x128x64xf32, #tpu.memory_space<vmem>>
          %dma_start3A_349 = tpu.memref_squeeze %dma_start3A_348 : memref<1x128x64xf32, #tpu.memory_space<vmem>> -> memref<128x64xf32, #tpu.memory_space<vmem>>
          %dma_start3A_350 = arith.constant 0 : i32
          %dma_start3A_351 = tpu.memref_slice %arg7[%add3A_344, %dma_start3A_350] : memref<79x128xi32, #tpu.memory_space<vmem>> -> memref<1x128xi32, #tpu.memory_space<vmem>>
          %dma_start3A_352 = tpu.memref_squeeze %dma_start3A_351 : memref<1x128xi32, #tpu.memory_space<vmem>> -> memref<128xi32, #tpu.memory_space<vmem>>
          %dma_start3A_353 = arith.constant 0 : i32
          %dma_start3A_354 = arith.constant 0 : i32
          %dma_start3A_355 = tpu.memref_slice %arg2[%dma_start3A_353, %dma_start3A_354] : memref<10240x64xf32, #tpu.memory_space<hbm>> -> memref<10240x64xf32, #tpu.memory_space<hbm>>
          tpu.enqueue_indirect_dma source(%dma_start3A_355 : memref<10240x64xf32, #tpu.memory_space<hbm>>) target(%dma_start3A_349 : memref<128x64xf32, #tpu.memory_space<vmem>>) offsets(%dma_start3A_352 : memref<128xi32, #tpu.memory_space<vmem>>) semaphore(%run_scoped3A_2 : memref<!tpu.dma_semaphore, #tpu.memory_space<semaphore_mem>>)
        } else {
        }
        %add3A_301 = arith.constant 4 : i32
        %add3A_302 = arith.addi %add3A_219, %add3A_301 : i32
        %dma_wait3A_303 = arith.constant 4 : i32
        %dma_wait3A_304 = arith.constant 0 : i32
        %dma_wait3A_305 = arith.constant 0 : i32
        %dma_wait3A_306 = tpu.memref_slice %arg8[%dma_wait3A_303, %dma_wait3A_304, %dma_wait3A_305] : memref<6x128x64xf32, #tpu.memory_space<vmem>> -> memref<1x128x64xf32, #tpu.memory_space<vmem>>
        %dma_wait3A_307 = tpu.memref_squeeze %dma_wait3A_306 : memref<1x128x64xf32, #tpu.memory_space<vmem>> -> memref<128x64xf32, #tpu.memory_space<vmem>>
        %dma_wait3A_308 = arith.constant 0 : i32
        %dma_wait3A_309 = tpu.memref_slice %arg7[%add3A_302, %dma_wait3A_308] : memref<79x128xi32, #tpu.memory_space<vmem>> -> memref<1x128xi32, #tpu.memory_space<vmem>>
        %dma_wait3A_310 = tpu.memref_squeeze %dma_wait3A_309 : memref<1x128xi32, #tpu.memory_space<vmem>> -> memref<128xi32, #tpu.memory_space<vmem>>
        %dma_wait3A_311 = arith.constant 0 : i32
        %dma_wait3A_312 = arith.constant 0 : i32
        %dma_wait3A_313 = tpu.memref_slice %arg2[%dma_wait3A_311, %dma_wait3A_312] : memref<10240x64xf32, #tpu.memory_space<hbm>> -> memref<10240x64xf32, #tpu.memory_space<hbm>>
        tpu.wait_indirect_dma semaphore(%run_scoped3A_3 : memref<!tpu.dma_semaphore, #tpu.memory_space<semaphore_mem>>) src(%dma_wait3A_313 : memref<10240x64xf32, #tpu.memory_space<hbm>>) dst(%dma_wait3A_307 : memref<128x64xf32, #tpu.memory_space<vmem>>)
        %run_scoped3A_314 = arith.constant 4 : i32
        "tpu.region"() ({
          %run_scoped3A_343 = tpu.sem_alloc : memref<!tpu.dma_semaphore, #tpu.memory_space<semaphore_mem>>
          %dma_start3A_344 = arith.constant 0 : i32
          %dma_start3A_345 = arith.constant 0 : i32
          %dma_start3A_346 = tpu.memref_slice %arg8[%run_scoped3A_314, %dma_start3A_344, %dma_start3A_345] : memref<6x128x64xf32, #tpu.memory_space<vmem>> -> memref<1x128x64xf32, #tpu.memory_space<vmem>>
          %dma_start3A_347 = tpu.memref_squeeze %dma_start3A_346 : memref<1x128x64xf32, #tpu.memory_space<vmem>> -> memref<128x64xf32, #tpu.memory_space<vmem>>
          %dma_start3A_348 = arith.constant 0 : i32
          %dma_start3A_349 = tpu.memref_slice %arg6[%add3A_302, %dma_start3A_348] : memref<79x128xi32, #tpu.memory_space<vmem>> -> memref<1x128xi32, #tpu.memory_space<vmem>>
          %dma_start3A_350 = tpu.memref_squeeze %dma_start3A_349 : memref<1x128xi32, #tpu.memory_space<vmem>> -> memref<128xi32, #tpu.memory_space<vmem>>
          %dma_start3A_351 = arith.constant 0 : i32
          %dma_start3A_352 = arith.constant 0 : i32
          %dma_start3A_353 = tpu.memref_slice %arg10[%dma_start3A_351, %dma_start3A_352] : memref<10240x64xf32, #tpu.memory_space<vmem_shared>> -> memref<10240x64xf32, #tpu.memory_space<vmem_shared>>
          tpu.enqueue_indirect_dma source(%dma_start3A_347 : memref<128x64xf32, #tpu.memory_space<vmem>>) target(%dma_start3A_353 : memref<10240x64xf32, #tpu.memory_space<vmem_shared>>) offsets(%dma_start3A_350 : memref<128xi32, #tpu.memory_space<vmem>>) semaphore(%run_scoped3A_343 : memref<!tpu.dma_semaphore, #tpu.memory_space<semaphore_mem>>) {add = true}
          %dma_wait3A_354 = arith.constant 0 : i32
          %dma_wait3A_355 = arith.constant 0 : i32
          %dma_wait3A_356 = tpu.memref_slice %arg8[%run_scoped3A_314, %dma_wait3A_354, %dma_wait3A_355] : memref<6x128x64xf32, #tpu.memory_space<vmem>> -> memref<1x128x64xf32, #tpu.memory_space<vmem>>
          %dma_wait3A_357 = tpu.memref_squeeze %dma_wait3A_356 : memref<1x128x64xf32, #tpu.memory_space<vmem>> -> memref<128x64xf32, #tpu.memory_space<vmem>>
          %dma_wait3A_358 = arith.constant 0 : i32
          %dma_wait3A_359 = tpu.memref_slice %arg6[%add3A_302, %dma_wait3A_358] : memref<79x128xi32, #tpu.memory_space<vmem>> -> memref<1x128xi32, #tpu.memory_space<vmem>>
          %dma_wait3A_360 = tpu.memref_squeeze %dma_wait3A_359 : memref<1x128xi32, #tpu.memory_space<vmem>> -> memref<128xi32, #tpu.memory_space<vmem>>
          %dma_wait3A_361 = arith.constant 0 : i32
          %dma_wait3A_362 = arith.constant 0 : i32
          %dma_wait3A_363 = tpu.memref_slice %arg10[%dma_wait3A_361, %dma_wait3A_362] : memref<10240x64xf32, #tpu.memory_space<vmem_shared>> -> memref<10240x64xf32, #tpu.memory_space<vmem_shared>>
          tpu.wait_indirect_dma semaphore(%run_scoped3A_343 : memref<!tpu.dma_semaphore, #tpu.memory_space<semaphore_mem>>) src(%dma_wait3A_357 : memref<128x64xf32, #tpu.memory_space<vmem>>) dst(%dma_wait3A_363 : memref<10240x64xf32, #tpu.memory_space<vmem_shared>>)
          tpu.yield
        }) : () -> ()
        %add3A_315 = arith.constant 6 : i32
        %add3A_316 = arith.addi %add3A_302, %add3A_315 : i32
        %lt3A_317 = arith.constant 79 : i32
        %lt3A_318 = arith.cmpi slt, %add3A_316, %lt3A_317 : i32
        %convert_element_type3A_319 = arith.extui %lt3A_318 : i1 to i32
        %cond3A_320 = arith.constant 0 : i32
        %cond3A_321 = arith.cmpi ne, %convert_element_type3A_319, %cond3A_320 : i32
        scf.if %cond3A_321 {
          %add3A_343 = arith.constant 6 : i32
          %add3A_344 = arith.addi %add3A_302, %add3A_343 : i32
          %dma_start3A_345 = arith.constant 4 : i32
          %dma_start3A_346 = arith.constant 0 : i32
          %dma_start3A_347 = arith.constant 0 : i32
          %dma_start3A_348 = tpu.memref_slice %arg8[%dma_start3A_345, %dma_start3A_346, %dma_start3A_347] : memref<6x128x64xf32, #tpu.memory_space<vmem>> -> memref<1x128x64xf32, #tpu.memory_space<vmem>>
          %dma_start3A_349 = tpu.memref_squeeze %dma_start3A_348 : memref<1x128x64xf32, #tpu.memory_space<vmem>> -> memref<128x64xf32, #tpu.memory_space<vmem>>
          %dma_start3A_350 = arith.constant 0 : i32
          %dma_start3A_351 = tpu.memref_slice %arg7[%add3A_344, %dma_start3A_350] : memref<79x128xi32, #tpu.memory_space<vmem>> -> memref<1x128xi32, #tpu.memory_space<vmem>>
          %dma_start3A_352 = tpu.memref_squeeze %dma_start3A_351 : memref<1x128xi32, #tpu.memory_space<vmem>> -> memref<128xi32, #tpu.memory_space<vmem>>
          %dma_start3A_353 = arith.constant 0 : i32
          %dma_start3A_354 = arith.constant 0 : i32
          %dma_start3A_355 = tpu.memref_slice %arg2[%dma_start3A_353, %dma_start3A_354] : memref<10240x64xf32, #tpu.memory_space<hbm>> -> memref<10240x64xf32, #tpu.memory_space<hbm>>
          tpu.enqueue_indirect_dma source(%dma_start3A_355 : memref<10240x64xf32, #tpu.memory_space<hbm>>) target(%dma_start3A_349 : memref<128x64xf32, #tpu.memory_space<vmem>>) offsets(%dma_start3A_352 : memref<128xi32, #tpu.memory_space<vmem>>) semaphore(%run_scoped3A_3 : memref<!tpu.dma_semaphore, #tpu.memory_space<semaphore_mem>>)
        } else {
        }
        %add3A_322 = arith.constant 5 : i32
        %add3A_323 = arith.addi %add3A_219, %add3A_322 : i32
        %dma_wait3A_324 = arith.constant 5 : i32
        %dma_wait3A_325 = arith.constant 0 : i32
        %dma_wait3A_326 = arith.constant 0 : i32
        %dma_wait3A_327 = tpu.memref_slice %arg8[%dma_wait3A_324, %dma_wait3A_325, %dma_wait3A_326] : memref<6x128x64xf32, #tpu.memory_space<vmem>> -> memref<1x128x64xf32, #tpu.memory_space<vmem>>
        %dma_wait3A_328 = tpu.memref_squeeze %dma_wait3A_327 : memref<1x128x64xf32, #tpu.memory_space<vmem>> -> memref<128x64xf32, #tpu.memory_space<vmem>>
        %dma_wait3A_329 = arith.constant 0 : i32
        %dma_wait3A_330 = tpu.memref_slice %arg7[%add3A_323, %dma_wait3A_329] : memref<79x128xi32, #tpu.memory_space<vmem>> -> memref<1x128xi32, #tpu.memory_space<vmem>>
        %dma_wait3A_331 = tpu.memref_squeeze %dma_wait3A_330 : memref<1x128xi32, #tpu.memory_space<vmem>> -> memref<128xi32, #tpu.memory_space<vmem>>
        %dma_wait3A_332 = arith.constant 0 : i32
        %dma_wait3A_333 = arith.constant 0 : i32
        %dma_wait3A_334 = tpu.memref_slice %arg2[%dma_wait3A_332, %dma_wait3A_333] : memref<10240x64xf32, #tpu.memory_space<hbm>> -> memref<10240x64xf32, #tpu.memory_space<hbm>>
        tpu.wait_indirect_dma semaphore(%run_scoped3A_4 : memref<!tpu.dma_semaphore, #tpu.memory_space<semaphore_mem>>) src(%dma_wait3A_334 : memref<10240x64xf32, #tpu.memory_space<hbm>>) dst(%dma_wait3A_328 : memref<128x64xf32, #tpu.memory_space<vmem>>)
        %run_scoped3A_335 = arith.constant 5 : i32
        "tpu.region"() ({
          %run_scoped3A_343 = tpu.sem_alloc : memref<!tpu.dma_semaphore, #tpu.memory_space<semaphore_mem>>
          %dma_start3A_344 = arith.constant 0 : i32
          %dma_start3A_345 = arith.constant 0 : i32
          %dma_start3A_346 = tpu.memref_slice %arg8[%run_scoped3A_335, %dma_start3A_344, %dma_start3A_345] : memref<6x128x64xf32, #tpu.memory_space<vmem>> -> memref<1x128x64xf32, #tpu.memory_space<vmem>>
          %dma_start3A_347 = tpu.memref_squeeze %dma_start3A_346 : memref<1x128x64xf32, #tpu.memory_space<vmem>> -> memref<128x64xf32, #tpu.memory_space<vmem>>
          %dma_start3A_348 = arith.constant 0 : i32
          %dma_start3A_349 = tpu.memref_slice %arg6[%add3A_323, %dma_start3A_348] : memref<79x128xi32, #tpu.memory_space<vmem>> -> memref<1x128xi32, #tpu.memory_space<vmem>>
          %dma_start3A_350 = tpu.memref_squeeze %dma_start3A_349 : memref<1x128xi32, #tpu.memory_space<vmem>> -> memref<128xi32, #tpu.memory_space<vmem>>
          %dma_start3A_351 = arith.constant 0 : i32
          %dma_start3A_352 = arith.constant 0 : i32
          %dma_start3A_353 = tpu.memref_slice %arg10[%dma_start3A_351, %dma_start3A_352] : memref<10240x64xf32, #tpu.memory_space<vmem_shared>> -> memref<10240x64xf32, #tpu.memory_space<vmem_shared>>
          tpu.enqueue_indirect_dma source(%dma_start3A_347 : memref<128x64xf32, #tpu.memory_space<vmem>>) target(%dma_start3A_353 : memref<10240x64xf32, #tpu.memory_space<vmem_shared>>) offsets(%dma_start3A_350 : memref<128xi32, #tpu.memory_space<vmem>>) semaphore(%run_scoped3A_343 : memref<!tpu.dma_semaphore, #tpu.memory_space<semaphore_mem>>) {add = true}
          %dma_wait3A_354 = arith.constant 0 : i32
          %dma_wait3A_355 = arith.constant 0 : i32
          %dma_wait3A_356 = tpu.memref_slice %arg8[%run_scoped3A_335, %dma_wait3A_354, %dma_wait3A_355] : memref<6x128x64xf32, #tpu.memory_space<vmem>> -> memref<1x128x64xf32, #tpu.memory_space<vmem>>
          %dma_wait3A_357 = tpu.memref_squeeze %dma_wait3A_356 : memref<1x128x64xf32, #tpu.memory_space<vmem>> -> memref<128x64xf32, #tpu.memory_space<vmem>>
          %dma_wait3A_358 = arith.constant 0 : i32
          %dma_wait3A_359 = tpu.memref_slice %arg6[%add3A_323, %dma_wait3A_358] : memref<79x128xi32, #tpu.memory_space<vmem>> -> memref<1x128xi32, #tpu.memory_space<vmem>>
          %dma_wait3A_360 = tpu.memref_squeeze %dma_wait3A_359 : memref<1x128xi32, #tpu.memory_space<vmem>> -> memref<128xi32, #tpu.memory_space<vmem>>
          %dma_wait3A_361 = arith.constant 0 : i32
          %dma_wait3A_362 = arith.constant 0 : i32
          %dma_wait3A_363 = tpu.memref_slice %arg10[%dma_wait3A_361, %dma_wait3A_362] : memref<10240x64xf32, #tpu.memory_space<vmem_shared>> -> memref<10240x64xf32, #tpu.memory_space<vmem_shared>>
          tpu.wait_indirect_dma semaphore(%run_scoped3A_343 : memref<!tpu.dma_semaphore, #tpu.memory_space<semaphore_mem>>) src(%dma_wait3A_357 : memref<128x64xf32, #tpu.memory_space<vmem>>) dst(%dma_wait3A_363 : memref<10240x64xf32, #tpu.memory_space<vmem_shared>>)
          tpu.yield
        }) : () -> ()
        %add3A_336 = arith.constant 6 : i32
        %add3A_337 = arith.addi %add3A_323, %add3A_336 : i32
        %lt3A_338 = arith.constant 79 : i32
        %lt3A_339 = arith.cmpi slt, %add3A_337, %lt3A_338 : i32
        %convert_element_type3A_340 = arith.extui %lt3A_339 : i1 to i32
        %cond3A_341 = arith.constant 0 : i32
        %cond3A_342 = arith.cmpi ne, %convert_element_type3A_340, %cond3A_341 : i32
        scf.if %cond3A_342 {
          %add3A_343 = arith.constant 6 : i32
          %add3A_344 = arith.addi %add3A_323, %add3A_343 : i32
          %dma_start3A_345 = arith.constant 5 : i32
          %dma_start3A_346 = arith.constant 0 : i32
          %dma_start3A_347 = arith.constant 0 : i32
          %dma_start3A_348 = tpu.memref_slice %arg8[%dma_start3A_345, %dma_start3A_346, %dma_start3A_347] : memref<6x128x64xf32, #tpu.memory_space<vmem>> -> memref<1x128x64xf32, #tpu.memory_space<vmem>>
          %dma_start3A_349 = tpu.memref_squeeze %dma_start3A_348 : memref<1x128x64xf32, #tpu.memory_space<vmem>> -> memref<128x64xf32, #tpu.memory_space<vmem>>
          %dma_start3A_350 = arith.constant 0 : i32
          %dma_start3A_351 = tpu.memref_slice %arg7[%add3A_344, %dma_start3A_350] : memref<79x128xi32, #tpu.memory_space<vmem>> -> memref<1x128xi32, #tpu.memory_space<vmem>>
          %dma_start3A_352 = tpu.memref_squeeze %dma_start3A_351 : memref<1x128xi32, #tpu.memory_space<vmem>> -> memref<128xi32, #tpu.memory_space<vmem>>
          %dma_start3A_353 = arith.constant 0 : i32
          %dma_start3A_354 = arith.constant 0 : i32
          %dma_start3A_355 = tpu.memref_slice %arg2[%dma_start3A_353, %dma_start3A_354] : memref<10240x64xf32, #tpu.memory_space<hbm>> -> memref<10240x64xf32, #tpu.memory_space<hbm>>
          tpu.enqueue_indirect_dma source(%dma_start3A_355 : memref<10240x64xf32, #tpu.memory_space<hbm>>) target(%dma_start3A_349 : memref<128x64xf32, #tpu.memory_space<vmem>>) offsets(%dma_start3A_352 : memref<128xi32, #tpu.memory_space<vmem>>) semaphore(%run_scoped3A_4 : memref<!tpu.dma_semaphore, #tpu.memory_space<semaphore_mem>>)
        } else {
        }
      }
      %scan3A_92 = arith.constant 13 : i32
      %dma_wait3A = arith.constant 78 : i32
      %dma_wait3A_93 = arith.constant 0 : i32
      %dma_wait3A_94 = arith.constant 0 : i32
      %dma_wait3A_95 = arith.constant 0 : i32
      %dma_wait3A_96 = tpu.memref_slice %arg8[%dma_wait3A_93, %dma_wait3A_94, %dma_wait3A_95] : memref<6x128x64xf32, #tpu.memory_space<vmem>> -> memref<1x128x64xf32, #tpu.memory_space<vmem>>
      %dma_wait3A_97 = tpu.memref_squeeze %dma_wait3A_96 : memref<1x128x64xf32, #tpu.memory_space<vmem>> -> memref<128x64xf32, #tpu.memory_space<vmem>>
      %dma_wait3A_98 = arith.constant 0 : i32
      %dma_wait3A_99 = tpu.memref_slice %arg7[%dma_wait3A, %dma_wait3A_98] : memref<79x128xi32, #tpu.memory_space<vmem>> -> memref<1x128xi32, #tpu.memory_space<vmem>>
      %dma_wait3A_100 = tpu.memref_squeeze %dma_wait3A_99 : memref<1x128xi32, #tpu.memory_space<vmem>> -> memref<128xi32, #tpu.memory_space<vmem>>
      %dma_wait3A_101 = arith.constant 0 : i32
      %dma_wait3A_102 = arith.constant 0 : i32
      %dma_wait3A_103 = tpu.memref_slice %arg2[%dma_wait3A_101, %dma_wait3A_102] : memref<10240x64xf32, #tpu.memory_space<hbm>> -> memref<10240x64xf32, #tpu.memory_space<hbm>>
      tpu.wait_indirect_dma semaphore(%run_scoped3A : memref<!tpu.dma_semaphore, #tpu.memory_space<semaphore_mem>>) src(%dma_wait3A_103 : memref<10240x64xf32, #tpu.memory_space<hbm>>) dst(%dma_wait3A_97 : memref<128x64xf32, #tpu.memory_space<vmem>>)
      %run_scoped3A_104 = arith.constant 0 : i32
      %run_scoped3A_105 = arith.constant 78 : i32
      "tpu.region"() ({
        %run_scoped3A_215 = tpu.sem_alloc : memref<!tpu.dma_semaphore, #tpu.memory_space<semaphore_mem>>
        %dma_start3A_216 = arith.constant 0 : i32
        %dma_start3A_217 = arith.constant 0 : i32
        %dma_start3A_218 = tpu.memref_slice %arg8[%run_scoped3A_104, %dma_start3A_216, %dma_start3A_217] : memref<6x128x64xf32, #tpu.memory_space<vmem>> -> memref<1x128x64xf32, #tpu.memory_space<vmem>>
        %dma_start3A_219 = tpu.memref_squeeze %dma_start3A_218 : memref<1x128x64xf32, #tpu.memory_space<vmem>> -> memref<128x64xf32, #tpu.memory_space<vmem>>
        %dma_start3A_220 = arith.constant 0 : i32
        %dma_start3A_221 = tpu.memref_slice %arg6[%run_scoped3A_105, %dma_start3A_220] : memref<79x128xi32, #tpu.memory_space<vmem>> -> memref<1x128xi32, #tpu.memory_space<vmem>>
        %dma_start3A_222 = tpu.memref_squeeze %dma_start3A_221 : memref<1x128xi32, #tpu.memory_space<vmem>> -> memref<128xi32, #tpu.memory_space<vmem>>
        %dma_start3A_223 = arith.constant 0 : i32
        %dma_start3A_224 = arith.constant 0 : i32
        %dma_start3A_225 = tpu.memref_slice %arg10[%dma_start3A_223, %dma_start3A_224] : memref<10240x64xf32, #tpu.memory_space<vmem_shared>> -> memref<10240x64xf32, #tpu.memory_space<vmem_shared>>
        tpu.enqueue_indirect_dma source(%dma_start3A_219 : memref<128x64xf32, #tpu.memory_space<vmem>>) target(%dma_start3A_225 : memref<10240x64xf32, #tpu.memory_space<vmem_shared>>) offsets(%dma_start3A_222 : memref<128xi32, #tpu.memory_space<vmem>>) semaphore(%run_scoped3A_215 : memref<!tpu.dma_semaphore, #tpu.memory_space<semaphore_mem>>) {add = true}
        %dma_wait3A_226 = arith.constant 0 : i32
        %dma_wait3A_227 = arith.constant 0 : i32
        %dma_wait3A_228 = tpu.memref_slice %arg8[%run_scoped3A_104, %dma_wait3A_226, %dma_wait3A_227] : memref<6x128x64xf32, #tpu.memory_space<vmem>> -> memref<1x128x64xf32, #tpu.memory_space<vmem>>
        %dma_wait3A_229 = tpu.memref_squeeze %dma_wait3A_228 : memref<1x128x64xf32, #tpu.memory_space<vmem>> -> memref<128x64xf32, #tpu.memory_space<vmem>>
        %dma_wait3A_230 = arith.constant 0 : i32
        %dma_wait3A_231 = tpu.memref_slice %arg6[%run_scoped3A_105, %dma_wait3A_230] : memref<79x128xi32, #tpu.memory_space<vmem>> -> memref<1x128xi32, #tpu.memory_space<vmem>>
        %dma_wait3A_232 = tpu.memref_squeeze %dma_wait3A_231 : memref<1x128xi32, #tpu.memory_space<vmem>> -> memref<128xi32, #tpu.memory_space<vmem>>
        %dma_wait3A_233 = arith.constant 0 : i32
        %dma_wait3A_234 = arith.constant 0 : i32
        %dma_wait3A_235 = tpu.memref_slice %arg10[%dma_wait3A_233, %dma_wait3A_234] : memref<10240x64xf32, #tpu.memory_space<vmem_shared>> -> memref<10240x64xf32, #tpu.memory_space<vmem_shared>>
        tpu.wait_indirect_dma semaphore(%run_scoped3A_215 : memref<!tpu.dma_semaphore, #tpu.memory_space<semaphore_mem>>) src(%dma_wait3A_229 : memref<128x64xf32, #tpu.memory_space<vmem>>) dst(%dma_wait3A_235 : memref<10240x64xf32, #tpu.memory_space<vmem_shared>>)
        tpu.yield
      }) : () -> ()
      %barrier3A_106 = arith.constant 0 : index
      tpu.barrier barrier_id(%barrier3A_106)
      %mul3A_107 = arith.constant 640 : i32
      %mul3A_108 = arith.muli %arg1, %mul3A_107 : i32
      %mul3A_109 = arith.constant 640 : i32
      %mul3A_110 = arith.muli %arg1, %mul3A_109 : i32
      "tpu.region"() ({
        %run_scoped3A_215 = tpu.sem_alloc : memref<!tpu.dma_semaphore, #tpu.memory_space<semaphore_mem>>
        %dma_start3A_216 = arith.constant 0 : i32
        %dma_start3A_217 = tpu.memref_slice %arg5[%arg0, %mul3A_110, %dma_start3A_216] : memref<2x10240x128xf32, #tpu.memory_space<hbm>> -> memref<1x640x64xf32, #tpu.memory_space<hbm>>
        %dma_start3A_218 = tpu.memref_squeeze %dma_start3A_217 : memref<1x640x64xf32, #tpu.memory_space<hbm>> -> memref<640x64xf32, #tpu.memory_space<hbm>>
        %dma_start3A_219 = arith.constant 0 : i32
        %dma_start3A_220 = tpu.memref_slice %arg10[%mul3A_108, %dma_start3A_219] : memref<10240x64xf32, #tpu.memory_space<vmem_shared>> -> memref<640x64xf32, #tpu.memory_space<vmem_shared>>
        tpu.enqueue_dma source(%dma_start3A_220 : memref<640x64xf32, #tpu.memory_space<vmem_shared>>) target(%dma_start3A_218 : memref<640x64xf32, #tpu.memory_space<hbm>>) target_semaphore(%run_scoped3A_215 : memref<!tpu.dma_semaphore, #tpu.memory_space<semaphore_mem>>)
        %dma_wait3A_221 = arith.constant 0 : i32
        %dma_wait3A_222 = tpu.memref_slice %arg5[%arg0, %mul3A_110, %dma_wait3A_221] : memref<2x10240x128xf32, #tpu.memory_space<hbm>> -> memref<1x640x64xf32, #tpu.memory_space<hbm>>
        %dma_wait3A_223 = tpu.memref_squeeze %dma_wait3A_222 : memref<1x640x64xf32, #tpu.memory_space<hbm>> -> memref<640x64xf32, #tpu.memory_space<hbm>>
        %dma_wait3A_224 = arith.constant 0 : i32
        %dma_wait3A_225 = tpu.memref_slice %arg10[%mul3A_108, %dma_wait3A_224] : memref<10240x64xf32, #tpu.memory_space<vmem_shared>> -> memref<640x64xf32, #tpu.memory_space<vmem_shared>>
        tpu.wait_dma2 semaphore(%run_scoped3A_215 : memref<!tpu.dma_semaphore, #tpu.memory_space<semaphore_mem>>) src(%dma_wait3A_225 : memref<640x64xf32, #tpu.memory_space<vmem_shared>>) dst(%dma_wait3A_223 : memref<640x64xf32, #tpu.memory_space<hbm>>)
        tpu.yield
      }) : () -> ()
      %barrier3A_111 = arith.constant 0 : index
      tpu.barrier barrier_id(%barrier3A_111)
      %scan3A_112 = arith.constant 0 : i32
      %scan3A_113 = arith.constant 5 : i32
      %scan3A_114 = arith.addi %scan3A_112, %scan3A_113 : i32
      %scan3A_115 = arith.constant 1 : i32
      scf.for %scan3A_215 = %scan3A_112 to %scan3A_114 step %scan3A_115  : i32 {
        %mul3A_216 = arith.constant 1 : i32
        %mul3A_217 = arith.muli %scan3A_215, %mul3A_216 : i32
        %add3A_218 = arith.constant 0 : i32
        %add3A_219 = arith.addi %add3A_218, %mul3A_217 : i32
        %mul3A_220 = arith.constant 640 : i32
        %mul3A_221 = arith.muli %arg1, %mul3A_220 : i32
        %mul3A_222 = arith.constant 128 : i32
        %mul3A_223 = arith.muli %add3A_219, %mul3A_222 : i32
        %add3A_224 = arith.addi %mul3A_221, %mul3A_223 : i32
        "tpu.region"() ({
          %run_scoped3A_225 = tpu.sem_alloc : memref<!tpu.dma_semaphore, #tpu.memory_space<semaphore_mem>>
          %dma_start3A_226 = arith.constant 0 : i32
          %dma_start3A_227 = tpu.memref_slice %arg10[%add3A_224, %dma_start3A_226] : memref<10240x64xf32, #tpu.memory_space<vmem_shared>> -> memref<128x64xf32, #tpu.memory_space<vmem_shared>>
          %dma_start3A_228 = arith.constant 0 : i32
          %dma_start3A_229 = tpu.memref_slice %arg10[%add3A_224, %dma_start3A_228] : memref<10240x64xf32, #tpu.memory_space<vmem_shared>> -> memref<128x64xf32, #tpu.memory_space<vmem_shared>>
          tpu.enqueue_dma source(%arg9 : memref<128x64xf32, #tpu.memory_space<vmem>>) target(%dma_start3A_229 : memref<128x64xf32, #tpu.memory_space<vmem_shared>>) target_semaphore(%run_scoped3A_225 : memref<!tpu.dma_semaphore, #tpu.memory_space<semaphore_mem>>)
          %dma_wait3A_230 = arith.constant 0 : i32
          %dma_wait3A_231 = tpu.memref_slice %arg10[%add3A_224, %dma_wait3A_230] : memref<10240x64xf32, #tpu.memory_space<vmem_shared>> -> memref<128x64xf32, #tpu.memory_space<vmem_shared>>
          %dma_wait3A_232 = arith.constant 0 : i32
          %dma_wait3A_233 = tpu.memref_slice %arg10[%add3A_224, %dma_wait3A_232] : memref<10240x64xf32, #tpu.memory_space<vmem_shared>> -> memref<128x64xf32, #tpu.memory_space<vmem_shared>>
          tpu.wait_dma2 semaphore(%run_scoped3A_225 : memref<!tpu.dma_semaphore, #tpu.memory_space<semaphore_mem>>) src(%arg9 : memref<128x64xf32, #tpu.memory_space<vmem>>) dst(%dma_wait3A_233 : memref<128x64xf32, #tpu.memory_space<vmem_shared>>)
          tpu.yield
        }) : () -> ()
      }
      %scan3A_116 = arith.constant 5 : i32
      %barrier3A_117 = arith.constant 0 : index
      tpu.barrier barrier_id(%barrier3A_117)
      %dma_start3A_118 = arith.constant 0 : i32
      %dma_start3A_119 = arith.constant 0 : i32
      %dma_start3A_120 = arith.constant 0 : i32
      %dma_start3A_121 = arith.constant 0 : i32
      %dma_start3A_122 = tpu.memref_slice %arg8[%dma_start3A_119, %dma_start3A_120, %dma_start3A_121] : memref<6x128x64xf32, #tpu.memory_space<vmem>> -> memref<1x128x64xf32, #tpu.memory_space<vmem>>
      %dma_start3A_123 = tpu.memref_squeeze %dma_start3A_122 : memref<1x128x64xf32, #tpu.memory_space<vmem>> -> memref<128x64xf32, #tpu.memory_space<vmem>>
      %dma_start3A_124 = arith.constant 0 : i32
      %dma_start3A_125 = tpu.memref_slice %arg7[%dma_start3A_118, %dma_start3A_124] : memref<79x128xi32, #tpu.memory_space<vmem>> -> memref<1x128xi32, #tpu.memory_space<vmem>>
      %dma_start3A_126 = tpu.memref_squeeze %dma_start3A_125 : memref<1x128xi32, #tpu.memory_space<vmem>> -> memref<128xi32, #tpu.memory_space<vmem>>
      %dma_start3A_127 = arith.constant 0 : i32
      %dma_start3A_128 = arith.constant 0 : i32
      %dma_start3A_129 = tpu.memref_slice %arg3[%dma_start3A_127, %dma_start3A_128] : memref<10240x64xf32, #tpu.memory_space<hbm>> -> memref<10240x64xf32, #tpu.memory_space<hbm>>
      tpu.enqueue_indirect_dma source(%dma_start3A_129 : memref<10240x64xf32, #tpu.memory_space<hbm>>) target(%dma_start3A_123 : memref<128x64xf32, #tpu.memory_space<vmem>>) offsets(%dma_start3A_126 : memref<128xi32, #tpu.memory_space<vmem>>) semaphore(%run_scoped3A : memref<!tpu.dma_semaphore, #tpu.memory_space<semaphore_mem>>)
      %dma_start3A_130 = arith.constant 1 : i32
      %dma_start3A_131 = arith.constant 1 : i32
      %dma_start3A_132 = arith.constant 0 : i32
      %dma_start3A_133 = arith.constant 0 : i32
      %dma_start3A_134 = tpu.memref_slice %arg8[%dma_start3A_131, %dma_start3A_132, %dma_start3A_133] : memref<6x128x64xf32, #tpu.memory_space<vmem>> -> memref<1x128x64xf32, #tpu.memory_space<vmem>>
      %dma_start3A_135 = tpu.memref_squeeze %dma_start3A_134 : memref<1x128x64xf32, #tpu.memory_space<vmem>> -> memref<128x64xf32, #tpu.memory_space<vmem>>
      %dma_start3A_136 = arith.constant 0 : i32
      %dma_start3A_137 = tpu.memref_slice %arg7[%dma_start3A_130, %dma_start3A_136] : memref<79x128xi32, #tpu.memory_space<vmem>> -> memref<1x128xi32, #tpu.memory_space<vmem>>
      %dma_start3A_138 = tpu.memref_squeeze %dma_start3A_137 : memref<1x128xi32, #tpu.memory_space<vmem>> -> memref<128xi32, #tpu.memory_space<vmem>>
      %dma_start3A_139 = arith.constant 0 : i32
      %dma_start3A_140 = arith.constant 0 : i32
      %dma_start3A_141 = tpu.memref_slice %arg3[%dma_start3A_139, %dma_start3A_140] : memref<10240x64xf32, #tpu.memory_space<hbm>> -> memref<10240x64xf32, #tpu.memory_space<hbm>>
      tpu.enqueue_indirect_dma source(%dma_start3A_141 : memref<10240x64xf32, #tpu.memory_space<hbm>>) target(%dma_start3A_135 : memref<128x64xf32, #tpu.memory_space<vmem>>) offsets(%dma_start3A_138 : memref<128xi32, #tpu.memory_space<vmem>>) semaphore(%run_scoped3A_0 : memref<!tpu.dma_semaphore, #tpu.memory_space<semaphore_mem>>)
      %dma_start3A_142 = arith.constant 2 : i32
      %dma_start3A_143 = arith.constant 2 : i32
      %dma_start3A_144 = arith.constant 0 : i32
      %dma_start3A_145 = arith.constant 0 : i32
      %dma_start3A_146 = tpu.memref_slice %arg8[%dma_start3A_143, %dma_start3A_144, %dma_start3A_145] : memref<6x128x64xf32, #tpu.memory_space<vmem>> -> memref<1x128x64xf32, #tpu.memory_space<vmem>>
      %dma_start3A_147 = tpu.memref_squeeze %dma_start3A_146 : memref<1x128x64xf32, #tpu.memory_space<vmem>> -> memref<128x64xf32, #tpu.memory_space<vmem>>
      %dma_start3A_148 = arith.constant 0 : i32
      %dma_start3A_149 = tpu.memref_slice %arg7[%dma_start3A_142, %dma_start3A_148] : memref<79x128xi32, #tpu.memory_space<vmem>> -> memref<1x128xi32, #tpu.memory_space<vmem>>
      %dma_start3A_150 = tpu.memref_squeeze %dma_start3A_149 : memref<1x128xi32, #tpu.memory_space<vmem>> -> memref<128xi32, #tpu.memory_space<vmem>>
      %dma_start3A_151 = arith.constant 0 : i32
      %dma_start3A_152 = arith.constant 0 : i32
      %dma_start3A_153 = tpu.memref_slice %arg3[%dma_start3A_151, %dma_start3A_152] : memref<10240x64xf32, #tpu.memory_space<hbm>> -> memref<10240x64xf32, #tpu.memory_space<hbm>>
      tpu.enqueue_indirect_dma source(%dma_start3A_153 : memref<10240x64xf32, #tpu.memory_space<hbm>>) target(%dma_start3A_147 : memref<128x64xf32, #tpu.memory_space<vmem>>) offsets(%dma_start3A_150 : memref<128xi32, #tpu.memory_space<vmem>>) semaphore(%run_scoped3A_1 : memref<!tpu.dma_semaphore, #tpu.memory_space<semaphore_mem>>)
      %dma_start3A_154 = arith.constant 3 : i32
      %dma_start3A_155 = arith.constant 3 : i32
      %dma_start3A_156 = arith.constant 0 : i32
      %dma_start3A_157 = arith.constant 0 : i32
      %dma_start3A_158 = tpu.memref_slice %arg8[%dma_start3A_155, %dma_start3A_156, %dma_start3A_157] : memref<6x128x64xf32, #tpu.memory_space<vmem>> -> memref<1x128x64xf32, #tpu.memory_space<vmem>>
      %dma_start3A_159 = tpu.memref_squeeze %dma_start3A_158 : memref<1x128x64xf32, #tpu.memory_space<vmem>> -> memref<128x64xf32, #tpu.memory_space<vmem>>
      %dma_start3A_160 = arith.constant 0 : i32
      %dma_start3A_161 = tpu.memref_slice %arg7[%dma_start3A_154, %dma_start3A_160] : memref<79x128xi32, #tpu.memory_space<vmem>> -> memref<1x128xi32, #tpu.memory_space<vmem>>
      %dma_start3A_162 = tpu.memref_squeeze %dma_start3A_161 : memref<1x128xi32, #tpu.memory_space<vmem>> -> memref<128xi32, #tpu.memory_space<vmem>>
      %dma_start3A_163 = arith.constant 0 : i32
      %dma_start3A_164 = arith.constant 0 : i32
      %dma_start3A_165 = tpu.memref_slice %arg3[%dma_start3A_163, %dma_start3A_164] : memref<10240x64xf32, #tpu.memory_space<hbm>> -> memref<10240x64xf32, #tpu.memory_space<hbm>>
      tpu.enqueue_indirect_dma source(%dma_start3A_165 : memref<10240x64xf32, #tpu.memory_space<hbm>>) target(%dma_start3A_159 : memref<128x64xf32, #tpu.memory_space<vmem>>) offsets(%dma_start3A_162 : memref<128xi32, #tpu.memory_space<vmem>>) semaphore(%run_scoped3A_2 : memref<!tpu.dma_semaphore, #tpu.memory_space<semaphore_mem>>)
      %dma_start3A_166 = arith.constant 4 : i32
      %dma_start3A_167 = arith.constant 4 : i32
      %dma_start3A_168 = arith.constant 0 : i32
      %dma_start3A_169 = arith.constant 0 : i32
      %dma_start3A_170 = tpu.memref_slice %arg8[%dma_start3A_167, %dma_start3A_168, %dma_start3A_169] : memref<6x128x64xf32, #tpu.memory_space<vmem>> -> memref<1x128x64xf32, #tpu.memory_space<vmem>>
      %dma_start3A_171 = tpu.memref_squeeze %dma_start3A_170 : memref<1x128x64xf32, #tpu.memory_space<vmem>> -> memref<128x64xf32, #tpu.memory_space<vmem>>
      %dma_start3A_172 = arith.constant 0 : i32
      %dma_start3A_173 = tpu.memref_slice %arg7[%dma_start3A_166, %dma_start3A_172] : memref<79x128xi32, #tpu.memory_space<vmem>> -> memref<1x128xi32, #tpu.memory_space<vmem>>
      %dma_start3A_174 = tpu.memref_squeeze %dma_start3A_173 : memref<1x128xi32, #tpu.memory_space<vmem>> -> memref<128xi32, #tpu.memory_space<vmem>>
      %dma_start3A_175 = arith.constant 0 : i32
      %dma_start3A_176 = arith.constant 0 : i32
      %dma_start3A_177 = tpu.memref_slice %arg3[%dma_start3A_175, %dma_start3A_176] : memref<10240x64xf32, #tpu.memory_space<hbm>> -> memref<10240x64xf32, #tpu.memory_space<hbm>>
      tpu.enqueue_indirect_dma source(%dma_start3A_177 : memref<10240x64xf32, #tpu.memory_space<hbm>>) target(%dma_start3A_171 : memref<128x64xf32, #tpu.memory_space<vmem>>) offsets(%dma_start3A_174 : memref<128xi32, #tpu.memory_space<vmem>>) semaphore(%run_scoped3A_3 : memref<!tpu.dma_semaphore, #tpu.memory_space<semaphore_mem>>)
      %dma_start3A_178 = arith.constant 5 : i32
      %dma_start3A_179 = arith.constant 5 : i32
      %dma_start3A_180 = arith.constant 0 : i32
      %dma_start3A_181 = arith.constant 0 : i32
      %dma_start3A_182 = tpu.memref_slice %arg8[%dma_start3A_179, %dma_start3A_180, %dma_start3A_181] : memref<6x128x64xf32, #tpu.memory_space<vmem>> -> memref<1x128x64xf32, #tpu.memory_space<vmem>>
      %dma_start3A_183 = tpu.memref_squeeze %dma_start3A_182 : memref<1x128x64xf32, #tpu.memory_space<vmem>> -> memref<128x64xf32, #tpu.memory_space<vmem>>
      %dma_start3A_184 = arith.constant 0 : i32
      %dma_start3A_185 = tpu.memref_slice %arg7[%dma_start3A_178, %dma_start3A_184] : memref<79x128xi32, #tpu.memory_space<vmem>> -> memref<1x128xi32, #tpu.memory_space<vmem>>
      %dma_start3A_186 = tpu.memref_squeeze %dma_start3A_185 : memref<1x128xi32, #tpu.memory_space<vmem>> -> memref<128xi32, #tpu.memory_space<vmem>>
      %dma_start3A_187 = arith.constant 0 : i32
      %dma_start3A_188 = arith.constant 0 : i32
      %dma_start3A_189 = tpu.memref_slice %arg3[%dma_start3A_187, %dma_start3A_188] : memref<10240x64xf32, #tpu.memory_space<hbm>> -> memref<10240x64xf32, #tpu.memory_space<hbm>>
      tpu.enqueue_indirect_dma source(%dma_start3A_189 : memref<10240x64xf32, #tpu.memory_space<hbm>>) target(%dma_start3A_183 : memref<128x64xf32, #tpu.memory_space<vmem>>) offsets(%dma_start3A_186 : memref<128xi32, #tpu.memory_space<vmem>>) semaphore(%run_scoped3A_4 : memref<!tpu.dma_semaphore, #tpu.memory_space<semaphore_mem>>)
      %scan3A_190 = arith.constant 0 : i32
      %scan3A_191 = arith.constant 13 : i32
      %scan3A_192 = arith.addi %scan3A_190, %scan3A_191 : i32
      %scan3A_193 = arith.constant 1 : i32
      scf.for %scan3A_215 = %scan3A_190 to %scan3A_192 step %scan3A_193  : i32 {
        %mul3A_216 = arith.constant 6 : i32
        %mul3A_217 = arith.muli %scan3A_215, %mul3A_216 : i32
        %add3A_218 = arith.constant 0 : i32
        %add3A_219 = arith.addi %add3A_218, %mul3A_217 : i32
        %add3A_220 = arith.constant 0 : i32
        %add3A_221 = arith.addi %add3A_219, %add3A_220 : i32
        %dma_wait3A_222 = arith.constant 0 : i32
        %dma_wait3A_223 = arith.constant 0 : i32
        %dma_wait3A_224 = arith.constant 0 : i32
        %dma_wait3A_225 = tpu.memref_slice %arg8[%dma_wait3A_222, %dma_wait3A_223, %dma_wait3A_224] : memref<6x128x64xf32, #tpu.memory_space<vmem>> -> memref<1x128x64xf32, #tpu.memory_space<vmem>>
        %dma_wait3A_226 = tpu.memref_squeeze %dma_wait3A_225 : memref<1x128x64xf32, #tpu.memory_space<vmem>> -> memref<128x64xf32, #tpu.memory_space<vmem>>
        %dma_wait3A_227 = arith.constant 0 : i32
        %dma_wait3A_228 = tpu.memref_slice %arg7[%add3A_221, %dma_wait3A_227] : memref<79x128xi32, #tpu.memory_space<vmem>> -> memref<1x128xi32, #tpu.memory_space<vmem>>
        %dma_wait3A_229 = tpu.memref_squeeze %dma_wait3A_228 : memref<1x128xi32, #tpu.memory_space<vmem>> -> memref<128xi32, #tpu.memory_space<vmem>>
        %dma_wait3A_230 = arith.constant 0 : i32
        %dma_wait3A_231 = arith.constant 0 : i32
        %dma_wait3A_232 = tpu.memref_slice %arg3[%dma_wait3A_230, %dma_wait3A_231] : memref<10240x64xf32, #tpu.memory_space<hbm>> -> memref<10240x64xf32, #tpu.memory_space<hbm>>
        tpu.wait_indirect_dma semaphore(%run_scoped3A : memref<!tpu.dma_semaphore, #tpu.memory_space<semaphore_mem>>) src(%dma_wait3A_232 : memref<10240x64xf32, #tpu.memory_space<hbm>>) dst(%dma_wait3A_226 : memref<128x64xf32, #tpu.memory_space<vmem>>)
        %run_scoped3A_233 = arith.constant 0 : i32
        "tpu.region"() ({
          %run_scoped3A_343 = tpu.sem_alloc : memref<!tpu.dma_semaphore, #tpu.memory_space<semaphore_mem>>
          %dma_start3A_344 = arith.constant 0 : i32
          %dma_start3A_345 = arith.constant 0 : i32
          %dma_start3A_346 = tpu.memref_slice %arg8[%run_scoped3A_233, %dma_start3A_344, %dma_start3A_345] : memref<6x128x64xf32, #tpu.memory_space<vmem>> -> memref<1x128x64xf32, #tpu.memory_space<vmem>>
          %dma_start3A_347 = tpu.memref_squeeze %dma_start3A_346 : memref<1x128x64xf32, #tpu.memory_space<vmem>> -> memref<128x64xf32, #tpu.memory_space<vmem>>
          %dma_start3A_348 = arith.constant 0 : i32
          %dma_start3A_349 = tpu.memref_slice %arg6[%add3A_221, %dma_start3A_348] : memref<79x128xi32, #tpu.memory_space<vmem>> -> memref<1x128xi32, #tpu.memory_space<vmem>>
          %dma_start3A_350 = tpu.memref_squeeze %dma_start3A_349 : memref<1x128xi32, #tpu.memory_space<vmem>> -> memref<128xi32, #tpu.memory_space<vmem>>
          %dma_start3A_351 = arith.constant 0 : i32
          %dma_start3A_352 = arith.constant 0 : i32
          %dma_start3A_353 = tpu.memref_slice %arg10[%dma_start3A_351, %dma_start3A_352] : memref<10240x64xf32, #tpu.memory_space<vmem_shared>> -> memref<10240x64xf32, #tpu.memory_space<vmem_shared>>
          tpu.enqueue_indirect_dma source(%dma_start3A_347 : memref<128x64xf32, #tpu.memory_space<vmem>>) target(%dma_start3A_353 : memref<10240x64xf32, #tpu.memory_space<vmem_shared>>) offsets(%dma_start3A_350 : memref<128xi32, #tpu.memory_space<vmem>>) semaphore(%run_scoped3A_343 : memref<!tpu.dma_semaphore, #tpu.memory_space<semaphore_mem>>) {add = true}
          %dma_wait3A_354 = arith.constant 0 : i32
          %dma_wait3A_355 = arith.constant 0 : i32
          %dma_wait3A_356 = tpu.memref_slice %arg8[%run_scoped3A_233, %dma_wait3A_354, %dma_wait3A_355] : memref<6x128x64xf32, #tpu.memory_space<vmem>> -> memref<1x128x64xf32, #tpu.memory_space<vmem>>
          %dma_wait3A_357 = tpu.memref_squeeze %dma_wait3A_356 : memref<1x128x64xf32, #tpu.memory_space<vmem>> -> memref<128x64xf32, #tpu.memory_space<vmem>>
          %dma_wait3A_358 = arith.constant 0 : i32
          %dma_wait3A_359 = tpu.memref_slice %arg6[%add3A_221, %dma_wait3A_358] : memref<79x128xi32, #tpu.memory_space<vmem>> -> memref<1x128xi32, #tpu.memory_space<vmem>>
          %dma_wait3A_360 = tpu.memref_squeeze %dma_wait3A_359 : memref<1x128xi32, #tpu.memory_space<vmem>> -> memref<128xi32, #tpu.memory_space<vmem>>
          %dma_wait3A_361 = arith.constant 0 : i32
          %dma_wait3A_362 = arith.constant 0 : i32
          %dma_wait3A_363 = tpu.memref_slice %arg10[%dma_wait3A_361, %dma_wait3A_362] : memref<10240x64xf32, #tpu.memory_space<vmem_shared>> -> memref<10240x64xf32, #tpu.memory_space<vmem_shared>>
          tpu.wait_indirect_dma semaphore(%run_scoped3A_343 : memref<!tpu.dma_semaphore, #tpu.memory_space<semaphore_mem>>) src(%dma_wait3A_357 : memref<128x64xf32, #tpu.memory_space<vmem>>) dst(%dma_wait3A_363 : memref<10240x64xf32, #tpu.memory_space<vmem_shared>>)
          tpu.yield
        }) : () -> ()
        %add3A_234 = arith.constant 6 : i32
        %add3A_235 = arith.addi %add3A_221, %add3A_234 : i32
        %lt3A = arith.constant 79 : i32
        %lt3A_236 = arith.cmpi slt, %add3A_235, %lt3A : i32
        %convert_element_type3A = arith.extui %lt3A_236 : i1 to i32
        %cond3A = arith.constant 0 : i32
        %cond3A_237 = arith.cmpi ne, %convert_element_type3A, %cond3A : i32
        scf.if %cond3A_237 {
          %add3A_343 = arith.constant 6 : i32
          %add3A_344 = arith.addi %add3A_221, %add3A_343 : i32
          %dma_start3A_345 = arith.constant 0 : i32
          %dma_start3A_346 = arith.constant 0 : i32
          %dma_start3A_347 = arith.constant 0 : i32
          %dma_start3A_348 = tpu.memref_slice %arg8[%dma_start3A_345, %dma_start3A_346, %dma_start3A_347] : memref<6x128x64xf32, #tpu.memory_space<vmem>> -> memref<1x128x64xf32, #tpu.memory_space<vmem>>
          %dma_start3A_349 = tpu.memref_squeeze %dma_start3A_348 : memref<1x128x64xf32, #tpu.memory_space<vmem>> -> memref<128x64xf32, #tpu.memory_space<vmem>>
          %dma_start3A_350 = arith.constant 0 : i32
          %dma_start3A_351 = tpu.memref_slice %arg7[%add3A_344, %dma_start3A_350] : memref<79x128xi32, #tpu.memory_space<vmem>> -> memref<1x128xi32, #tpu.memory_space<vmem>>
          %dma_start3A_352 = tpu.memref_squeeze %dma_start3A_351 : memref<1x128xi32, #tpu.memory_space<vmem>> -> memref<128xi32, #tpu.memory_space<vmem>>
          %dma_start3A_353 = arith.constant 0 : i32
          %dma_start3A_354 = arith.constant 0 : i32
          %dma_start3A_355 = tpu.memref_slice %arg3[%dma_start3A_353, %dma_start3A_354] : memref<10240x64xf32, #tpu.memory_space<hbm>> -> memref<10240x64xf32, #tpu.memory_space<hbm>>
          tpu.enqueue_indirect_dma source(%dma_start3A_355 : memref<10240x64xf32, #tpu.memory_space<hbm>>) target(%dma_start3A_349 : memref<128x64xf32, #tpu.memory_space<vmem>>) offsets(%dma_start3A_352 : memref<128xi32, #tpu.memory_space<vmem>>) semaphore(%run_scoped3A : memref<!tpu.dma_semaphore, #tpu.memory_space<semaphore_mem>>)
        } else {
        }
        %add3A_238 = arith.constant 1 : i32
        %add3A_239 = arith.addi %add3A_219, %add3A_238 : i32
        %dma_wait3A_240 = arith.constant 1 : i32
        %dma_wait3A_241 = arith.constant 0 : i32
        %dma_wait3A_242 = arith.constant 0 : i32
        %dma_wait3A_243 = tpu.memref_slice %arg8[%dma_wait3A_240, %dma_wait3A_241, %dma_wait3A_242] : memref<6x128x64xf32, #tpu.memory_space<vmem>> -> memref<1x128x64xf32, #tpu.memory_space<vmem>>
        %dma_wait3A_244 = tpu.memref_squeeze %dma_wait3A_243 : memref<1x128x64xf32, #tpu.memory_space<vmem>> -> memref<128x64xf32, #tpu.memory_space<vmem>>
        %dma_wait3A_245 = arith.constant 0 : i32
        %dma_wait3A_246 = tpu.memref_slice %arg7[%add3A_239, %dma_wait3A_245] : memref<79x128xi32, #tpu.memory_space<vmem>> -> memref<1x128xi32, #tpu.memory_space<vmem>>
        %dma_wait3A_247 = tpu.memref_squeeze %dma_wait3A_246 : memref<1x128xi32, #tpu.memory_space<vmem>> -> memref<128xi32, #tpu.memory_space<vmem>>
        %dma_wait3A_248 = arith.constant 0 : i32
        %dma_wait3A_249 = arith.constant 0 : i32
        %dma_wait3A_250 = tpu.memref_slice %arg3[%dma_wait3A_248, %dma_wait3A_249] : memref<10240x64xf32, #tpu.memory_space<hbm>> -> memref<10240x64xf32, #tpu.memory_space<hbm>>
        tpu.wait_indirect_dma semaphore(%run_scoped3A_0 : memref<!tpu.dma_semaphore, #tpu.memory_space<semaphore_mem>>) src(%dma_wait3A_250 : memref<10240x64xf32, #tpu.memory_space<hbm>>) dst(%dma_wait3A_244 : memref<128x64xf32, #tpu.memory_space<vmem>>)
        %run_scoped3A_251 = arith.constant 1 : i32
        "tpu.region"() ({
          %run_scoped3A_343 = tpu.sem_alloc : memref<!tpu.dma_semaphore, #tpu.memory_space<semaphore_mem>>
          %dma_start3A_344 = arith.constant 0 : i32
          %dma_start3A_345 = arith.constant 0 : i32
          %dma_start3A_346 = tpu.memref_slice %arg8[%run_scoped3A_251, %dma_start3A_344, %dma_start3A_345] : memref<6x128x64xf32, #tpu.memory_space<vmem>> -> memref<1x128x64xf32, #tpu.memory_space<vmem>>
          %dma_start3A_347 = tpu.memref_squeeze %dma_start3A_346 : memref<1x128x64xf32, #tpu.memory_space<vmem>> -> memref<128x64xf32, #tpu.memory_space<vmem>>
          %dma_start3A_348 = arith.constant 0 : i32
          %dma_start3A_349 = tpu.memref_slice %arg6[%add3A_239, %dma_start3A_348] : memref<79x128xi32, #tpu.memory_space<vmem>> -> memref<1x128xi32, #tpu.memory_space<vmem>>
          %dma_start3A_350 = tpu.memref_squeeze %dma_start3A_349 : memref<1x128xi32, #tpu.memory_space<vmem>> -> memref<128xi32, #tpu.memory_space<vmem>>
          %dma_start3A_351 = arith.constant 0 : i32
          %dma_start3A_352 = arith.constant 0 : i32
          %dma_start3A_353 = tpu.memref_slice %arg10[%dma_start3A_351, %dma_start3A_352] : memref<10240x64xf32, #tpu.memory_space<vmem_shared>> -> memref<10240x64xf32, #tpu.memory_space<vmem_shared>>
          tpu.enqueue_indirect_dma source(%dma_start3A_347 : memref<128x64xf32, #tpu.memory_space<vmem>>) target(%dma_start3A_353 : memref<10240x64xf32, #tpu.memory_space<vmem_shared>>) offsets(%dma_start3A_350 : memref<128xi32, #tpu.memory_space<vmem>>) semaphore(%run_scoped3A_343 : memref<!tpu.dma_semaphore, #tpu.memory_space<semaphore_mem>>) {add = true}
          %dma_wait3A_354 = arith.constant 0 : i32
          %dma_wait3A_355 = arith.constant 0 : i32
          %dma_wait3A_356 = tpu.memref_slice %arg8[%run_scoped3A_251, %dma_wait3A_354, %dma_wait3A_355] : memref<6x128x64xf32, #tpu.memory_space<vmem>> -> memref<1x128x64xf32, #tpu.memory_space<vmem>>
          %dma_wait3A_357 = tpu.memref_squeeze %dma_wait3A_356 : memref<1x128x64xf32, #tpu.memory_space<vmem>> -> memref<128x64xf32, #tpu.memory_space<vmem>>
          %dma_wait3A_358 = arith.constant 0 : i32
          %dma_wait3A_359 = tpu.memref_slice %arg6[%add3A_239, %dma_wait3A_358] : memref<79x128xi32, #tpu.memory_space<vmem>> -> memref<1x128xi32, #tpu.memory_space<vmem>>
          %dma_wait3A_360 = tpu.memref_squeeze %dma_wait3A_359 : memref<1x128xi32, #tpu.memory_space<vmem>> -> memref<128xi32, #tpu.memory_space<vmem>>
          %dma_wait3A_361 = arith.constant 0 : i32
          %dma_wait3A_362 = arith.constant 0 : i32
          %dma_wait3A_363 = tpu.memref_slice %arg10[%dma_wait3A_361, %dma_wait3A_362] : memref<10240x64xf32, #tpu.memory_space<vmem_shared>> -> memref<10240x64xf32, #tpu.memory_space<vmem_shared>>
          tpu.wait_indirect_dma semaphore(%run_scoped3A_343 : memref<!tpu.dma_semaphore, #tpu.memory_space<semaphore_mem>>) src(%dma_wait3A_357 : memref<128x64xf32, #tpu.memory_space<vmem>>) dst(%dma_wait3A_363 : memref<10240x64xf32, #tpu.memory_space<vmem_shared>>)
          tpu.yield
        }) : () -> ()
        %add3A_252 = arith.constant 6 : i32
        %add3A_253 = arith.addi %add3A_239, %add3A_252 : i32
        %lt3A_254 = arith.constant 79 : i32
        %lt3A_255 = arith.cmpi slt, %add3A_253, %lt3A_254 : i32
        %convert_element_type3A_256 = arith.extui %lt3A_255 : i1 to i32
        %cond3A_257 = arith.constant 0 : i32
        %cond3A_258 = arith.cmpi ne, %convert_element_type3A_256, %cond3A_257 : i32
        scf.if %cond3A_258 {
          %add3A_343 = arith.constant 6 : i32
          %add3A_344 = arith.addi %add3A_239, %add3A_343 : i32
          %dma_start3A_345 = arith.constant 1 : i32
          %dma_start3A_346 = arith.constant 0 : i32
          %dma_start3A_347 = arith.constant 0 : i32
          %dma_start3A_348 = tpu.memref_slice %arg8[%dma_start3A_345, %dma_start3A_346, %dma_start3A_347] : memref<6x128x64xf32, #tpu.memory_space<vmem>> -> memref<1x128x64xf32, #tpu.memory_space<vmem>>
          %dma_start3A_349 = tpu.memref_squeeze %dma_start3A_348 : memref<1x128x64xf32, #tpu.memory_space<vmem>> -> memref<128x64xf32, #tpu.memory_space<vmem>>
          %dma_start3A_350 = arith.constant 0 : i32
          %dma_start3A_351 = tpu.memref_slice %arg7[%add3A_344, %dma_start3A_350] : memref<79x128xi32, #tpu.memory_space<vmem>> -> memref<1x128xi32, #tpu.memory_space<vmem>>
          %dma_start3A_352 = tpu.memref_squeeze %dma_start3A_351 : memref<1x128xi32, #tpu.memory_space<vmem>> -> memref<128xi32, #tpu.memory_space<vmem>>
          %dma_start3A_353 = arith.constant 0 : i32
          %dma_start3A_354 = arith.constant 0 : i32
          %dma_start3A_355 = tpu.memref_slice %arg3[%dma_start3A_353, %dma_start3A_354] : memref<10240x64xf32, #tpu.memory_space<hbm>> -> memref<10240x64xf32, #tpu.memory_space<hbm>>
          tpu.enqueue_indirect_dma source(%dma_start3A_355 : memref<10240x64xf32, #tpu.memory_space<hbm>>) target(%dma_start3A_349 : memref<128x64xf32, #tpu.memory_space<vmem>>) offsets(%dma_start3A_352 : memref<128xi32, #tpu.memory_space<vmem>>) semaphore(%run_scoped3A_0 : memref<!tpu.dma_semaphore, #tpu.memory_space<semaphore_mem>>)
        } else {
        }
        %add3A_259 = arith.constant 2 : i32
        %add3A_260 = arith.addi %add3A_219, %add3A_259 : i32
        %dma_wait3A_261 = arith.constant 2 : i32
        %dma_wait3A_262 = arith.constant 0 : i32
        %dma_wait3A_263 = arith.constant 0 : i32
        %dma_wait3A_264 = tpu.memref_slice %arg8[%dma_wait3A_261, %dma_wait3A_262, %dma_wait3A_263] : memref<6x128x64xf32, #tpu.memory_space<vmem>> -> memref<1x128x64xf32, #tpu.memory_space<vmem>>
        %dma_wait3A_265 = tpu.memref_squeeze %dma_wait3A_264 : memref<1x128x64xf32, #tpu.memory_space<vmem>> -> memref<128x64xf32, #tpu.memory_space<vmem>>
        %dma_wait3A_266 = arith.constant 0 : i32
        %dma_wait3A_267 = tpu.memref_slice %arg7[%add3A_260, %dma_wait3A_266] : memref<79x128xi32, #tpu.memory_space<vmem>> -> memref<1x128xi32, #tpu.memory_space<vmem>>
        %dma_wait3A_268 = tpu.memref_squeeze %dma_wait3A_267 : memref<1x128xi32, #tpu.memory_space<vmem>> -> memref<128xi32, #tpu.memory_space<vmem>>
        %dma_wait3A_269 = arith.constant 0 : i32
        %dma_wait3A_270 = arith.constant 0 : i32
        %dma_wait3A_271 = tpu.memref_slice %arg3[%dma_wait3A_269, %dma_wait3A_270] : memref<10240x64xf32, #tpu.memory_space<hbm>> -> memref<10240x64xf32, #tpu.memory_space<hbm>>
        tpu.wait_indirect_dma semaphore(%run_scoped3A_1 : memref<!tpu.dma_semaphore, #tpu.memory_space<semaphore_mem>>) src(%dma_wait3A_271 : memref<10240x64xf32, #tpu.memory_space<hbm>>) dst(%dma_wait3A_265 : memref<128x64xf32, #tpu.memory_space<vmem>>)
        %run_scoped3A_272 = arith.constant 2 : i32
        "tpu.region"() ({
          %run_scoped3A_343 = tpu.sem_alloc : memref<!tpu.dma_semaphore, #tpu.memory_space<semaphore_mem>>
          %dma_start3A_344 = arith.constant 0 : i32
          %dma_start3A_345 = arith.constant 0 : i32
          %dma_start3A_346 = tpu.memref_slice %arg8[%run_scoped3A_272, %dma_start3A_344, %dma_start3A_345] : memref<6x128x64xf32, #tpu.memory_space<vmem>> -> memref<1x128x64xf32, #tpu.memory_space<vmem>>
          %dma_start3A_347 = tpu.memref_squeeze %dma_start3A_346 : memref<1x128x64xf32, #tpu.memory_space<vmem>> -> memref<128x64xf32, #tpu.memory_space<vmem>>
          %dma_start3A_348 = arith.constant 0 : i32
          %dma_start3A_349 = tpu.memref_slice %arg6[%add3A_260, %dma_start3A_348] : memref<79x128xi32, #tpu.memory_space<vmem>> -> memref<1x128xi32, #tpu.memory_space<vmem>>
          %dma_start3A_350 = tpu.memref_squeeze %dma_start3A_349 : memref<1x128xi32, #tpu.memory_space<vmem>> -> memref<128xi32, #tpu.memory_space<vmem>>
          %dma_start3A_351 = arith.constant 0 : i32
          %dma_start3A_352 = arith.constant 0 : i32
          %dma_start3A_353 = tpu.memref_slice %arg10[%dma_start3A_351, %dma_start3A_352] : memref<10240x64xf32, #tpu.memory_space<vmem_shared>> -> memref<10240x64xf32, #tpu.memory_space<vmem_shared>>
          tpu.enqueue_indirect_dma source(%dma_start3A_347 : memref<128x64xf32, #tpu.memory_space<vmem>>) target(%dma_start3A_353 : memref<10240x64xf32, #tpu.memory_space<vmem_shared>>) offsets(%dma_start3A_350 : memref<128xi32, #tpu.memory_space<vmem>>) semaphore(%run_scoped3A_343 : memref<!tpu.dma_semaphore, #tpu.memory_space<semaphore_mem>>) {add = true}
          %dma_wait3A_354 = arith.constant 0 : i32
          %dma_wait3A_355 = arith.constant 0 : i32
          %dma_wait3A_356 = tpu.memref_slice %arg8[%run_scoped3A_272, %dma_wait3A_354, %dma_wait3A_355] : memref<6x128x64xf32, #tpu.memory_space<vmem>> -> memref<1x128x64xf32, #tpu.memory_space<vmem>>
          %dma_wait3A_357 = tpu.memref_squeeze %dma_wait3A_356 : memref<1x128x64xf32, #tpu.memory_space<vmem>> -> memref<128x64xf32, #tpu.memory_space<vmem>>
          %dma_wait3A_358 = arith.constant 0 : i32
          %dma_wait3A_359 = tpu.memref_slice %arg6[%add3A_260, %dma_wait3A_358] : memref<79x128xi32, #tpu.memory_space<vmem>> -> memref<1x128xi32, #tpu.memory_space<vmem>>
          %dma_wait3A_360 = tpu.memref_squeeze %dma_wait3A_359 : memref<1x128xi32, #tpu.memory_space<vmem>> -> memref<128xi32, #tpu.memory_space<vmem>>
          %dma_wait3A_361 = arith.constant 0 : i32
          %dma_wait3A_362 = arith.constant 0 : i32
          %dma_wait3A_363 = tpu.memref_slice %arg10[%dma_wait3A_361, %dma_wait3A_362] : memref<10240x64xf32, #tpu.memory_space<vmem_shared>> -> memref<10240x64xf32, #tpu.memory_space<vmem_shared>>
          tpu.wait_indirect_dma semaphore(%run_scoped3A_343 : memref<!tpu.dma_semaphore, #tpu.memory_space<semaphore_mem>>) src(%dma_wait3A_357 : memref<128x64xf32, #tpu.memory_space<vmem>>) dst(%dma_wait3A_363 : memref<10240x64xf32, #tpu.memory_space<vmem_shared>>)
          tpu.yield
        }) : () -> ()
        %add3A_273 = arith.constant 6 : i32
        %add3A_274 = arith.addi %add3A_260, %add3A_273 : i32
        %lt3A_275 = arith.constant 79 : i32
        %lt3A_276 = arith.cmpi slt, %add3A_274, %lt3A_275 : i32
        %convert_element_type3A_277 = arith.extui %lt3A_276 : i1 to i32
        %cond3A_278 = arith.constant 0 : i32
        %cond3A_279 = arith.cmpi ne, %convert_element_type3A_277, %cond3A_278 : i32
        scf.if %cond3A_279 {
          %add3A_343 = arith.constant 6 : i32
          %add3A_344 = arith.addi %add3A_260, %add3A_343 : i32
          %dma_start3A_345 = arith.constant 2 : i32
          %dma_start3A_346 = arith.constant 0 : i32
          %dma_start3A_347 = arith.constant 0 : i32
          %dma_start3A_348 = tpu.memref_slice %arg8[%dma_start3A_345, %dma_start3A_346, %dma_start3A_347] : memref<6x128x64xf32, #tpu.memory_space<vmem>> -> memref<1x128x64xf32, #tpu.memory_space<vmem>>
          %dma_start3A_349 = tpu.memref_squeeze %dma_start3A_348 : memref<1x128x64xf32, #tpu.memory_space<vmem>> -> memref<128x64xf32, #tpu.memory_space<vmem>>
          %dma_start3A_350 = arith.constant 0 : i32
          %dma_start3A_351 = tpu.memref_slice %arg7[%add3A_344, %dma_start3A_350] : memref<79x128xi32, #tpu.memory_space<vmem>> -> memref<1x128xi32, #tpu.memory_space<vmem>>
          %dma_start3A_352 = tpu.memref_squeeze %dma_start3A_351 : memref<1x128xi32, #tpu.memory_space<vmem>> -> memref<128xi32, #tpu.memory_space<vmem>>
          %dma_start3A_353 = arith.constant 0 : i32
          %dma_start3A_354 = arith.constant 0 : i32
          %dma_start3A_355 = tpu.memref_slice %arg3[%dma_start3A_353, %dma_start3A_354] : memref<10240x64xf32, #tpu.memory_space<hbm>> -> memref<10240x64xf32, #tpu.memory_space<hbm>>
          tpu.enqueue_indirect_dma source(%dma_start3A_355 : memref<10240x64xf32, #tpu.memory_space<hbm>>) target(%dma_start3A_349 : memref<128x64xf32, #tpu.memory_space<vmem>>) offsets(%dma_start3A_352 : memref<128xi32, #tpu.memory_space<vmem>>) semaphore(%run_scoped3A_1 : memref<!tpu.dma_semaphore, #tpu.memory_space<semaphore_mem>>)
        } else {
        }
        %add3A_280 = arith.constant 3 : i32
        %add3A_281 = arith.addi %add3A_219, %add3A_280 : i32
        %dma_wait3A_282 = arith.constant 3 : i32
        %dma_wait3A_283 = arith.constant 0 : i32
        %dma_wait3A_284 = arith.constant 0 : i32
        %dma_wait3A_285 = tpu.memref_slice %arg8[%dma_wait3A_282, %dma_wait3A_283, %dma_wait3A_284] : memref<6x128x64xf32, #tpu.memory_space<vmem>> -> memref<1x128x64xf32, #tpu.memory_space<vmem>>
        %dma_wait3A_286 = tpu.memref_squeeze %dma_wait3A_285 : memref<1x128x64xf32, #tpu.memory_space<vmem>> -> memref<128x64xf32, #tpu.memory_space<vmem>>
        %dma_wait3A_287 = arith.constant 0 : i32
        %dma_wait3A_288 = tpu.memref_slice %arg7[%add3A_281, %dma_wait3A_287] : memref<79x128xi32, #tpu.memory_space<vmem>> -> memref<1x128xi32, #tpu.memory_space<vmem>>
        %dma_wait3A_289 = tpu.memref_squeeze %dma_wait3A_288 : memref<1x128xi32, #tpu.memory_space<vmem>> -> memref<128xi32, #tpu.memory_space<vmem>>
        %dma_wait3A_290 = arith.constant 0 : i32
        %dma_wait3A_291 = arith.constant 0 : i32
        %dma_wait3A_292 = tpu.memref_slice %arg3[%dma_wait3A_290, %dma_wait3A_291] : memref<10240x64xf32, #tpu.memory_space<hbm>> -> memref<10240x64xf32, #tpu.memory_space<hbm>>
        tpu.wait_indirect_dma semaphore(%run_scoped3A_2 : memref<!tpu.dma_semaphore, #tpu.memory_space<semaphore_mem>>) src(%dma_wait3A_292 : memref<10240x64xf32, #tpu.memory_space<hbm>>) dst(%dma_wait3A_286 : memref<128x64xf32, #tpu.memory_space<vmem>>)
        %run_scoped3A_293 = arith.constant 3 : i32
        "tpu.region"() ({
          %run_scoped3A_343 = tpu.sem_alloc : memref<!tpu.dma_semaphore, #tpu.memory_space<semaphore_mem>>
          %dma_start3A_344 = arith.constant 0 : i32
          %dma_start3A_345 = arith.constant 0 : i32
          %dma_start3A_346 = tpu.memref_slice %arg8[%run_scoped3A_293, %dma_start3A_344, %dma_start3A_345] : memref<6x128x64xf32, #tpu.memory_space<vmem>> -> memref<1x128x64xf32, #tpu.memory_space<vmem>>
          %dma_start3A_347 = tpu.memref_squeeze %dma_start3A_346 : memref<1x128x64xf32, #tpu.memory_space<vmem>> -> memref<128x64xf32, #tpu.memory_space<vmem>>
          %dma_start3A_348 = arith.constant 0 : i32
          %dma_start3A_349 = tpu.memref_slice %arg6[%add3A_281, %dma_start3A_348] : memref<79x128xi32, #tpu.memory_space<vmem>> -> memref<1x128xi32, #tpu.memory_space<vmem>>
          %dma_start3A_350 = tpu.memref_squeeze %dma_start3A_349 : memref<1x128xi32, #tpu.memory_space<vmem>> -> memref<128xi32, #tpu.memory_space<vmem>>
          %dma_start3A_351 = arith.constant 0 : i32
          %dma_start3A_352 = arith.constant 0 : i32
          %dma_start3A_353 = tpu.memref_slice %arg10[%dma_start3A_351, %dma_start3A_352] : memref<10240x64xf32, #tpu.memory_space<vmem_shared>> -> memref<10240x64xf32, #tpu.memory_space<vmem_shared>>
          tpu.enqueue_indirect_dma source(%dma_start3A_347 : memref<128x64xf32, #tpu.memory_space<vmem>>) target(%dma_start3A_353 : memref<10240x64xf32, #tpu.memory_space<vmem_shared>>) offsets(%dma_start3A_350 : memref<128xi32, #tpu.memory_space<vmem>>) semaphore(%run_scoped3A_343 : memref<!tpu.dma_semaphore, #tpu.memory_space<semaphore_mem>>) {add = true}
          %dma_wait3A_354 = arith.constant 0 : i32
          %dma_wait3A_355 = arith.constant 0 : i32
          %dma_wait3A_356 = tpu.memref_slice %arg8[%run_scoped3A_293, %dma_wait3A_354, %dma_wait3A_355] : memref<6x128x64xf32, #tpu.memory_space<vmem>> -> memref<1x128x64xf32, #tpu.memory_space<vmem>>
          %dma_wait3A_357 = tpu.memref_squeeze %dma_wait3A_356 : memref<1x128x64xf32, #tpu.memory_space<vmem>> -> memref<128x64xf32, #tpu.memory_space<vmem>>
          %dma_wait3A_358 = arith.constant 0 : i32
          %dma_wait3A_359 = tpu.memref_slice %arg6[%add3A_281, %dma_wait3A_358] : memref<79x128xi32, #tpu.memory_space<vmem>> -> memref<1x128xi32, #tpu.memory_space<vmem>>
          %dma_wait3A_360 = tpu.memref_squeeze %dma_wait3A_359 : memref<1x128xi32, #tpu.memory_space<vmem>> -> memref<128xi32, #tpu.memory_space<vmem>>
          %dma_wait3A_361 = arith.constant 0 : i32
          %dma_wait3A_362 = arith.constant 0 : i32
          %dma_wait3A_363 = tpu.memref_slice %arg10[%dma_wait3A_361, %dma_wait3A_362] : memref<10240x64xf32, #tpu.memory_space<vmem_shared>> -> memref<10240x64xf32, #tpu.memory_space<vmem_shared>>
          tpu.wait_indirect_dma semaphore(%run_scoped3A_343 : memref<!tpu.dma_semaphore, #tpu.memory_space<semaphore_mem>>) src(%dma_wait3A_357 : memref<128x64xf32, #tpu.memory_space<vmem>>) dst(%dma_wait3A_363 : memref<10240x64xf32, #tpu.memory_space<vmem_shared>>)
          tpu.yield
        }) : () -> ()
        %add3A_294 = arith.constant 6 : i32
        %add3A_295 = arith.addi %add3A_281, %add3A_294 : i32
        %lt3A_296 = arith.constant 79 : i32
        %lt3A_297 = arith.cmpi slt, %add3A_295, %lt3A_296 : i32
        %convert_element_type3A_298 = arith.extui %lt3A_297 : i1 to i32
        %cond3A_299 = arith.constant 0 : i32
        %cond3A_300 = arith.cmpi ne, %convert_element_type3A_298, %cond3A_299 : i32
        scf.if %cond3A_300 {
          %add3A_343 = arith.constant 6 : i32
          %add3A_344 = arith.addi %add3A_281, %add3A_343 : i32
          %dma_start3A_345 = arith.constant 3 : i32
          %dma_start3A_346 = arith.constant 0 : i32
          %dma_start3A_347 = arith.constant 0 : i32
          %dma_start3A_348 = tpu.memref_slice %arg8[%dma_start3A_345, %dma_start3A_346, %dma_start3A_347] : memref<6x128x64xf32, #tpu.memory_space<vmem>> -> memref<1x128x64xf32, #tpu.memory_space<vmem>>
          %dma_start3A_349 = tpu.memref_squeeze %dma_start3A_348 : memref<1x128x64xf32, #tpu.memory_space<vmem>> -> memref<128x64xf32, #tpu.memory_space<vmem>>
          %dma_start3A_350 = arith.constant 0 : i32
          %dma_start3A_351 = tpu.memref_slice %arg7[%add3A_344, %dma_start3A_350] : memref<79x128xi32, #tpu.memory_space<vmem>> -> memref<1x128xi32, #tpu.memory_space<vmem>>
          %dma_start3A_352 = tpu.memref_squeeze %dma_start3A_351 : memref<1x128xi32, #tpu.memory_space<vmem>> -> memref<128xi32, #tpu.memory_space<vmem>>
          %dma_start3A_353 = arith.constant 0 : i32
          %dma_start3A_354 = arith.constant 0 : i32
          %dma_start3A_355 = tpu.memref_slice %arg3[%dma_start3A_353, %dma_start3A_354] : memref<10240x64xf32, #tpu.memory_space<hbm>> -> memref<10240x64xf32, #tpu.memory_space<hbm>>
          tpu.enqueue_indirect_dma source(%dma_start3A_355 : memref<10240x64xf32, #tpu.memory_space<hbm>>) target(%dma_start3A_349 : memref<128x64xf32, #tpu.memory_space<vmem>>) offsets(%dma_start3A_352 : memref<128xi32, #tpu.memory_space<vmem>>) semaphore(%run_scoped3A_2 : memref<!tpu.dma_semaphore, #tpu.memory_space<semaphore_mem>>)
        } else {
        }
        %add3A_301 = arith.constant 4 : i32
        %add3A_302 = arith.addi %add3A_219, %add3A_301 : i32
        %dma_wait3A_303 = arith.constant 4 : i32
        %dma_wait3A_304 = arith.constant 0 : i32
        %dma_wait3A_305 = arith.constant 0 : i32
        %dma_wait3A_306 = tpu.memref_slice %arg8[%dma_wait3A_303, %dma_wait3A_304, %dma_wait3A_305] : memref<6x128x64xf32, #tpu.memory_space<vmem>> -> memref<1x128x64xf32, #tpu.memory_space<vmem>>
        %dma_wait3A_307 = tpu.memref_squeeze %dma_wait3A_306 : memref<1x128x64xf32, #tpu.memory_space<vmem>> -> memref<128x64xf32, #tpu.memory_space<vmem>>
        %dma_wait3A_308 = arith.constant 0 : i32
        %dma_wait3A_309 = tpu.memref_slice %arg7[%add3A_302, %dma_wait3A_308] : memref<79x128xi32, #tpu.memory_space<vmem>> -> memref<1x128xi32, #tpu.memory_space<vmem>>
        %dma_wait3A_310 = tpu.memref_squeeze %dma_wait3A_309 : memref<1x128xi32, #tpu.memory_space<vmem>> -> memref<128xi32, #tpu.memory_space<vmem>>
        %dma_wait3A_311 = arith.constant 0 : i32
        %dma_wait3A_312 = arith.constant 0 : i32
        %dma_wait3A_313 = tpu.memref_slice %arg3[%dma_wait3A_311, %dma_wait3A_312] : memref<10240x64xf32, #tpu.memory_space<hbm>> -> memref<10240x64xf32, #tpu.memory_space<hbm>>
        tpu.wait_indirect_dma semaphore(%run_scoped3A_3 : memref<!tpu.dma_semaphore, #tpu.memory_space<semaphore_mem>>) src(%dma_wait3A_313 : memref<10240x64xf32, #tpu.memory_space<hbm>>) dst(%dma_wait3A_307 : memref<128x64xf32, #tpu.memory_space<vmem>>)
        %run_scoped3A_314 = arith.constant 4 : i32
        "tpu.region"() ({
          %run_scoped3A_343 = tpu.sem_alloc : memref<!tpu.dma_semaphore, #tpu.memory_space<semaphore_mem>>
          %dma_start3A_344 = arith.constant 0 : i32
          %dma_start3A_345 = arith.constant 0 : i32
          %dma_start3A_346 = tpu.memref_slice %arg8[%run_scoped3A_314, %dma_start3A_344, %dma_start3A_345] : memref<6x128x64xf32, #tpu.memory_space<vmem>> -> memref<1x128x64xf32, #tpu.memory_space<vmem>>
          %dma_start3A_347 = tpu.memref_squeeze %dma_start3A_346 : memref<1x128x64xf32, #tpu.memory_space<vmem>> -> memref<128x64xf32, #tpu.memory_space<vmem>>
          %dma_start3A_348 = arith.constant 0 : i32
          %dma_start3A_349 = tpu.memref_slice %arg6[%add3A_302, %dma_start3A_348] : memref<79x128xi32, #tpu.memory_space<vmem>> -> memref<1x128xi32, #tpu.memory_space<vmem>>
          %dma_start3A_350 = tpu.memref_squeeze %dma_start3A_349 : memref<1x128xi32, #tpu.memory_space<vmem>> -> memref<128xi32, #tpu.memory_space<vmem>>
          %dma_start3A_351 = arith.constant 0 : i32
          %dma_start3A_352 = arith.constant 0 : i32
          %dma_start3A_353 = tpu.memref_slice %arg10[%dma_start3A_351, %dma_start3A_352] : memref<10240x64xf32, #tpu.memory_space<vmem_shared>> -> memref<10240x64xf32, #tpu.memory_space<vmem_shared>>
          tpu.enqueue_indirect_dma source(%dma_start3A_347 : memref<128x64xf32, #tpu.memory_space<vmem>>) target(%dma_start3A_353 : memref<10240x64xf32, #tpu.memory_space<vmem_shared>>) offsets(%dma_start3A_350 : memref<128xi32, #tpu.memory_space<vmem>>) semaphore(%run_scoped3A_343 : memref<!tpu.dma_semaphore, #tpu.memory_space<semaphore_mem>>) {add = true}
          %dma_wait3A_354 = arith.constant 0 : i32
          %dma_wait3A_355 = arith.constant 0 : i32
          %dma_wait3A_356 = tpu.memref_slice %arg8[%run_scoped3A_314, %dma_wait3A_354, %dma_wait3A_355] : memref<6x128x64xf32, #tpu.memory_space<vmem>> -> memref<1x128x64xf32, #tpu.memory_space<vmem>>
          %dma_wait3A_357 = tpu.memref_squeeze %dma_wait3A_356 : memref<1x128x64xf32, #tpu.memory_space<vmem>> -> memref<128x64xf32, #tpu.memory_space<vmem>>
          %dma_wait3A_358 = arith.constant 0 : i32
          %dma_wait3A_359 = tpu.memref_slice %arg6[%add3A_302, %dma_wait3A_358] : memref<79x128xi32, #tpu.memory_space<vmem>> -> memref<1x128xi32, #tpu.memory_space<vmem>>
          %dma_wait3A_360 = tpu.memref_squeeze %dma_wait3A_359 : memref<1x128xi32, #tpu.memory_space<vmem>> -> memref<128xi32, #tpu.memory_space<vmem>>
          %dma_wait3A_361 = arith.constant 0 : i32
          %dma_wait3A_362 = arith.constant 0 : i32
          %dma_wait3A_363 = tpu.memref_slice %arg10[%dma_wait3A_361, %dma_wait3A_362] : memref<10240x64xf32, #tpu.memory_space<vmem_shared>> -> memref<10240x64xf32, #tpu.memory_space<vmem_shared>>
          tpu.wait_indirect_dma semaphore(%run_scoped3A_343 : memref<!tpu.dma_semaphore, #tpu.memory_space<semaphore_mem>>) src(%dma_wait3A_357 : memref<128x64xf32, #tpu.memory_space<vmem>>) dst(%dma_wait3A_363 : memref<10240x64xf32, #tpu.memory_space<vmem_shared>>)
          tpu.yield
        }) : () -> ()
        %add3A_315 = arith.constant 6 : i32
        %add3A_316 = arith.addi %add3A_302, %add3A_315 : i32
        %lt3A_317 = arith.constant 79 : i32
        %lt3A_318 = arith.cmpi slt, %add3A_316, %lt3A_317 : i32
        %convert_element_type3A_319 = arith.extui %lt3A_318 : i1 to i32
        %cond3A_320 = arith.constant 0 : i32
        %cond3A_321 = arith.cmpi ne, %convert_element_type3A_319, %cond3A_320 : i32
        scf.if %cond3A_321 {
          %add3A_343 = arith.constant 6 : i32
          %add3A_344 = arith.addi %add3A_302, %add3A_343 : i32
          %dma_start3A_345 = arith.constant 4 : i32
          %dma_start3A_346 = arith.constant 0 : i32
          %dma_start3A_347 = arith.constant 0 : i32
          %dma_start3A_348 = tpu.memref_slice %arg8[%dma_start3A_345, %dma_start3A_346, %dma_start3A_347] : memref<6x128x64xf32, #tpu.memory_space<vmem>> -> memref<1x128x64xf32, #tpu.memory_space<vmem>>
          %dma_start3A_349 = tpu.memref_squeeze %dma_start3A_348 : memref<1x128x64xf32, #tpu.memory_space<vmem>> -> memref<128x64xf32, #tpu.memory_space<vmem>>
          %dma_start3A_350 = arith.constant 0 : i32
          %dma_start3A_351 = tpu.memref_slice %arg7[%add3A_344, %dma_start3A_350] : memref<79x128xi32, #tpu.memory_space<vmem>> -> memref<1x128xi32, #tpu.memory_space<vmem>>
          %dma_start3A_352 = tpu.memref_squeeze %dma_start3A_351 : memref<1x128xi32, #tpu.memory_space<vmem>> -> memref<128xi32, #tpu.memory_space<vmem>>
          %dma_start3A_353 = arith.constant 0 : i32
          %dma_start3A_354 = arith.constant 0 : i32
          %dma_start3A_355 = tpu.memref_slice %arg3[%dma_start3A_353, %dma_start3A_354] : memref<10240x64xf32, #tpu.memory_space<hbm>> -> memref<10240x64xf32, #tpu.memory_space<hbm>>
          tpu.enqueue_indirect_dma source(%dma_start3A_355 : memref<10240x64xf32, #tpu.memory_space<hbm>>) target(%dma_start3A_349 : memref<128x64xf32, #tpu.memory_space<vmem>>) offsets(%dma_start3A_352 : memref<128xi32, #tpu.memory_space<vmem>>) semaphore(%run_scoped3A_3 : memref<!tpu.dma_semaphore, #tpu.memory_space<semaphore_mem>>)
        } else {
        }
        %add3A_322 = arith.constant 5 : i32
        %add3A_323 = arith.addi %add3A_219, %add3A_322 : i32
        %dma_wait3A_324 = arith.constant 5 : i32
        %dma_wait3A_325 = arith.constant 0 : i32
        %dma_wait3A_326 = arith.constant 0 : i32
        %dma_wait3A_327 = tpu.memref_slice %arg8[%dma_wait3A_324, %dma_wait3A_325, %dma_wait3A_326] : memref<6x128x64xf32, #tpu.memory_space<vmem>> -> memref<1x128x64xf32, #tpu.memory_space<vmem>>
        %dma_wait3A_328 = tpu.memref_squeeze %dma_wait3A_327 : memref<1x128x64xf32, #tpu.memory_space<vmem>> -> memref<128x64xf32, #tpu.memory_space<vmem>>
        %dma_wait3A_329 = arith.constant 0 : i32
        %dma_wait3A_330 = tpu.memref_slice %arg7[%add3A_323, %dma_wait3A_329] : memref<79x128xi32, #tpu.memory_space<vmem>> -> memref<1x128xi32, #tpu.memory_space<vmem>>
        %dma_wait3A_331 = tpu.memref_squeeze %dma_wait3A_330 : memref<1x128xi32, #tpu.memory_space<vmem>> -> memref<128xi32, #tpu.memory_space<vmem>>
        %dma_wait3A_332 = arith.constant 0 : i32
        %dma_wait3A_333 = arith.constant 0 : i32
        %dma_wait3A_334 = tpu.memref_slice %arg3[%dma_wait3A_332, %dma_wait3A_333] : memref<10240x64xf32, #tpu.memory_space<hbm>> -> memref<10240x64xf32, #tpu.memory_space<hbm>>
        tpu.wait_indirect_dma semaphore(%run_scoped3A_4 : memref<!tpu.dma_semaphore, #tpu.memory_space<semaphore_mem>>) src(%dma_wait3A_334 : memref<10240x64xf32, #tpu.memory_space<hbm>>) dst(%dma_wait3A_328 : memref<128x64xf32, #tpu.memory_space<vmem>>)
        %run_scoped3A_335 = arith.constant 5 : i32
        "tpu.region"() ({
          %run_scoped3A_343 = tpu.sem_alloc : memref<!tpu.dma_semaphore, #tpu.memory_space<semaphore_mem>>
          %dma_start3A_344 = arith.constant 0 : i32
          %dma_start3A_345 = arith.constant 0 : i32
          %dma_start3A_346 = tpu.memref_slice %arg8[%run_scoped3A_335, %dma_start3A_344, %dma_start3A_345] : memref<6x128x64xf32, #tpu.memory_space<vmem>> -> memref<1x128x64xf32, #tpu.memory_space<vmem>>
          %dma_start3A_347 = tpu.memref_squeeze %dma_start3A_346 : memref<1x128x64xf32, #tpu.memory_space<vmem>> -> memref<128x64xf32, #tpu.memory_space<vmem>>
          %dma_start3A_348 = arith.constant 0 : i32
          %dma_start3A_349 = tpu.memref_slice %arg6[%add3A_323, %dma_start3A_348] : memref<79x128xi32, #tpu.memory_space<vmem>> -> memref<1x128xi32, #tpu.memory_space<vmem>>
          %dma_start3A_350 = tpu.memref_squeeze %dma_start3A_349 : memref<1x128xi32, #tpu.memory_space<vmem>> -> memref<128xi32, #tpu.memory_space<vmem>>
          %dma_start3A_351 = arith.constant 0 : i32
          %dma_start3A_352 = arith.constant 0 : i32
          %dma_start3A_353 = tpu.memref_slice %arg10[%dma_start3A_351, %dma_start3A_352] : memref<10240x64xf32, #tpu.memory_space<vmem_shared>> -> memref<10240x64xf32, #tpu.memory_space<vmem_shared>>
          tpu.enqueue_indirect_dma source(%dma_start3A_347 : memref<128x64xf32, #tpu.memory_space<vmem>>) target(%dma_start3A_353 : memref<10240x64xf32, #tpu.memory_space<vmem_shared>>) offsets(%dma_start3A_350 : memref<128xi32, #tpu.memory_space<vmem>>) semaphore(%run_scoped3A_343 : memref<!tpu.dma_semaphore, #tpu.memory_space<semaphore_mem>>) {add = true}
          %dma_wait3A_354 = arith.constant 0 : i32
          %dma_wait3A_355 = arith.constant 0 : i32
          %dma_wait3A_356 = tpu.memref_slice %arg8[%run_scoped3A_335, %dma_wait3A_354, %dma_wait3A_355] : memref<6x128x64xf32, #tpu.memory_space<vmem>> -> memref<1x128x64xf32, #tpu.memory_space<vmem>>
          %dma_wait3A_357 = tpu.memref_squeeze %dma_wait3A_356 : memref<1x128x64xf32, #tpu.memory_space<vmem>> -> memref<128x64xf32, #tpu.memory_space<vmem>>
          %dma_wait3A_358 = arith.constant 0 : i32
          %dma_wait3A_359 = tpu.memref_slice %arg6[%add3A_323, %dma_wait3A_358] : memref<79x128xi32, #tpu.memory_space<vmem>> -> memref<1x128xi32, #tpu.memory_space<vmem>>
          %dma_wait3A_360 = tpu.memref_squeeze %dma_wait3A_359 : memref<1x128xi32, #tpu.memory_space<vmem>> -> memref<128xi32, #tpu.memory_space<vmem>>
          %dma_wait3A_361 = arith.constant 0 : i32
          %dma_wait3A_362 = arith.constant 0 : i32
          %dma_wait3A_363 = tpu.memref_slice %arg10[%dma_wait3A_361, %dma_wait3A_362] : memref<10240x64xf32, #tpu.memory_space<vmem_shared>> -> memref<10240x64xf32, #tpu.memory_space<vmem_shared>>
          tpu.wait_indirect_dma semaphore(%run_scoped3A_343 : memref<!tpu.dma_semaphore, #tpu.memory_space<semaphore_mem>>) src(%dma_wait3A_357 : memref<128x64xf32, #tpu.memory_space<vmem>>) dst(%dma_wait3A_363 : memref<10240x64xf32, #tpu.memory_space<vmem_shared>>)
          tpu.yield
        }) : () -> ()
        %add3A_336 = arith.constant 6 : i32
        %add3A_337 = arith.addi %add3A_323, %add3A_336 : i32
        %lt3A_338 = arith.constant 79 : i32
        %lt3A_339 = arith.cmpi slt, %add3A_337, %lt3A_338 : i32
        %convert_element_type3A_340 = arith.extui %lt3A_339 : i1 to i32
        %cond3A_341 = arith.constant 0 : i32
        %cond3A_342 = arith.cmpi ne, %convert_element_type3A_340, %cond3A_341 : i32
        scf.if %cond3A_342 {
          %add3A_343 = arith.constant 6 : i32
          %add3A_344 = arith.addi %add3A_323, %add3A_343 : i32
          %dma_start3A_345 = arith.constant 5 : i32
          %dma_start3A_346 = arith.constant 0 : i32
          %dma_start3A_347 = arith.constant 0 : i32
          %dma_start3A_348 = tpu.memref_slice %arg8[%dma_start3A_345, %dma_start3A_346, %dma_start3A_347] : memref<6x128x64xf32, #tpu.memory_space<vmem>> -> memref<1x128x64xf32, #tpu.memory_space<vmem>>
          %dma_start3A_349 = tpu.memref_squeeze %dma_start3A_348 : memref<1x128x64xf32, #tpu.memory_space<vmem>> -> memref<128x64xf32, #tpu.memory_space<vmem>>
          %dma_start3A_350 = arith.constant 0 : i32
          %dma_start3A_351 = tpu.memref_slice %arg7[%add3A_344, %dma_start3A_350] : memref<79x128xi32, #tpu.memory_space<vmem>> -> memref<1x128xi32, #tpu.memory_space<vmem>>
          %dma_start3A_352 = tpu.memref_squeeze %dma_start3A_351 : memref<1x128xi32, #tpu.memory_space<vmem>> -> memref<128xi32, #tpu.memory_space<vmem>>
          %dma_start3A_353 = arith.constant 0 : i32
          %dma_start3A_354 = arith.constant 0 : i32
          %dma_start3A_355 = tpu.memref_slice %arg3[%dma_start3A_353, %dma_start3A_354] : memref<10240x64xf32, #tpu.memory_space<hbm>> -> memref<10240x64xf32, #tpu.memory_space<hbm>>
          tpu.enqueue_indirect_dma source(%dma_start3A_355 : memref<10240x64xf32, #tpu.memory_space<hbm>>) target(%dma_start3A_349 : memref<128x64xf32, #tpu.memory_space<vmem>>) offsets(%dma_start3A_352 : memref<128xi32, #tpu.memory_space<vmem>>) semaphore(%run_scoped3A_4 : memref<!tpu.dma_semaphore, #tpu.memory_space<semaphore_mem>>)
        } else {
        }
      }
      %scan3A_194 = arith.constant 13 : i32
      %dma_wait3A_195 = arith.constant 78 : i32
      %dma_wait3A_196 = arith.constant 0 : i32
      %dma_wait3A_197 = arith.constant 0 : i32
      %dma_wait3A_198 = arith.constant 0 : i32
      %dma_wait3A_199 = tpu.memref_slice %arg8[%dma_wait3A_196, %dma_wait3A_197, %dma_wait3A_198] : memref<6x128x64xf32, #tpu.memory_space<vmem>> -> memref<1x128x64xf32, #tpu.memory_space<vmem>>
      %dma_wait3A_200 = tpu.memref_squeeze %dma_wait3A_199 : memref<1x128x64xf32, #tpu.memory_space<vmem>> -> memref<128x64xf32, #tpu.memory_space<vmem>>
      %dma_wait3A_201 = arith.constant 0 : i32
      %dma_wait3A_202 = tpu.memref_slice %arg7[%dma_wait3A_195, %dma_wait3A_201] : memref<79x128xi32, #tpu.memory_space<vmem>> -> memref<1x128xi32, #tpu.memory_space<vmem>>
      %dma_wait3A_203 = tpu.memref_squeeze %dma_wait3A_202 : memref<1x128xi32, #tpu.memory_space<vmem>> -> memref<128xi32, #tpu.memory_space<vmem>>
      %dma_wait3A_204 = arith.constant 0 : i32
      %dma_wait3A_205 = arith.constant 0 : i32
      %dma_wait3A_206 = tpu.memref_slice %arg3[%dma_wait3A_204, %dma_wait3A_205] : memref<10240x64xf32, #tpu.memory_space<hbm>> -> memref<10240x64xf32, #tpu.memory_space<hbm>>
      tpu.wait_indirect_dma semaphore(%run_scoped3A : memref<!tpu.dma_semaphore, #tpu.memory_space<semaphore_mem>>) src(%dma_wait3A_206 : memref<10240x64xf32, #tpu.memory_space<hbm>>) dst(%dma_wait3A_200 : memref<128x64xf32, #tpu.memory_space<vmem>>)
      %run_scoped3A_207 = arith.constant 0 : i32
      %run_scoped3A_208 = arith.constant 78 : i32
      "tpu.region"() ({
        %run_scoped3A_215 = tpu.sem_alloc : memref<!tpu.dma_semaphore, #tpu.memory_space<semaphore_mem>>
        %dma_start3A_216 = arith.constant 0 : i32
        %dma_start3A_217 = arith.constant 0 : i32
        %dma_start3A_218 = tpu.memref_slice %arg8[%run_scoped3A_207, %dma_start3A_216, %dma_start3A_217] : memref<6x128x64xf32, #tpu.memory_space<vmem>> -> memref<1x128x64xf32, #tpu.memory_space<vmem>>
        %dma_start3A_219 = tpu.memref_squeeze %dma_start3A_218 : memref<1x128x64xf32, #tpu.memory_space<vmem>> -> memref<128x64xf32, #tpu.memory_space<vmem>>
        %dma_start3A_220 = arith.constant 0 : i32
        %dma_start3A_221 = tpu.memref_slice %arg6[%run_scoped3A_208, %dma_start3A_220] : memref<79x128xi32, #tpu.memory_space<vmem>> -> memref<1x128xi32, #tpu.memory_space<vmem>>
        %dma_start3A_222 = tpu.memref_squeeze %dma_start3A_221 : memref<1x128xi32, #tpu.memory_space<vmem>> -> memref<128xi32, #tpu.memory_space<vmem>>
        %dma_start3A_223 = arith.constant 0 : i32
        %dma_start3A_224 = arith.constant 0 : i32
        %dma_start3A_225 = tpu.memref_slice %arg10[%dma_start3A_223, %dma_start3A_224] : memref<10240x64xf32, #tpu.memory_space<vmem_shared>> -> memref<10240x64xf32, #tpu.memory_space<vmem_shared>>
        tpu.enqueue_indirect_dma source(%dma_start3A_219 : memref<128x64xf32, #tpu.memory_space<vmem>>) target(%dma_start3A_225 : memref<10240x64xf32, #tpu.memory_space<vmem_shared>>) offsets(%dma_start3A_222 : memref<128xi32, #tpu.memory_space<vmem>>) semaphore(%run_scoped3A_215 : memref<!tpu.dma_semaphore, #tpu.memory_space<semaphore_mem>>) {add = true}
        %dma_wait3A_226 = arith.constant 0 : i32
        %dma_wait3A_227 = arith.constant 0 : i32
        %dma_wait3A_228 = tpu.memref_slice %arg8[%run_scoped3A_207, %dma_wait3A_226, %dma_wait3A_227] : memref<6x128x64xf32, #tpu.memory_space<vmem>> -> memref<1x128x64xf32, #tpu.memory_space<vmem>>
        %dma_wait3A_229 = tpu.memref_squeeze %dma_wait3A_228 : memref<1x128x64xf32, #tpu.memory_space<vmem>> -> memref<128x64xf32, #tpu.memory_space<vmem>>
        %dma_wait3A_230 = arith.constant 0 : i32
        %dma_wait3A_231 = tpu.memref_slice %arg6[%run_scoped3A_208, %dma_wait3A_230] : memref<79x128xi32, #tpu.memory_space<vmem>> -> memref<1x128xi32, #tpu.memory_space<vmem>>
        %dma_wait3A_232 = tpu.memref_squeeze %dma_wait3A_231 : memref<1x128xi32, #tpu.memory_space<vmem>> -> memref<128xi32, #tpu.memory_space<vmem>>
        %dma_wait3A_233 = arith.constant 0 : i32
        %dma_wait3A_234 = arith.constant 0 : i32
        %dma_wait3A_235 = tpu.memref_slice %arg10[%dma_wait3A_233, %dma_wait3A_234] : memref<10240x64xf32, #tpu.memory_space<vmem_shared>> -> memref<10240x64xf32, #tpu.memory_space<vmem_shared>>
        tpu.wait_indirect_dma semaphore(%run_scoped3A_215 : memref<!tpu.dma_semaphore, #tpu.memory_space<semaphore_mem>>) src(%dma_wait3A_229 : memref<128x64xf32, #tpu.memory_space<vmem>>) dst(%dma_wait3A_235 : memref<10240x64xf32, #tpu.memory_space<vmem_shared>>)
        tpu.yield
      }) : () -> ()
      %barrier3A_209 = arith.constant 0 : index
      tpu.barrier barrier_id(%barrier3A_209)
      %mul3A_210 = arith.constant 640 : i32
      %mul3A_211 = arith.muli %arg1, %mul3A_210 : i32
      %mul3A_212 = arith.constant 640 : i32
      %mul3A_213 = arith.muli %arg1, %mul3A_212 : i32
      "tpu.region"() ({
        %run_scoped3A_215 = tpu.sem_alloc : memref<!tpu.dma_semaphore, #tpu.memory_space<semaphore_mem>>
        %dma_start3A_216 = arith.constant 64 : i32
        %dma_start3A_217 = tpu.memref_slice %arg5[%arg0, %mul3A_213, %dma_start3A_216] : memref<2x10240x128xf32, #tpu.memory_space<hbm>> -> memref<1x640x64xf32, #tpu.memory_space<hbm>>
        %dma_start3A_218 = tpu.memref_squeeze %dma_start3A_217 : memref<1x640x64xf32, #tpu.memory_space<hbm>> -> memref<640x64xf32, #tpu.memory_space<hbm>>
        %dma_start3A_219 = arith.constant 0 : i32
        %dma_start3A_220 = tpu.memref_slice %arg10[%mul3A_211, %dma_start3A_219] : memref<10240x64xf32, #tpu.memory_space<vmem_shared>> -> memref<640x64xf32, #tpu.memory_space<vmem_shared>>
        tpu.enqueue_dma source(%dma_start3A_220 : memref<640x64xf32, #tpu.memory_space<vmem_shared>>) target(%dma_start3A_218 : memref<640x64xf32, #tpu.memory_space<hbm>>) target_semaphore(%run_scoped3A_215 : memref<!tpu.dma_semaphore, #tpu.memory_space<semaphore_mem>>)
        %dma_wait3A_221 = arith.constant 64 : i32
        %dma_wait3A_222 = tpu.memref_slice %arg5[%arg0, %mul3A_213, %dma_wait3A_221] : memref<2x10240x128xf32, #tpu.memory_space<hbm>> -> memref<1x640x64xf32, #tpu.memory_space<hbm>>
        %dma_wait3A_223 = tpu.memref_squeeze %dma_wait3A_222 : memref<1x640x64xf32, #tpu.memory_space<hbm>> -> memref<640x64xf32, #tpu.memory_space<hbm>>
        %dma_wait3A_224 = arith.constant 0 : i32
        %dma_wait3A_225 = tpu.memref_slice %arg10[%mul3A_211, %dma_wait3A_224] : memref<10240x64xf32, #tpu.memory_space<vmem_shared>> -> memref<640x64xf32, #tpu.memory_space<vmem_shared>>
        tpu.wait_dma2 semaphore(%run_scoped3A_215 : memref<!tpu.dma_semaphore, #tpu.memory_space<semaphore_mem>>) src(%dma_wait3A_225 : memref<640x64xf32, #tpu.memory_space<vmem_shared>>) dst(%dma_wait3A_223 : memref<640x64xf32, #tpu.memory_space<hbm>>)
        tpu.yield
      }) : () -> ()
      %barrier3A_214 = arith.constant 0 : index
      tpu.barrier barrier_id(%barrier3A_214)
      tpu.yield
    }) : () -> ()
    return
  }
}

#map = affine_map<(d0, d1) -> (0, 0, 0, 0)>
module attributes {stable_mosaic.version = 14 : i64} {
  func.func @_deg_tec(%arg0: i32, %arg1: i32, %arg2: memref<2x32x79x128xi32, #tpu.memory_space<hbm>>, %arg3: memref<8x32x2x1280xf32, #tpu.memory_space<hbm>>, %arg4: memref<79x128xi32, #tpu.memory_space<vmem>>, %arg5: memref<81920xf32, #tpu.memory_space<vmem>>, %arg6: memref<10240xf32, #tpu.memory_space<vmem>>) attributes {dimension_semantics = [#tpu.dimension_semantics<core_parallel>, #tpu.dimension_semantics<subcore_parallel>], iteration_bounds = array<i64: 2, 16>, scalar_prefetch = 0 : i64, scratch_operands = 3 : i64, tpu.core_type = #tpu.core_type<sc_vector_subcore>, window_params = [{transform_indices = #map}, {transform_indices = #map}]} {
    %mul3A = arith.constant 2 : i32
    %mul3A_0 = arith.muli %arg1, %mul3A : i32
    %add3A = arith.addi %mul3A_0, %arg0 : i32
    %iota3A = tpu.iota {dimensions = array<i32: 0>} : vector<16xi32>
    %and3A = arith.constant 7 : i32
    %and3A_1 = vector.broadcast %and3A : i32 to vector<16xi32>
    %and3A_2 = arith.andi %iota3A, %and3A_1 : vector<16xi32>
    %mul3A_3 = arith.constant 10240 : i32
    %mul3A_4 = vector.broadcast %mul3A_3 : i32 to vector<16xi32>
    %mul3A_5 = arith.muli %and3A_2, %mul3A_4 : vector<16xi32>
    %lt3A = arith.constant 8 : i32
    %lt3A_6 = vector.broadcast %lt3A : i32 to vector<16xi32>
    %lt3A_7 = arith.cmpi slt, %iota3A, %lt3A_6 : vector<16xi32>
    %not3A = arith.constant dense<true> : vector<16xi1>
    %not3A_8 = arith.xori %lt3A_7, %not3A : vector<16xi1>
    %broadcast_in_dim3A = arith.constant 1.000000e+00 : f32
    %broadcast_in_dim3A_9 = vector.broadcast %broadcast_in_dim3A : f32 to vector<16xf32>
    %scan3A = arith.constant 0 : i32
    %scan3A_10 = arith.constant 5120 : i32
    %scan3A_11 = arith.addi %scan3A, %scan3A_10 : i32
    %scan3A_12 = arith.constant 4 : i32
    scf.for %scan3A_45 = %scan3A to %scan3A_11 step %scan3A_12  : i32 {
      %mul3A_46 = arith.constant 16 : i32
      %mul3A_47 = arith.muli %scan3A_45, %mul3A_46 : i32
      %add3A_48 = arith.constant 0 : i32
      %add3A_49 = arith.addi %add3A_48, %mul3A_47 : i32
      %broadcast_in_dim3A_50 = arith.constant 0.000000e+00 : f32
      %broadcast_in_dim3A_51 = vector.broadcast %broadcast_in_dim3A_50 : f32 to vector<16xf32>
      %swap3A = arith.index_cast %add3A_49 : i32 to index
      %swap3A_52 = tpu.vector_load %arg5[%swap3A] {strides = array<i32>} : memref<81920xf32, #tpu.memory_space<vmem>>, vector<16xf32>,
      tpu.vector_store %arg5[%swap3A], %broadcast_in_dim3A_51 {strides = array<i32>} : memref<81920xf32, #tpu.memory_space<vmem>>, vector<16xf32>,
      %scan3A_53 = arith.constant 1 : i32
      %scan3A_54 = arith.addi %scan3A_45, %scan3A_53 : i32
      %mul3A_55 = arith.constant 16 : i32
      %mul3A_56 = arith.muli %scan3A_54, %mul3A_55 : i32
      %add3A_57 = arith.constant 0 : i32
      %add3A_58 = arith.addi %add3A_57, %mul3A_56 : i32
      %broadcast_in_dim3A_59 = arith.constant 0.000000e+00 : f32
      %broadcast_in_dim3A_60 = vector.broadcast %broadcast_in_dim3A_59 : f32 to vector<16xf32>
      %swap3A_61 = arith.index_cast %add3A_58 : i32 to index
      %swap3A_62 = tpu.vector_load %arg5[%swap3A_61] {strides = array<i32>} : memref<81920xf32, #tpu.memory_space<vmem>>, vector<16xf32>,
      tpu.vector_store %arg5[%swap3A_61], %broadcast_in_dim3A_60 {strides = array<i32>} : memref<81920xf32, #tpu.memory_space<vmem>>, vector<16xf32>,
      %scan3A_63 = arith.constant 2 : i32
      %scan3A_64 = arith.addi %scan3A_45, %scan3A_63 : i32
      %mul3A_65 = arith.constant 16 : i32
      %mul3A_66 = arith.muli %scan3A_64, %mul3A_65 : i32
      %add3A_67 = arith.constant 0 : i32
      %add3A_68 = arith.addi %add3A_67, %mul3A_66 : i32
      %broadcast_in_dim3A_69 = arith.constant 0.000000e+00 : f32
      %broadcast_in_dim3A_70 = vector.broadcast %broadcast_in_dim3A_69 : f32 to vector<16xf32>
      %swap3A_71 = arith.index_cast %add3A_68 : i32 to index
      %swap3A_72 = tpu.vector_load %arg5[%swap3A_71] {strides = array<i32>} : memref<81920xf32, #tpu.memory_space<vmem>>, vector<16xf32>,
      tpu.vector_store %arg5[%swap3A_71], %broadcast_in_dim3A_70 {strides = array<i32>} : memref<81920xf32, #tpu.memory_space<vmem>>, vector<16xf32>,
      %scan3A_73 = arith.constant 3 : i32
      %scan3A_74 = arith.addi %scan3A_45, %scan3A_73 : i32
      %mul3A_75 = arith.constant 16 : i32
      %mul3A_76 = arith.muli %scan3A_74, %mul3A_75 : i32
      %add3A_77 = arith.constant 0 : i32
      %add3A_78 = arith.addi %add3A_77, %mul3A_76 : i32
      %broadcast_in_dim3A_79 = arith.constant 0.000000e+00 : f32
      %broadcast_in_dim3A_80 = vector.broadcast %broadcast_in_dim3A_79 : f32 to vector<16xf32>
      %swap3A_81 = arith.index_cast %add3A_78 : i32 to index
      %swap3A_82 = tpu.vector_load %arg5[%swap3A_81] {strides = array<i32>} : memref<81920xf32, #tpu.memory_space<vmem>>, vector<16xf32>,
      tpu.vector_store %arg5[%swap3A_81], %broadcast_in_dim3A_80 {strides = array<i32>} : memref<81920xf32, #tpu.memory_space<vmem>>, vector<16xf32>,
    }
    %scan3A_13 = arith.constant 5120 : i32
    %run_scoped3A = arith.constant 0 : i32
    "tpu.region"() ({
      %run_scoped3A_45 = tpu.sem_alloc : memref<!tpu.dma_semaphore, #tpu.memory_space<semaphore_mem>>
      %dma_start3A = arith.constant 0 : i32
      %dma_start3A_46 = arith.constant 0 : i32
      %dma_start3A_47 = tpu.memref_slice %arg2[%run_scoped3A, %add3A, %dma_start3A, %dma_start3A_46] : memref<2x32x79x128xi32, #tpu.memory_space<hbm>> -> memref<1x1x79x128xi32, #tpu.memory_space<hbm>>
      %dma_start3A_48 = tpu.memref_squeeze %dma_start3A_47 : memref<1x1x79x128xi32, #tpu.memory_space<hbm>> -> memref<79x128xi32, #tpu.memory_space<hbm>>
      %dma_start3A_49 = arith.constant 0 : i32
      %dma_start3A_50 = arith.constant 0 : i32
      %dma_start3A_51 = tpu.memref_slice %arg2[%run_scoped3A, %add3A, %dma_start3A_49, %dma_start3A_50] : memref<2x32x79x128xi32, #tpu.memory_space<hbm>> -> memref<1x1x79x128xi32, #tpu.memory_space<hbm>>
      %dma_start3A_52 = tpu.memref_squeeze %dma_start3A_51 : memref<1x1x79x128xi32, #tpu.memory_space<hbm>> -> memref<79x128xi32, #tpu.memory_space<hbm>>
      tpu.enqueue_dma source(%dma_start3A_52 : memref<79x128xi32, #tpu.memory_space<hbm>>) target(%arg4 : memref<79x128xi32, #tpu.memory_space<vmem>>) target_semaphore(%run_scoped3A_45 : memref<!tpu.dma_semaphore, #tpu.memory_space<semaphore_mem>>)
      %dma_wait3A = arith.constant 0 : i32
      %dma_wait3A_53 = arith.constant 0 : i32
      %dma_wait3A_54 = tpu.memref_slice %arg2[%run_scoped3A, %add3A, %dma_wait3A, %dma_wait3A_53] : memref<2x32x79x128xi32, #tpu.memory_space<hbm>> -> memref<1x1x79x128xi32, #tpu.memory_space<hbm>>
      %dma_wait3A_55 = tpu.memref_squeeze %dma_wait3A_54 : memref<1x1x79x128xi32, #tpu.memory_space<hbm>> -> memref<79x128xi32, #tpu.memory_space<hbm>>
      %dma_wait3A_56 = arith.constant 0 : i32
      %dma_wait3A_57 = arith.constant 0 : i32
      %dma_wait3A_58 = tpu.memref_slice %arg2[%run_scoped3A, %add3A, %dma_wait3A_56, %dma_wait3A_57] : memref<2x32x79x128xi32, #tpu.memory_space<hbm>> -> memref<1x1x79x128xi32, #tpu.memory_space<hbm>>
      %dma_wait3A_59 = tpu.memref_squeeze %dma_wait3A_58 : memref<1x1x79x128xi32, #tpu.memory_space<hbm>> -> memref<79x128xi32, #tpu.memory_space<hbm>>
      tpu.wait_dma2 semaphore(%run_scoped3A_45 : memref<!tpu.dma_semaphore, #tpu.memory_space<semaphore_mem>>) src(%dma_wait3A_59 : memref<79x128xi32, #tpu.memory_space<hbm>>) dst(%arg4 : memref<79x128xi32, #tpu.memory_space<vmem>>)
      tpu.yield
    }) : () -> ()
    %scan3A_14 = arith.constant 0 : i32
    %scan3A_15 = arith.constant 79 : i32
    %scan3A_16 = arith.addi %scan3A_14, %scan3A_15 : i32
    %scan3A_17 = arith.constant 1 : i32
    scf.for %scan3A_45 = %scan3A_14 to %scan3A_16 step %scan3A_17  : i32 {
      %mul3A_46 = arith.constant 1 : i32
      %mul3A_47 = arith.muli %scan3A_45, %mul3A_46 : i32
      %add3A_48 = arith.constant 0 : i32
      %add3A_49 = arith.addi %add3A_48, %mul3A_47 : i32
      %scan3A_50 = arith.constant 0 : i32
      %scan3A_51 = arith.constant 8 : i32
      %scan3A_52 = arith.addi %scan3A_50, %scan3A_51 : i32
      %scan3A_53 = arith.constant 4 : i32
      scf.for %scan3A_55 = %scan3A_50 to %scan3A_52 step %scan3A_53  : i32 {
        %mul3A_56 = arith.constant 16 : i32
        %mul3A_57 = arith.muli %scan3A_55, %mul3A_56 : i32
        %add3A_58 = arith.constant 0 : i32
        %add3A_59 = arith.addi %add3A_58, %mul3A_57 : i32
        %get3A = arith.index_cast %add3A_49 : i32 to index
        %get3A_60 = arith.index_cast %add3A_59 : i32 to index
        %get3A_61 = tpu.vector_load %arg4[%get3A, %get3A_60] {strides = array<i32>} : memref<79x128xi32, #tpu.memory_space<vmem>>, vector<16xi32>,
        %add3A_62 = arith.addi %get3A_61, %mul3A_5 : vector<16xi32>
        tpu.vector_store_idx %arg5[%add3A_62], %broadcast_in_dim3A_9 masked %lt3A_7 {add = true} : memref<81920xf32, #tpu.memory_space<vmem>>[vector<16xi32>], vector<16xf32>, vector<16xi1>
        tpu.vector_store_idx %arg5[%add3A_62], %broadcast_in_dim3A_9 masked %not3A_8 {add = true} : memref<81920xf32, #tpu.memory_space<vmem>>[vector<16xi32>], vector<16xf32>, vector<16xi1>
        %scan3A_63 = arith.constant 1 : i32
        %scan3A_64 = arith.addi %scan3A_55, %scan3A_63 : i32
        %mul3A_65 = arith.constant 16 : i32
        %mul3A_66 = arith.muli %scan3A_64, %mul3A_65 : i32
        %add3A_67 = arith.constant 0 : i32
        %add3A_68 = arith.addi %add3A_67, %mul3A_66 : i32
        %get3A_69 = arith.index_cast %add3A_49 : i32 to index
        %get3A_70 = arith.index_cast %add3A_68 : i32 to index
        %get3A_71 = tpu.vector_load %arg4[%get3A_69, %get3A_70] {strides = array<i32>} : memref<79x128xi32, #tpu.memory_space<vmem>>, vector<16xi32>,
        %add3A_72 = arith.addi %get3A_71, %mul3A_5 : vector<16xi32>
        tpu.vector_store_idx %arg5[%add3A_72], %broadcast_in_dim3A_9 masked %lt3A_7 {add = true} : memref<81920xf32, #tpu.memory_space<vmem>>[vector<16xi32>], vector<16xf32>, vector<16xi1>
        tpu.vector_store_idx %arg5[%add3A_72], %broadcast_in_dim3A_9 masked %not3A_8 {add = true} : memref<81920xf32, #tpu.memory_space<vmem>>[vector<16xi32>], vector<16xf32>, vector<16xi1>
        %scan3A_73 = arith.constant 2 : i32
        %scan3A_74 = arith.addi %scan3A_55, %scan3A_73 : i32
        %mul3A_75 = arith.constant 16 : i32
        %mul3A_76 = arith.muli %scan3A_74, %mul3A_75 : i32
        %add3A_77 = arith.constant 0 : i32
        %add3A_78 = arith.addi %add3A_77, %mul3A_76 : i32
        %get3A_79 = arith.index_cast %add3A_49 : i32 to index
        %get3A_80 = arith.index_cast %add3A_78 : i32 to index
        %get3A_81 = tpu.vector_load %arg4[%get3A_79, %get3A_80] {strides = array<i32>} : memref<79x128xi32, #tpu.memory_space<vmem>>, vector<16xi32>,
        %add3A_82 = arith.addi %get3A_81, %mul3A_5 : vector<16xi32>
        tpu.vector_store_idx %arg5[%add3A_82], %broadcast_in_dim3A_9 masked %lt3A_7 {add = true} : memref<81920xf32, #tpu.memory_space<vmem>>[vector<16xi32>], vector<16xf32>, vector<16xi1>
        tpu.vector_store_idx %arg5[%add3A_82], %broadcast_in_dim3A_9 masked %not3A_8 {add = true} : memref<81920xf32, #tpu.memory_space<vmem>>[vector<16xi32>], vector<16xf32>, vector<16xi1>
        %scan3A_83 = arith.constant 3 : i32
        %scan3A_84 = arith.addi %scan3A_55, %scan3A_83 : i32
        %mul3A_85 = arith.constant 16 : i32
        %mul3A_86 = arith.muli %scan3A_84, %mul3A_85 : i32
        %add3A_87 = arith.constant 0 : i32
        %add3A_88 = arith.addi %add3A_87, %mul3A_86 : i32
        %get3A_89 = arith.index_cast %add3A_49 : i32 to index
        %get3A_90 = arith.index_cast %add3A_88 : i32 to index
        %get3A_91 = tpu.vector_load %arg4[%get3A_89, %get3A_90] {strides = array<i32>} : memref<79x128xi32, #tpu.memory_space<vmem>>, vector<16xi32>,
        %add3A_92 = arith.addi %get3A_91, %mul3A_5 : vector<16xi32>
        tpu.vector_store_idx %arg5[%add3A_92], %broadcast_in_dim3A_9 masked %lt3A_7 {add = true} : memref<81920xf32, #tpu.memory_space<vmem>>[vector<16xi32>], vector<16xf32>, vector<16xi1>
        tpu.vector_store_idx %arg5[%add3A_92], %broadcast_in_dim3A_9 masked %not3A_8 {add = true} : memref<81920xf32, #tpu.memory_space<vmem>>[vector<16xi32>], vector<16xf32>, vector<16xi1>
      }
      %scan3A_54 = arith.constant 8 : i32
    }
    %scan3A_18 = arith.constant 79 : i32
    %scan3A_19 = arith.constant 0 : i32
    %scan3A_20 = arith.constant 640 : i32
    %scan3A_21 = arith.addi %scan3A_19, %scan3A_20 : i32
    %scan3A_22 = arith.constant 4 : i32
    scf.for %scan3A_45 = %scan3A_19 to %scan3A_21 step %scan3A_22  : i32 {
      %mul3A_46 = arith.constant 16 : i32
      %mul3A_47 = arith.muli %scan3A_45, %mul3A_46 : i32
      %add3A_48 = arith.constant 0 : i32
      %add3A_49 = arith.addi %add3A_48, %mul3A_47 : i32
      %get3A = arith.index_cast %add3A_49 : i32 to index
      %get3A_50 = tpu.vector_load %arg5[%get3A] {strides = array<i32>} : memref<81920xf32, #tpu.memory_space<vmem>>, vector<16xf32>,
      %add3A_51 = arith.constant 10240 : i32
      %add3A_52 = arith.addi %add3A_51, %add3A_49 : i32
      %get3A_53 = arith.index_cast %add3A_52 : i32 to index
      %get3A_54 = tpu.vector_load %arg5[%get3A_53] {strides = array<i32>} : memref<81920xf32, #tpu.memory_space<vmem>>, vector<16xf32>,
      %add3A_55 = arith.addf %get3A_50, %get3A_54 : vector<16xf32>
      %add3A_56 = arith.constant 20480 : i32
      %add3A_57 = arith.addi %add3A_56, %add3A_49 : i32
      %get3A_58 = arith.index_cast %add3A_57 : i32 to index
      %get3A_59 = tpu.vector_load %arg5[%get3A_58] {strides = array<i32>} : memref<81920xf32, #tpu.memory_space<vmem>>, vector<16xf32>,
      %add3A_60 = arith.addf %add3A_55, %get3A_59 : vector<16xf32>
      %add3A_61 = arith.constant 30720 : i32
      %add3A_62 = arith.addi %add3A_61, %add3A_49 : i32
      %get3A_63 = arith.index_cast %add3A_62 : i32 to index
      %get3A_64 = tpu.vector_load %arg5[%get3A_63] {strides = array<i32>} : memref<81920xf32, #tpu.memory_space<vmem>>, vector<16xf32>,
      %add3A_65 = arith.addf %add3A_60, %get3A_64 : vector<16xf32>
      %add3A_66 = arith.constant 40960 : i32
      %add3A_67 = arith.addi %add3A_66, %add3A_49 : i32
      %get3A_68 = arith.index_cast %add3A_67 : i32 to index
      %get3A_69 = tpu.vector_load %arg5[%get3A_68] {strides = array<i32>} : memref<81920xf32, #tpu.memory_space<vmem>>, vector<16xf32>,
      %add3A_70 = arith.addf %add3A_65, %get3A_69 : vector<16xf32>
      %add3A_71 = arith.constant 51200 : i32
      %add3A_72 = arith.addi %add3A_71, %add3A_49 : i32
      %get3A_73 = arith.index_cast %add3A_72 : i32 to index
      %get3A_74 = tpu.vector_load %arg5[%get3A_73] {strides = array<i32>} : memref<81920xf32, #tpu.memory_space<vmem>>, vector<16xf32>,
      %add3A_75 = arith.addf %add3A_70, %get3A_74 : vector<16xf32>
      %add3A_76 = arith.constant 61440 : i32
      %add3A_77 = arith.addi %add3A_76, %add3A_49 : i32
      %get3A_78 = arith.index_cast %add3A_77 : i32 to index
      %get3A_79 = tpu.vector_load %arg5[%get3A_78] {strides = array<i32>} : memref<81920xf32, #tpu.memory_space<vmem>>, vector<16xf32>,
      %add3A_80 = arith.addf %add3A_75, %get3A_79 : vector<16xf32>
      %add3A_81 = arith.constant 71680 : i32
      %add3A_82 = arith.addi %add3A_81, %add3A_49 : i32
      %get3A_83 = arith.index_cast %add3A_82 : i32 to index
      %get3A_84 = tpu.vector_load %arg5[%get3A_83] {strides = array<i32>} : memref<81920xf32, #tpu.memory_space<vmem>>, vector<16xf32>,
      %add3A_85 = arith.addf %add3A_80, %get3A_84 : vector<16xf32>
      %swap3A = arith.index_cast %add3A_49 : i32 to index
      %swap3A_86 = tpu.vector_load %arg6[%swap3A] {strides = array<i32>} : memref<10240xf32, #tpu.memory_space<vmem>>, vector<16xf32>,
      tpu.vector_store %arg6[%swap3A], %add3A_85 {strides = array<i32>} : memref<10240xf32, #tpu.memory_space<vmem>>, vector<16xf32>,
      %scan3A_87 = arith.constant 1 : i32
      %scan3A_88 = arith.addi %scan3A_45, %scan3A_87 : i32
      %mul3A_89 = arith.constant 16 : i32
      %mul3A_90 = arith.muli %scan3A_88, %mul3A_89 : i32
      %add3A_91 = arith.constant 0 : i32
      %add3A_92 = arith.addi %add3A_91, %mul3A_90 : i32
      %get3A_93 = arith.index_cast %add3A_92 : i32 to index
      %get3A_94 = tpu.vector_load %arg5[%get3A_93] {strides = array<i32>} : memref<81920xf32, #tpu.memory_space<vmem>>, vector<16xf32>,
      %add3A_95 = arith.constant 10240 : i32
      %add3A_96 = arith.addi %add3A_95, %add3A_92 : i32
      %get3A_97 = arith.index_cast %add3A_96 : i32 to index
      %get3A_98 = tpu.vector_load %arg5[%get3A_97] {strides = array<i32>} : memref<81920xf32, #tpu.memory_space<vmem>>, vector<16xf32>,
      %add3A_99 = arith.addf %get3A_94, %get3A_98 : vector<16xf32>
      %add3A_100 = arith.constant 20480 : i32
      %add3A_101 = arith.addi %add3A_100, %add3A_92 : i32
      %get3A_102 = arith.index_cast %add3A_101 : i32 to index
      %get3A_103 = tpu.vector_load %arg5[%get3A_102] {strides = array<i32>} : memref<81920xf32, #tpu.memory_space<vmem>>, vector<16xf32>,
      %add3A_104 = arith.addf %add3A_99, %get3A_103 : vector<16xf32>
      %add3A_105 = arith.constant 30720 : i32
      %add3A_106 = arith.addi %add3A_105, %add3A_92 : i32
      %get3A_107 = arith.index_cast %add3A_106 : i32 to index
      %get3A_108 = tpu.vector_load %arg5[%get3A_107] {strides = array<i32>} : memref<81920xf32, #tpu.memory_space<vmem>>, vector<16xf32>,
      %add3A_109 = arith.addf %add3A_104, %get3A_108 : vector<16xf32>
      %add3A_110 = arith.constant 40960 : i32
      %add3A_111 = arith.addi %add3A_110, %add3A_92 : i32
      %get3A_112 = arith.index_cast %add3A_111 : i32 to index
      %get3A_113 = tpu.vector_load %arg5[%get3A_112] {strides = array<i32>} : memref<81920xf32, #tpu.memory_space<vmem>>, vector<16xf32>,
      %add3A_114 = arith.addf %add3A_109, %get3A_113 : vector<16xf32>
      %add3A_115 = arith.constant 51200 : i32
      %add3A_116 = arith.addi %add3A_115, %add3A_92 : i32
      %get3A_117 = arith.index_cast %add3A_116 : i32 to index
      %get3A_118 = tpu.vector_load %arg5[%get3A_117] {strides = array<i32>} : memref<81920xf32, #tpu.memory_space<vmem>>, vector<16xf32>,
      %add3A_119 = arith.addf %add3A_114, %get3A_118 : vector<16xf32>
      %add3A_120 = arith.constant 61440 : i32
      %add3A_121 = arith.addi %add3A_120, %add3A_92 : i32
      %get3A_122 = arith.index_cast %add3A_121 : i32 to index
      %get3A_123 = tpu.vector_load %arg5[%get3A_122] {strides = array<i32>} : memref<81920xf32, #tpu.memory_space<vmem>>, vector<16xf32>,
      %add3A_124 = arith.addf %add3A_119, %get3A_123 : vector<16xf32>
      %add3A_125 = arith.constant 71680 : i32
      %add3A_126 = arith.addi %add3A_125, %add3A_92 : i32
      %get3A_127 = arith.index_cast %add3A_126 : i32 to index
      %get3A_128 = tpu.vector_load %arg5[%get3A_127] {strides = array<i32>} : memref<81920xf32, #tpu.memory_space<vmem>>, vector<16xf32>,
      %add3A_129 = arith.addf %add3A_124, %get3A_128 : vector<16xf32>
      %swap3A_130 = arith.index_cast %add3A_92 : i32 to index
      %swap3A_131 = tpu.vector_load %arg6[%swap3A_130] {strides = array<i32>} : memref<10240xf32, #tpu.memory_space<vmem>>, vector<16xf32>,
      tpu.vector_store %arg6[%swap3A_130], %add3A_129 {strides = array<i32>} : memref<10240xf32, #tpu.memory_space<vmem>>, vector<16xf32>,
      %scan3A_132 = arith.constant 2 : i32
      %scan3A_133 = arith.addi %scan3A_45, %scan3A_132 : i32
      %mul3A_134 = arith.constant 16 : i32
      %mul3A_135 = arith.muli %scan3A_133, %mul3A_134 : i32
      %add3A_136 = arith.constant 0 : i32
      %add3A_137 = arith.addi %add3A_136, %mul3A_135 : i32
      %get3A_138 = arith.index_cast %add3A_137 : i32 to index
      %get3A_139 = tpu.vector_load %arg5[%get3A_138] {strides = array<i32>} : memref<81920xf32, #tpu.memory_space<vmem>>, vector<16xf32>,
      %add3A_140 = arith.constant 10240 : i32
      %add3A_141 = arith.addi %add3A_140, %add3A_137 : i32
      %get3A_142 = arith.index_cast %add3A_141 : i32 to index
      %get3A_143 = tpu.vector_load %arg5[%get3A_142] {strides = array<i32>} : memref<81920xf32, #tpu.memory_space<vmem>>, vector<16xf32>,
      %add3A_144 = arith.addf %get3A_139, %get3A_143 : vector<16xf32>
      %add3A_145 = arith.constant 20480 : i32
      %add3A_146 = arith.addi %add3A_145, %add3A_137 : i32
      %get3A_147 = arith.index_cast %add3A_146 : i32 to index
      %get3A_148 = tpu.vector_load %arg5[%get3A_147] {strides = array<i32>} : memref<81920xf32, #tpu.memory_space<vmem>>, vector<16xf32>,
      %add3A_149 = arith.addf %add3A_144, %get3A_148 : vector<16xf32>
      %add3A_150 = arith.constant 30720 : i32
      %add3A_151 = arith.addi %add3A_150, %add3A_137 : i32
      %get3A_152 = arith.index_cast %add3A_151 : i32 to index
      %get3A_153 = tpu.vector_load %arg5[%get3A_152] {strides = array<i32>} : memref<81920xf32, #tpu.memory_space<vmem>>, vector<16xf32>,
      %add3A_154 = arith.addf %add3A_149, %get3A_153 : vector<16xf32>
      %add3A_155 = arith.constant 40960 : i32
      %add3A_156 = arith.addi %add3A_155, %add3A_137 : i32
      %get3A_157 = arith.index_cast %add3A_156 : i32 to index
      %get3A_158 = tpu.vector_load %arg5[%get3A_157] {strides = array<i32>} : memref<81920xf32, #tpu.memory_space<vmem>>, vector<16xf32>,
      %add3A_159 = arith.addf %add3A_154, %get3A_158 : vector<16xf32>
      %add3A_160 = arith.constant 51200 : i32
      %add3A_161 = arith.addi %add3A_160, %add3A_137 : i32
      %get3A_162 = arith.index_cast %add3A_161 : i32 to index
      %get3A_163 = tpu.vector_load %arg5[%get3A_162] {strides = array<i32>} : memref<81920xf32, #tpu.memory_space<vmem>>, vector<16xf32>,
      %add3A_164 = arith.addf %add3A_159, %get3A_163 : vector<16xf32>
      %add3A_165 = arith.constant 61440 : i32
      %add3A_166 = arith.addi %add3A_165, %add3A_137 : i32
      %get3A_167 = arith.index_cast %add3A_166 : i32 to index
      %get3A_168 = tpu.vector_load %arg5[%get3A_167] {strides = array<i32>} : memref<81920xf32, #tpu.memory_space<vmem>>, vector<16xf32>,
      %add3A_169 = arith.addf %add3A_164, %get3A_168 : vector<16xf32>
      %add3A_170 = arith.constant 71680 : i32
      %add3A_171 = arith.addi %add3A_170, %add3A_137 : i32
      %get3A_172 = arith.index_cast %add3A_171 : i32 to index
      %get3A_173 = tpu.vector_load %arg5[%get3A_172] {strides = array<i32>} : memref<81920xf32, #tpu.memory_space<vmem>>, vector<16xf32>,
      %add3A_174 = arith.addf %add3A_169, %get3A_173 : vector<16xf32>
      %swap3A_175 = arith.index_cast %add3A_137 : i32 to index
      %swap3A_176 = tpu.vector_load %arg6[%swap3A_175] {strides = array<i32>} : memref<10240xf32, #tpu.memory_space<vmem>>, vector<16xf32>,
      tpu.vector_store %arg6[%swap3A_175], %add3A_174 {strides = array<i32>} : memref<10240xf32, #tpu.memory_space<vmem>>, vector<16xf32>,
      %scan3A_177 = arith.constant 3 : i32
      %scan3A_178 = arith.addi %scan3A_45, %scan3A_177 : i32
      %mul3A_179 = arith.constant 16 : i32
      %mul3A_180 = arith.muli %scan3A_178, %mul3A_179 : i32
      %add3A_181 = arith.constant 0 : i32
      %add3A_182 = arith.addi %add3A_181, %mul3A_180 : i32
      %get3A_183 = arith.index_cast %add3A_182 : i32 to index
      %get3A_184 = tpu.vector_load %arg5[%get3A_183] {strides = array<i32>} : memref<81920xf32, #tpu.memory_space<vmem>>, vector<16xf32>,
      %add3A_185 = arith.constant 10240 : i32
      %add3A_186 = arith.addi %add3A_185, %add3A_182 : i32
      %get3A_187 = arith.index_cast %add3A_186 : i32 to index
      %get3A_188 = tpu.vector_load %arg5[%get3A_187] {strides = array<i32>} : memref<81920xf32, #tpu.memory_space<vmem>>, vector<16xf32>,
      %add3A_189 = arith.addf %get3A_184, %get3A_188 : vector<16xf32>
      %add3A_190 = arith.constant 20480 : i32
      %add3A_191 = arith.addi %add3A_190, %add3A_182 : i32
      %get3A_192 = arith.index_cast %add3A_191 : i32 to index
      %get3A_193 = tpu.vector_load %arg5[%get3A_192] {strides = array<i32>} : memref<81920xf32, #tpu.memory_space<vmem>>, vector<16xf32>,
      %add3A_194 = arith.addf %add3A_189, %get3A_193 : vector<16xf32>
      %add3A_195 = arith.constant 30720 : i32
      %add3A_196 = arith.addi %add3A_195, %add3A_182 : i32
      %get3A_197 = arith.index_cast %add3A_196 : i32 to index
      %get3A_198 = tpu.vector_load %arg5[%get3A_197] {strides = array<i32>} : memref<81920xf32, #tpu.memory_space<vmem>>, vector<16xf32>,
      %add3A_199 = arith.addf %add3A_194, %get3A_198 : vector<16xf32>
      %add3A_200 = arith.constant 40960 : i32
      %add3A_201 = arith.addi %add3A_200, %add3A_182 : i32
      %get3A_202 = arith.index_cast %add3A_201 : i32 to index
      %get3A_203 = tpu.vector_load %arg5[%get3A_202] {strides = array<i32>} : memref<81920xf32, #tpu.memory_space<vmem>>, vector<16xf32>,
      %add3A_204 = arith.addf %add3A_199, %get3A_203 : vector<16xf32>
      %add3A_205 = arith.constant 51200 : i32
      %add3A_206 = arith.addi %add3A_205, %add3A_182 : i32
      %get3A_207 = arith.index_cast %add3A_206 : i32 to index
      %get3A_208 = tpu.vector_load %arg5[%get3A_207] {strides = array<i32>} : memref<81920xf32, #tpu.memory_space<vmem>>, vector<16xf32>,
      %add3A_209 = arith.addf %add3A_204, %get3A_208 : vector<16xf32>
      %add3A_210 = arith.constant 61440 : i32
      %add3A_211 = arith.addi %add3A_210, %add3A_182 : i32
      %get3A_212 = arith.index_cast %add3A_211 : i32 to index
      %get3A_213 = tpu.vector_load %arg5[%get3A_212] {strides = array<i32>} : memref<81920xf32, #tpu.memory_space<vmem>>, vector<16xf32>,
      %add3A_214 = arith.addf %add3A_209, %get3A_213 : vector<16xf32>
      %add3A_215 = arith.constant 71680 : i32
      %add3A_216 = arith.addi %add3A_215, %add3A_182 : i32
      %get3A_217 = arith.index_cast %add3A_216 : i32 to index
      %get3A_218 = tpu.vector_load %arg5[%get3A_217] {strides = array<i32>} : memref<81920xf32, #tpu.memory_space<vmem>>, vector<16xf32>,
      %add3A_219 = arith.addf %add3A_214, %get3A_218 : vector<16xf32>
      %swap3A_220 = arith.index_cast %add3A_182 : i32 to index
      %swap3A_221 = tpu.vector_load %arg6[%swap3A_220] {strides = array<i32>} : memref<10240xf32, #tpu.memory_space<vmem>>, vector<16xf32>,
      tpu.vector_store %arg6[%swap3A_220], %add3A_219 {strides = array<i32>} : memref<10240xf32, #tpu.memory_space<vmem>>, vector<16xf32>,
    }
    %scan3A_23 = arith.constant 640 : i32
    %scan3A_24 = arith.constant 0 : i32
    %scan3A_25 = arith.constant 8 : i32
    %scan3A_26 = arith.addi %scan3A_24, %scan3A_25 : i32
    %scan3A_27 = arith.constant 1 : i32
    scf.for %scan3A_45 = %scan3A_24 to %scan3A_26 step %scan3A_27  : i32 {
      %mul3A_46 = arith.constant 1 : i32
      %mul3A_47 = arith.muli %scan3A_45, %mul3A_46 : i32
      %add3A_48 = arith.constant 0 : i32
      %add3A_49 = arith.addi %add3A_48, %mul3A_47 : i32
      %mul3A_50 = arith.constant 1280 : i32
      %mul3A_51 = arith.muli %add3A_49, %mul3A_50 : i32
      %run_scoped3A_52 = arith.constant 0 : i32
      "tpu.region"() ({
        %run_scoped3A_53 = tpu.sem_alloc : memref<!tpu.dma_semaphore, #tpu.memory_space<semaphore_mem>>
        %dma_start3A = tpu.memref_slice %arg6[%mul3A_51] : memref<10240xf32, #tpu.memory_space<vmem>> -> memref<1280xf32, #tpu.memory_space<vmem>>
        %dma_start3A_54 = arith.constant 0 : i32
        %dma_start3A_55 = tpu.memref_slice %arg3[%add3A_49, %add3A, %run_scoped3A_52, %dma_start3A_54] : memref<8x32x2x1280xf32, #tpu.memory_space<hbm>> -> memref<1x1x1x1280xf32, #tpu.memory_space<hbm>>
        %dma_start3A_56 = tpu.memref_squeeze %dma_start3A_55 : memref<1x1x1x1280xf32, #tpu.memory_space<hbm>> -> memref<1280xf32, #tpu.memory_space<hbm>>
        %dma_start3A_57 = arith.constant 0 : i32
        %dma_start3A_58 = tpu.memref_slice %arg3[%add3A_49, %add3A, %run_scoped3A_52, %dma_start3A_57] : memref<8x32x2x1280xf32, #tpu.memory_space<hbm>> -> memref<1x1x1x1280xf32, #tpu.memory_space<hbm>>
        %dma_start3A_59 = tpu.memref_squeeze %dma_start3A_58 : memref<1x1x1x1280xf32, #tpu.memory_space<hbm>> -> memref<1280xf32, #tpu.memory_space<hbm>>
        %dma_start3A_60 = tpu.memref_slice %arg6[%mul3A_51] : memref<10240xf32, #tpu.memory_space<vmem>> -> memref<1280xf32, #tpu.memory_space<vmem>>
        tpu.enqueue_dma source(%dma_start3A_60 : memref<1280xf32, #tpu.memory_space<vmem>>) target(%dma_start3A_59 : memref<1280xf32, #tpu.memory_space<hbm>>) target_semaphore(%run_scoped3A_53 : memref<!tpu.dma_semaphore, #tpu.memory_space<semaphore_mem>>)
        %dma_wait3A = tpu.memref_slice %arg6[%mul3A_51] : memref<10240xf32, #tpu.memory_space<vmem>> -> memref<1280xf32, #tpu.memory_space<vmem>>
        %dma_wait3A_61 = arith.constant 0 : i32
        %dma_wait3A_62 = tpu.memref_slice %arg3[%add3A_49, %add3A, %run_scoped3A_52, %dma_wait3A_61] : memref<8x32x2x1280xf32, #tpu.memory_space<hbm>> -> memref<1x1x1x1280xf32, #tpu.memory_space<hbm>>
        %dma_wait3A_63 = tpu.memref_squeeze %dma_wait3A_62 : memref<1x1x1x1280xf32, #tpu.memory_space<hbm>> -> memref<1280xf32, #tpu.memory_space<hbm>>
        %dma_wait3A_64 = arith.constant 0 : i32
        %dma_wait3A_65 = tpu.memref_slice %arg3[%add3A_49, %add3A, %run_scoped3A_52, %dma_wait3A_64] : memref<8x32x2x1280xf32, #tpu.memory_space<hbm>> -> memref<1x1x1x1280xf32, #tpu.memory_space<hbm>>
        %dma_wait3A_66 = tpu.memref_squeeze %dma_wait3A_65 : memref<1x1x1x1280xf32, #tpu.memory_space<hbm>> -> memref<1280xf32, #tpu.memory_space<hbm>>
        %dma_wait3A_67 = tpu.memref_slice %arg6[%mul3A_51] : memref<10240xf32, #tpu.memory_space<vmem>> -> memref<1280xf32, #tpu.memory_space<vmem>>
        tpu.wait_dma2 semaphore(%run_scoped3A_53 : memref<!tpu.dma_semaphore, #tpu.memory_space<semaphore_mem>>) src(%dma_wait3A_67 : memref<1280xf32, #tpu.memory_space<vmem>>) dst(%dma_wait3A_66 : memref<1280xf32, #tpu.memory_space<hbm>>)
        tpu.yield
      }) : () -> ()
    }
    %scan3A_28 = arith.constant 8 : i32
    %run_scoped3A_29 = arith.constant 1 : i32
    "tpu.region"() ({
      %run_scoped3A_45 = tpu.sem_alloc : memref<!tpu.dma_semaphore, #tpu.memory_space<semaphore_mem>>
      %dma_start3A = arith.constant 0 : i32
      %dma_start3A_46 = arith.constant 0 : i32
      %dma_start3A_47 = tpu.memref_slice %arg2[%run_scoped3A_29, %add3A, %dma_start3A, %dma_start3A_46] : memref<2x32x79x128xi32, #tpu.memory_space<hbm>> -> memref<1x1x79x128xi32, #tpu.memory_space<hbm>>
      %dma_start3A_48 = tpu.memref_squeeze %dma_start3A_47 : memref<1x1x79x128xi32, #tpu.memory_space<hbm>> -> memref<79x128xi32, #tpu.memory_space<hbm>>
      %dma_start3A_49 = arith.constant 0 : i32
      %dma_start3A_50 = arith.constant 0 : i32
      %dma_start3A_51 = tpu.memref_slice %arg2[%run_scoped3A_29, %add3A, %dma_start3A_49, %dma_start3A_50] : memref<2x32x79x128xi32, #tpu.memory_space<hbm>> -> memref<1x1x79x128xi32, #tpu.memory_space<hbm>>
      %dma_start3A_52 = tpu.memref_squeeze %dma_start3A_51 : memref<1x1x79x128xi32, #tpu.memory_space<hbm>> -> memref<79x128xi32, #tpu.memory_space<hbm>>
      tpu.enqueue_dma source(%dma_start3A_52 : memref<79x128xi32, #tpu.memory_space<hbm>>) target(%arg4 : memref<79x128xi32, #tpu.memory_space<vmem>>) target_semaphore(%run_scoped3A_45 : memref<!tpu.dma_semaphore, #tpu.memory_space<semaphore_mem>>)
      %dma_wait3A = arith.constant 0 : i32
      %dma_wait3A_53 = arith.constant 0 : i32
      %dma_wait3A_54 = tpu.memref_slice %arg2[%run_scoped3A_29, %add3A, %dma_wait3A, %dma_wait3A_53] : memref<2x32x79x128xi32, #tpu.memory_space<hbm>> -> memref<1x1x79x128xi32, #tpu.memory_space<hbm>>
      %dma_wait3A_55 = tpu.memref_squeeze %dma_wait3A_54 : memref<1x1x79x128xi32, #tpu.memory_space<hbm>> -> memref<79x128xi32, #tpu.memory_space<hbm>>
      %dma_wait3A_56 = arith.constant 0 : i32
      %dma_wait3A_57 = arith.constant 0 : i32
      %dma_wait3A_58 = tpu.memref_slice %arg2[%run_scoped3A_29, %add3A, %dma_wait3A_56, %dma_wait3A_57] : memref<2x32x79x128xi32, #tpu.memory_space<hbm>> -> memref<1x1x79x128xi32, #tpu.memory_space<hbm>>
      %dma_wait3A_59 = tpu.memref_squeeze %dma_wait3A_58 : memref<1x1x79x128xi32, #tpu.memory_space<hbm>> -> memref<79x128xi32, #tpu.memory_space<hbm>>
      tpu.wait_dma2 semaphore(%run_scoped3A_45 : memref<!tpu.dma_semaphore, #tpu.memory_space<semaphore_mem>>) src(%dma_wait3A_59 : memref<79x128xi32, #tpu.memory_space<hbm>>) dst(%arg4 : memref<79x128xi32, #tpu.memory_space<vmem>>)
      tpu.yield
    }) : () -> ()
    %scan3A_30 = arith.constant 0 : i32
    %scan3A_31 = arith.constant 79 : i32
    %scan3A_32 = arith.addi %scan3A_30, %scan3A_31 : i32
    %scan3A_33 = arith.constant 1 : i32
    scf.for %scan3A_45 = %scan3A_30 to %scan3A_32 step %scan3A_33  : i32 {
      %mul3A_46 = arith.constant 1 : i32
      %mul3A_47 = arith.muli %scan3A_45, %mul3A_46 : i32
      %add3A_48 = arith.constant 0 : i32
      %add3A_49 = arith.addi %add3A_48, %mul3A_47 : i32
      %scan3A_50 = arith.constant 0 : i32
      %scan3A_51 = arith.constant 8 : i32
      %scan3A_52 = arith.addi %scan3A_50, %scan3A_51 : i32
      %scan3A_53 = arith.constant 4 : i32
      scf.for %scan3A_55 = %scan3A_50 to %scan3A_52 step %scan3A_53  : i32 {
        %mul3A_56 = arith.constant 16 : i32
        %mul3A_57 = arith.muli %scan3A_55, %mul3A_56 : i32
        %add3A_58 = arith.constant 0 : i32
        %add3A_59 = arith.addi %add3A_58, %mul3A_57 : i32
        %get3A = arith.index_cast %add3A_49 : i32 to index
        %get3A_60 = arith.index_cast %add3A_59 : i32 to index
        %get3A_61 = tpu.vector_load %arg4[%get3A, %get3A_60] {strides = array<i32>} : memref<79x128xi32, #tpu.memory_space<vmem>>, vector<16xi32>,
        %add3A_62 = arith.addi %get3A_61, %mul3A_5 : vector<16xi32>
        tpu.vector_store_idx %arg5[%add3A_62], %broadcast_in_dim3A_9 masked %lt3A_7 {add = true} : memref<81920xf32, #tpu.memory_space<vmem>>[vector<16xi32>], vector<16xf32>, vector<16xi1>
        tpu.vector_store_idx %arg5[%add3A_62], %broadcast_in_dim3A_9 masked %not3A_8 {add = true} : memref<81920xf32, #tpu.memory_space<vmem>>[vector<16xi32>], vector<16xf32>, vector<16xi1>
        %scan3A_63 = arith.constant 1 : i32
        %scan3A_64 = arith.addi %scan3A_55, %scan3A_63 : i32
        %mul3A_65 = arith.constant 16 : i32
        %mul3A_66 = arith.muli %scan3A_64, %mul3A_65 : i32
        %add3A_67 = arith.constant 0 : i32
        %add3A_68 = arith.addi %add3A_67, %mul3A_66 : i32
        %get3A_69 = arith.index_cast %add3A_49 : i32 to index
        %get3A_70 = arith.index_cast %add3A_68 : i32 to index
        %get3A_71 = tpu.vector_load %arg4[%get3A_69, %get3A_70] {strides = array<i32>} : memref<79x128xi32, #tpu.memory_space<vmem>>, vector<16xi32>,
        %add3A_72 = arith.addi %get3A_71, %mul3A_5 : vector<16xi32>
        tpu.vector_store_idx %arg5[%add3A_72], %broadcast_in_dim3A_9 masked %lt3A_7 {add = true} : memref<81920xf32, #tpu.memory_space<vmem>>[vector<16xi32>], vector<16xf32>, vector<16xi1>
        tpu.vector_store_idx %arg5[%add3A_72], %broadcast_in_dim3A_9 masked %not3A_8 {add = true} : memref<81920xf32, #tpu.memory_space<vmem>>[vector<16xi32>], vector<16xf32>, vector<16xi1>
        %scan3A_73 = arith.constant 2 : i32
        %scan3A_74 = arith.addi %scan3A_55, %scan3A_73 : i32
        %mul3A_75 = arith.constant 16 : i32
        %mul3A_76 = arith.muli %scan3A_74, %mul3A_75 : i32
        %add3A_77 = arith.constant 0 : i32
        %add3A_78 = arith.addi %add3A_77, %mul3A_76 : i32
        %get3A_79 = arith.index_cast %add3A_49 : i32 to index
        %get3A_80 = arith.index_cast %add3A_78 : i32 to index
        %get3A_81 = tpu.vector_load %arg4[%get3A_79, %get3A_80] {strides = array<i32>} : memref<79x128xi32, #tpu.memory_space<vmem>>, vector<16xi32>,
        %add3A_82 = arith.addi %get3A_81, %mul3A_5 : vector<16xi32>
        tpu.vector_store_idx %arg5[%add3A_82], %broadcast_in_dim3A_9 masked %lt3A_7 {add = true} : memref<81920xf32, #tpu.memory_space<vmem>>[vector<16xi32>], vector<16xf32>, vector<16xi1>
        tpu.vector_store_idx %arg5[%add3A_82], %broadcast_in_dim3A_9 masked %not3A_8 {add = true} : memref<81920xf32, #tpu.memory_space<vmem>>[vector<16xi32>], vector<16xf32>, vector<16xi1>
        %scan3A_83 = arith.constant 3 : i32
        %scan3A_84 = arith.addi %scan3A_55, %scan3A_83 : i32
        %mul3A_85 = arith.constant 16 : i32
        %mul3A_86 = arith.muli %scan3A_84, %mul3A_85 : i32
        %add3A_87 = arith.constant 0 : i32
        %add3A_88 = arith.addi %add3A_87, %mul3A_86 : i32
        %get3A_89 = arith.index_cast %add3A_49 : i32 to index
        %get3A_90 = arith.index_cast %add3A_88 : i32 to index
        %get3A_91 = tpu.vector_load %arg4[%get3A_89, %get3A_90] {strides = array<i32>} : memref<79x128xi32, #tpu.memory_space<vmem>>, vector<16xi32>,
        %add3A_92 = arith.addi %get3A_91, %mul3A_5 : vector<16xi32>
        tpu.vector_store_idx %arg5[%add3A_92], %broadcast_in_dim3A_9 masked %lt3A_7 {add = true} : memref<81920xf32, #tpu.memory_space<vmem>>[vector<16xi32>], vector<16xf32>, vector<16xi1>
        tpu.vector_store_idx %arg5[%add3A_92], %broadcast_in_dim3A_9 masked %not3A_8 {add = true} : memref<81920xf32, #tpu.memory_space<vmem>>[vector<16xi32>], vector<16xf32>, vector<16xi1>
      }
      %scan3A_54 = arith.constant 8 : i32
    }
    %scan3A_34 = arith.constant 79 : i32
    %scan3A_35 = arith.constant 0 : i32
    %scan3A_36 = arith.constant 640 : i32
    %scan3A_37 = arith.addi %scan3A_35, %scan3A_36 : i32
    %scan3A_38 = arith.constant 4 : i32
    scf.for %scan3A_45 = %scan3A_35 to %scan3A_37 step %scan3A_38  : i32 {
      %mul3A_46 = arith.constant 16 : i32
      %mul3A_47 = arith.muli %scan3A_45, %mul3A_46 : i32
      %add3A_48 = arith.constant 0 : i32
      %add3A_49 = arith.addi %add3A_48, %mul3A_47 : i32
      %get3A = arith.index_cast %add3A_49 : i32 to index
      %get3A_50 = tpu.vector_load %arg5[%get3A] {strides = array<i32>} : memref<81920xf32, #tpu.memory_space<vmem>>, vector<16xf32>,
      %add3A_51 = arith.constant 10240 : i32
      %add3A_52 = arith.addi %add3A_51, %add3A_49 : i32
      %get3A_53 = arith.index_cast %add3A_52 : i32 to index
      %get3A_54 = tpu.vector_load %arg5[%get3A_53] {strides = array<i32>} : memref<81920xf32, #tpu.memory_space<vmem>>, vector<16xf32>,
      %add3A_55 = arith.addf %get3A_50, %get3A_54 : vector<16xf32>
      %add3A_56 = arith.constant 20480 : i32
      %add3A_57 = arith.addi %add3A_56, %add3A_49 : i32
      %get3A_58 = arith.index_cast %add3A_57 : i32 to index
      %get3A_59 = tpu.vector_load %arg5[%get3A_58] {strides = array<i32>} : memref<81920xf32, #tpu.memory_space<vmem>>, vector<16xf32>,
      %add3A_60 = arith.addf %add3A_55, %get3A_59 : vector<16xf32>
      %add3A_61 = arith.constant 30720 : i32
      %add3A_62 = arith.addi %add3A_61, %add3A_49 : i32
      %get3A_63 = arith.index_cast %add3A_62 : i32 to index
      %get3A_64 = tpu.vector_load %arg5[%get3A_63] {strides = array<i32>} : memref<81920xf32, #tpu.memory_space<vmem>>, vector<16xf32>,
      %add3A_65 = arith.addf %add3A_60, %get3A_64 : vector<16xf32>
      %add3A_66 = arith.constant 40960 : i32
      %add3A_67 = arith.addi %add3A_66, %add3A_49 : i32
      %get3A_68 = arith.index_cast %add3A_67 : i32 to index
      %get3A_69 = tpu.vector_load %arg5[%get3A_68] {strides = array<i32>} : memref<81920xf32, #tpu.memory_space<vmem>>, vector<16xf32>,
      %add3A_70 = arith.addf %add3A_65, %get3A_69 : vector<16xf32>
      %add3A_71 = arith.constant 51200 : i32
      %add3A_72 = arith.addi %add3A_71, %add3A_49 : i32
      %get3A_73 = arith.index_cast %add3A_72 : i32 to index
      %get3A_74 = tpu.vector_load %arg5[%get3A_73] {strides = array<i32>} : memref<81920xf32, #tpu.memory_space<vmem>>, vector<16xf32>,
      %add3A_75 = arith.addf %add3A_70, %get3A_74 : vector<16xf32>
      %add3A_76 = arith.constant 61440 : i32
      %add3A_77 = arith.addi %add3A_76, %add3A_49 : i32
      %get3A_78 = arith.index_cast %add3A_77 : i32 to index
      %get3A_79 = tpu.vector_load %arg5[%get3A_78] {strides = array<i32>} : memref<81920xf32, #tpu.memory_space<vmem>>, vector<16xf32>,
      %add3A_80 = arith.addf %add3A_75, %get3A_79 : vector<16xf32>
      %add3A_81 = arith.constant 71680 : i32
      %add3A_82 = arith.addi %add3A_81, %add3A_49 : i32
      %get3A_83 = arith.index_cast %add3A_82 : i32 to index
      %get3A_84 = tpu.vector_load %arg5[%get3A_83] {strides = array<i32>} : memref<81920xf32, #tpu.memory_space<vmem>>, vector<16xf32>,
      %add3A_85 = arith.addf %add3A_80, %get3A_84 : vector<16xf32>
      %get3A_86 = arith.index_cast %add3A_49 : i32 to index
      %get3A_87 = tpu.vector_load %arg6[%get3A_86] {strides = array<i32>} : memref<10240xf32, #tpu.memory_space<vmem>>, vector<16xf32>,
      %sub3A = arith.subf %add3A_85, %get3A_87 : vector<16xf32>
      %swap3A = arith.index_cast %add3A_49 : i32 to index
      %swap3A_88 = tpu.vector_load %arg6[%swap3A] {strides = array<i32>} : memref<10240xf32, #tpu.memory_space<vmem>>, vector<16xf32>,
      tpu.vector_store %arg6[%swap3A], %sub3A {strides = array<i32>} : memref<10240xf32, #tpu.memory_space<vmem>>, vector<16xf32>,
      %scan3A_89 = arith.constant 1 : i32
      %scan3A_90 = arith.addi %scan3A_45, %scan3A_89 : i32
      %mul3A_91 = arith.constant 16 : i32
      %mul3A_92 = arith.muli %scan3A_90, %mul3A_91 : i32
      %add3A_93 = arith.constant 0 : i32
      %add3A_94 = arith.addi %add3A_93, %mul3A_92 : i32
      %get3A_95 = arith.index_cast %add3A_94 : i32 to index
      %get3A_96 = tpu.vector_load %arg5[%get3A_95] {strides = array<i32>} : memref<81920xf32, #tpu.memory_space<vmem>>, vector<16xf32>,
      %add3A_97 = arith.constant 10240 : i32
      %add3A_98 = arith.addi %add3A_97, %add3A_94 : i32
      %get3A_99 = arith.index_cast %add3A_98 : i32 to index
      %get3A_100 = tpu.vector_load %arg5[%get3A_99] {strides = array<i32>} : memref<81920xf32, #tpu.memory_space<vmem>>, vector<16xf32>,
      %add3A_101 = arith.addf %get3A_96, %get3A_100 : vector<16xf32>
      %add3A_102 = arith.constant 20480 : i32
      %add3A_103 = arith.addi %add3A_102, %add3A_94 : i32
      %get3A_104 = arith.index_cast %add3A_103 : i32 to index
      %get3A_105 = tpu.vector_load %arg5[%get3A_104] {strides = array<i32>} : memref<81920xf32, #tpu.memory_space<vmem>>, vector<16xf32>,
      %add3A_106 = arith.addf %add3A_101, %get3A_105 : vector<16xf32>
      %add3A_107 = arith.constant 30720 : i32
      %add3A_108 = arith.addi %add3A_107, %add3A_94 : i32
      %get3A_109 = arith.index_cast %add3A_108 : i32 to index
      %get3A_110 = tpu.vector_load %arg5[%get3A_109] {strides = array<i32>} : memref<81920xf32, #tpu.memory_space<vmem>>, vector<16xf32>,
      %add3A_111 = arith.addf %add3A_106, %get3A_110 : vector<16xf32>
      %add3A_112 = arith.constant 40960 : i32
      %add3A_113 = arith.addi %add3A_112, %add3A_94 : i32
      %get3A_114 = arith.index_cast %add3A_113 : i32 to index
      %get3A_115 = tpu.vector_load %arg5[%get3A_114] {strides = array<i32>} : memref<81920xf32, #tpu.memory_space<vmem>>, vector<16xf32>,
      %add3A_116 = arith.addf %add3A_111, %get3A_115 : vector<16xf32>
      %add3A_117 = arith.constant 51200 : i32
      %add3A_118 = arith.addi %add3A_117, %add3A_94 : i32
      %get3A_119 = arith.index_cast %add3A_118 : i32 to index
      %get3A_120 = tpu.vector_load %arg5[%get3A_119] {strides = array<i32>} : memref<81920xf32, #tpu.memory_space<vmem>>, vector<16xf32>,
      %add3A_121 = arith.addf %add3A_116, %get3A_120 : vector<16xf32>
      %add3A_122 = arith.constant 61440 : i32
      %add3A_123 = arith.addi %add3A_122, %add3A_94 : i32
      %get3A_124 = arith.index_cast %add3A_123 : i32 to index
      %get3A_125 = tpu.vector_load %arg5[%get3A_124] {strides = array<i32>} : memref<81920xf32, #tpu.memory_space<vmem>>, vector<16xf32>,
      %add3A_126 = arith.addf %add3A_121, %get3A_125 : vector<16xf32>
      %add3A_127 = arith.constant 71680 : i32
      %add3A_128 = arith.addi %add3A_127, %add3A_94 : i32
      %get3A_129 = arith.index_cast %add3A_128 : i32 to index
      %get3A_130 = tpu.vector_load %arg5[%get3A_129] {strides = array<i32>} : memref<81920xf32, #tpu.memory_space<vmem>>, vector<16xf32>,
      %add3A_131 = arith.addf %add3A_126, %get3A_130 : vector<16xf32>
      %get3A_132 = arith.index_cast %add3A_94 : i32 to index
      %get3A_133 = tpu.vector_load %arg6[%get3A_132] {strides = array<i32>} : memref<10240xf32, #tpu.memory_space<vmem>>, vector<16xf32>,
      %sub3A_134 = arith.subf %add3A_131, %get3A_133 : vector<16xf32>
      %swap3A_135 = arith.index_cast %add3A_94 : i32 to index
      %swap3A_136 = tpu.vector_load %arg6[%swap3A_135] {strides = array<i32>} : memref<10240xf32, #tpu.memory_space<vmem>>, vector<16xf32>,
      tpu.vector_store %arg6[%swap3A_135], %sub3A_134 {strides = array<i32>} : memref<10240xf32, #tpu.memory_space<vmem>>, vector<16xf32>,
      %scan3A_137 = arith.constant 2 : i32
      %scan3A_138 = arith.addi %scan3A_45, %scan3A_137 : i32
      %mul3A_139 = arith.constant 16 : i32
      %mul3A_140 = arith.muli %scan3A_138, %mul3A_139 : i32
      %add3A_141 = arith.constant 0 : i32
      %add3A_142 = arith.addi %add3A_141, %mul3A_140 : i32
      %get3A_143 = arith.index_cast %add3A_142 : i32 to index
      %get3A_144 = tpu.vector_load %arg5[%get3A_143] {strides = array<i32>} : memref<81920xf32, #tpu.memory_space<vmem>>, vector<16xf32>,
      %add3A_145 = arith.constant 10240 : i32
      %add3A_146 = arith.addi %add3A_145, %add3A_142 : i32
      %get3A_147 = arith.index_cast %add3A_146 : i32 to index
      %get3A_148 = tpu.vector_load %arg5[%get3A_147] {strides = array<i32>} : memref<81920xf32, #tpu.memory_space<vmem>>, vector<16xf32>,
      %add3A_149 = arith.addf %get3A_144, %get3A_148 : vector<16xf32>
      %add3A_150 = arith.constant 20480 : i32
      %add3A_151 = arith.addi %add3A_150, %add3A_142 : i32
      %get3A_152 = arith.index_cast %add3A_151 : i32 to index
      %get3A_153 = tpu.vector_load %arg5[%get3A_152] {strides = array<i32>} : memref<81920xf32, #tpu.memory_space<vmem>>, vector<16xf32>,
      %add3A_154 = arith.addf %add3A_149, %get3A_153 : vector<16xf32>
      %add3A_155 = arith.constant 30720 : i32
      %add3A_156 = arith.addi %add3A_155, %add3A_142 : i32
      %get3A_157 = arith.index_cast %add3A_156 : i32 to index
      %get3A_158 = tpu.vector_load %arg5[%get3A_157] {strides = array<i32>} : memref<81920xf32, #tpu.memory_space<vmem>>, vector<16xf32>,
      %add3A_159 = arith.addf %add3A_154, %get3A_158 : vector<16xf32>
      %add3A_160 = arith.constant 40960 : i32
      %add3A_161 = arith.addi %add3A_160, %add3A_142 : i32
      %get3A_162 = arith.index_cast %add3A_161 : i32 to index
      %get3A_163 = tpu.vector_load %arg5[%get3A_162] {strides = array<i32>} : memref<81920xf32, #tpu.memory_space<vmem>>, vector<16xf32>,
      %add3A_164 = arith.addf %add3A_159, %get3A_163 : vector<16xf32>
      %add3A_165 = arith.constant 51200 : i32
      %add3A_166 = arith.addi %add3A_165, %add3A_142 : i32
      %get3A_167 = arith.index_cast %add3A_166 : i32 to index
      %get3A_168 = tpu.vector_load %arg5[%get3A_167] {strides = array<i32>} : memref<81920xf32, #tpu.memory_space<vmem>>, vector<16xf32>,
      %add3A_169 = arith.addf %add3A_164, %get3A_168 : vector<16xf32>
      %add3A_170 = arith.constant 61440 : i32
      %add3A_171 = arith.addi %add3A_170, %add3A_142 : i32
      %get3A_172 = arith.index_cast %add3A_171 : i32 to index
      %get3A_173 = tpu.vector_load %arg5[%get3A_172] {strides = array<i32>} : memref<81920xf32, #tpu.memory_space<vmem>>, vector<16xf32>,
      %add3A_174 = arith.addf %add3A_169, %get3A_173 : vector<16xf32>
      %add3A_175 = arith.constant 71680 : i32
      %add3A_176 = arith.addi %add3A_175, %add3A_142 : i32
      %get3A_177 = arith.index_cast %add3A_176 : i32 to index
      %get3A_178 = tpu.vector_load %arg5[%get3A_177] {strides = array<i32>} : memref<81920xf32, #tpu.memory_space<vmem>>, vector<16xf32>,
      %add3A_179 = arith.addf %add3A_174, %get3A_178 : vector<16xf32>
      %get3A_180 = arith.index_cast %add3A_142 : i32 to index
      %get3A_181 = tpu.vector_load %arg6[%get3A_180] {strides = array<i32>} : memref<10240xf32, #tpu.memory_space<vmem>>, vector<16xf32>,
      %sub3A_182 = arith.subf %add3A_179, %get3A_181 : vector<16xf32>
      %swap3A_183 = arith.index_cast %add3A_142 : i32 to index
      %swap3A_184 = tpu.vector_load %arg6[%swap3A_183] {strides = array<i32>} : memref<10240xf32, #tpu.memory_space<vmem>>, vector<16xf32>,
      tpu.vector_store %arg6[%swap3A_183], %sub3A_182 {strides = array<i32>} : memref<10240xf32, #tpu.memory_space<vmem>>, vector<16xf32>,
      %scan3A_185 = arith.constant 3 : i32
      %scan3A_186 = arith.addi %scan3A_45, %scan3A_185 : i32
      %mul3A_187 = arith.constant 16 : i32
      %mul3A_188 = arith.muli %scan3A_186, %mul3A_187 : i32
      %add3A_189 = arith.constant 0 : i32
      %add3A_190 = arith.addi %add3A_189, %mul3A_188 : i32
      %get3A_191 = arith.index_cast %add3A_190 : i32 to index
      %get3A_192 = tpu.vector_load %arg5[%get3A_191] {strides = array<i32>} : memref<81920xf32, #tpu.memory_space<vmem>>, vector<16xf32>,
      %add3A_193 = arith.constant 10240 : i32
      %add3A_194 = arith.addi %add3A_193, %add3A_190 : i32
      %get3A_195 = arith.index_cast %add3A_194 : i32 to index
      %get3A_196 = tpu.vector_load %arg5[%get3A_195] {strides = array<i32>} : memref<81920xf32, #tpu.memory_space<vmem>>, vector<16xf32>,
      %add3A_197 = arith.addf %get3A_192, %get3A_196 : vector<16xf32>
      %add3A_198 = arith.constant 20480 : i32
      %add3A_199 = arith.addi %add3A_198, %add3A_190 : i32
      %get3A_200 = arith.index_cast %add3A_199 : i32 to index
      %get3A_201 = tpu.vector_load %arg5[%get3A_200] {strides = array<i32>} : memref<81920xf32, #tpu.memory_space<vmem>>, vector<16xf32>,
      %add3A_202 = arith.addf %add3A_197, %get3A_201 : vector<16xf32>
      %add3A_203 = arith.constant 30720 : i32
      %add3A_204 = arith.addi %add3A_203, %add3A_190 : i32
      %get3A_205 = arith.index_cast %add3A_204 : i32 to index
      %get3A_206 = tpu.vector_load %arg5[%get3A_205] {strides = array<i32>} : memref<81920xf32, #tpu.memory_space<vmem>>, vector<16xf32>,
      %add3A_207 = arith.addf %add3A_202, %get3A_206 : vector<16xf32>
      %add3A_208 = arith.constant 40960 : i32
      %add3A_209 = arith.addi %add3A_208, %add3A_190 : i32
      %get3A_210 = arith.index_cast %add3A_209 : i32 to index
      %get3A_211 = tpu.vector_load %arg5[%get3A_210] {strides = array<i32>} : memref<81920xf32, #tpu.memory_space<vmem>>, vector<16xf32>,
      %add3A_212 = arith.addf %add3A_207, %get3A_211 : vector<16xf32>
      %add3A_213 = arith.constant 51200 : i32
      %add3A_214 = arith.addi %add3A_213, %add3A_190 : i32
      %get3A_215 = arith.index_cast %add3A_214 : i32 to index
      %get3A_216 = tpu.vector_load %arg5[%get3A_215] {strides = array<i32>} : memref<81920xf32, #tpu.memory_space<vmem>>, vector<16xf32>,
      %add3A_217 = arith.addf %add3A_212, %get3A_216 : vector<16xf32>
      %add3A_218 = arith.constant 61440 : i32
      %add3A_219 = arith.addi %add3A_218, %add3A_190 : i32
      %get3A_220 = arith.index_cast %add3A_219 : i32 to index
      %get3A_221 = tpu.vector_load %arg5[%get3A_220] {strides = array<i32>} : memref<81920xf32, #tpu.memory_space<vmem>>, vector<16xf32>,
      %add3A_222 = arith.addf %add3A_217, %get3A_221 : vector<16xf32>
      %add3A_223 = arith.constant 71680 : i32
      %add3A_224 = arith.addi %add3A_223, %add3A_190 : i32
      %get3A_225 = arith.index_cast %add3A_224 : i32 to index
      %get3A_226 = tpu.vector_load %arg5[%get3A_225] {strides = array<i32>} : memref<81920xf32, #tpu.memory_space<vmem>>, vector<16xf32>,
      %add3A_227 = arith.addf %add3A_222, %get3A_226 : vector<16xf32>
      %get3A_228 = arith.index_cast %add3A_190 : i32 to index
      %get3A_229 = tpu.vector_load %arg6[%get3A_228] {strides = array<i32>} : memref<10240xf32, #tpu.memory_space<vmem>>, vector<16xf32>,
      %sub3A_230 = arith.subf %add3A_227, %get3A_229 : vector<16xf32>
      %swap3A_231 = arith.index_cast %add3A_190 : i32 to index
      %swap3A_232 = tpu.vector_load %arg6[%swap3A_231] {strides = array<i32>} : memref<10240xf32, #tpu.memory_space<vmem>>, vector<16xf32>,
      tpu.vector_store %arg6[%swap3A_231], %sub3A_230 {strides = array<i32>} : memref<10240xf32, #tpu.memory_space<vmem>>, vector<16xf32>,
    }
    %scan3A_39 = arith.constant 640 : i32
    %scan3A_40 = arith.constant 0 : i32
    %scan3A_41 = arith.constant 8 : i32
    %scan3A_42 = arith.addi %scan3A_40, %scan3A_41 : i32
    %scan3A_43 = arith.constant 1 : i32
    scf.for %scan3A_45 = %scan3A_40 to %scan3A_42 step %scan3A_43  : i32 {
      %mul3A_46 = arith.constant 1 : i32
      %mul3A_47 = arith.muli %scan3A_45, %mul3A_46 : i32
      %add3A_48 = arith.constant 0 : i32
      %add3A_49 = arith.addi %add3A_48, %mul3A_47 : i32
      %mul3A_50 = arith.constant 1280 : i32
      %mul3A_51 = arith.muli %add3A_49, %mul3A_50 : i32
      %run_scoped3A_52 = arith.constant 1 : i32
      "tpu.region"() ({
        %run_scoped3A_53 = tpu.sem_alloc : memref<!tpu.dma_semaphore, #tpu.memory_space<semaphore_mem>>
        %dma_start3A = tpu.memref_slice %arg6[%mul3A_51] : memref<10240xf32, #tpu.memory_space<vmem>> -> memref<1280xf32, #tpu.memory_space<vmem>>
        %dma_start3A_54 = arith.constant 0 : i32
        %dma_start3A_55 = tpu.memref_slice %arg3[%add3A_49, %add3A, %run_scoped3A_52, %dma_start3A_54] : memref<8x32x2x1280xf32, #tpu.memory_space<hbm>> -> memref<1x1x1x1280xf32, #tpu.memory_space<hbm>>
        %dma_start3A_56 = tpu.memref_squeeze %dma_start3A_55 : memref<1x1x1x1280xf32, #tpu.memory_space<hbm>> -> memref<1280xf32, #tpu.memory_space<hbm>>
        %dma_start3A_57 = arith.constant 0 : i32
        %dma_start3A_58 = tpu.memref_slice %arg3[%add3A_49, %add3A, %run_scoped3A_52, %dma_start3A_57] : memref<8x32x2x1280xf32, #tpu.memory_space<hbm>> -> memref<1x1x1x1280xf32, #tpu.memory_space<hbm>>
        %dma_start3A_59 = tpu.memref_squeeze %dma_start3A_58 : memref<1x1x1x1280xf32, #tpu.memory_space<hbm>> -> memref<1280xf32, #tpu.memory_space<hbm>>
        %dma_start3A_60 = tpu.memref_slice %arg6[%mul3A_51] : memref<10240xf32, #tpu.memory_space<vmem>> -> memref<1280xf32, #tpu.memory_space<vmem>>
        tpu.enqueue_dma source(%dma_start3A_60 : memref<1280xf32, #tpu.memory_space<vmem>>) target(%dma_start3A_59 : memref<1280xf32, #tpu.memory_space<hbm>>) target_semaphore(%run_scoped3A_53 : memref<!tpu.dma_semaphore, #tpu.memory_space<semaphore_mem>>)
        %dma_wait3A = tpu.memref_slice %arg6[%mul3A_51] : memref<10240xf32, #tpu.memory_space<vmem>> -> memref<1280xf32, #tpu.memory_space<vmem>>
        %dma_wait3A_61 = arith.constant 0 : i32
        %dma_wait3A_62 = tpu.memref_slice %arg3[%add3A_49, %add3A, %run_scoped3A_52, %dma_wait3A_61] : memref<8x32x2x1280xf32, #tpu.memory_space<hbm>> -> memref<1x1x1x1280xf32, #tpu.memory_space<hbm>>
        %dma_wait3A_63 = tpu.memref_squeeze %dma_wait3A_62 : memref<1x1x1x1280xf32, #tpu.memory_space<hbm>> -> memref<1280xf32, #tpu.memory_space<hbm>>
        %dma_wait3A_64 = arith.constant 0 : i32
        %dma_wait3A_65 = tpu.memref_slice %arg3[%add3A_49, %add3A, %run_scoped3A_52, %dma_wait3A_64] : memref<8x32x2x1280xf32, #tpu.memory_space<hbm>> -> memref<1x1x1x1280xf32, #tpu.memory_space<hbm>>
        %dma_wait3A_66 = tpu.memref_squeeze %dma_wait3A_65 : memref<1x1x1x1280xf32, #tpu.memory_space<hbm>> -> memref<1280xf32, #tpu.memory_space<hbm>>
        %dma_wait3A_67 = tpu.memref_slice %arg6[%mul3A_51] : memref<10240xf32, #tpu.memory_space<vmem>> -> memref<1280xf32, #tpu.memory_space<vmem>>
        tpu.wait_dma2 semaphore(%run_scoped3A_53 : memref<!tpu.dma_semaphore, #tpu.memory_space<semaphore_mem>>) src(%dma_wait3A_67 : memref<1280xf32, #tpu.memory_space<vmem>>) dst(%dma_wait3A_66 : memref<1280xf32, #tpu.memory_space<hbm>>)
        tpu.yield
      }) : () -> ()
    }
    %scan3A_44 = arith.constant 8 : i32
    return
  }
}

module attributes {stable_mosaic.version = 14 : i64} {
  func.func @_matmul_body(%arg0: i32, %arg1: memref<1280x128xf32, #tpu.memory_space<vmem>>, %arg2: memref<128x128xf32, #tpu.memory_space<vmem>>, %arg3: memref<1280x128xf32, #tpu.memory_space<vmem>>) attributes {dimension_semantics = [#tpu.dimension_semantics<arbitrary>], iteration_bounds = array<i64: 8>, scalar_prefetch = 0 : i64, scratch_operands = 0 : i64, tpu.core_type = #tpu.core_type<tc>, window_params = [{transform_indices = @transform_0, window_bounds = array<i64: 1280, 128>}, {pipeline_mode = #tpu.pipeline_mode<synchronous>, transform_indices = @transform_1, window_bounds = array<i64: 128, 128>}, {transform_indices = @transform_2, window_bounds = array<i64: 1280, 128>}]} {
    %get3A = arith.constant 0 : index
    %get3A_0 = arith.constant 0 : index
    %get3A_1 = vector.load %arg1[%get3A, %get3A_0] : memref<1280x128xf32, #tpu.memory_space<vmem>>, vector<1280x128xf32>
    %get3A_2 = arith.constant 0 : index
    %get3A_3 = arith.constant 0 : index
    %get3A_4 = vector.load %arg2[%get3A_2, %get3A_3] : memref<128x128xf32, #tpu.memory_space<vmem>>, vector<128x128xf32>
    %dot_general3A = arith.constant dense<0.000000e+00> : vector<1280x128xf32>
    %dot_general3A_5 = tpu.matmul %get3A_1, %get3A_4, %dot_general3A {dimension_numbers = #tpu.dot_dimension_numbers<[1], [0], [0], [1], [0, 0, 1, 1], [], []>, transpose_lhs_hint = false} : vector<1280x128xf32>, vector<128x128xf32>, vector<1280x128xf32> -> vector<1280x128xf32>
    %swap3A = arith.constant 0 : index
    %swap3A_6 = arith.constant 0 : index
    %swap3A_7 = vector.load %arg3[%swap3A, %swap3A_6] : memref<1280x128xf32, #tpu.memory_space<vmem>>, vector<1280x128xf32>
    tpu.vector_store %arg3[%swap3A, %swap3A_6], %dot_general3A_5 {strides = array<i32>} : memref<1280x128xf32, #tpu.memory_space<vmem>>, vector<1280x128xf32>,
    return
  }
  func.func @transform_0(%arg0: i32) -> (i32, i32) {
    %c0_i32 = arith.constant 0 : i32
    %c0_i32_0 = arith.constant 0 : i32
    return %arg0, %c0_i32 : i32, i32
  }
  func.func @transform_1(%arg0: i32) -> (i32, i32) {
    %c0_i32 = arith.constant 0 : i32
    %c0_i32_0 = arith.constant 0 : i32
    %c0_i32_1 = arith.constant 0 : i32
    return %c0_i32, %c0_i32_0 : i32, i32
  }
  func.func @transform_2(%arg0: i32) -> (i32, i32) {
    %c0_i32 = arith.constant 0 : i32
    %c0_i32_0 = arith.constant 0 : i32
    return %arg0, %c0_i32 : i32, i32
  }
}

module attributes {stable_mosaic.version = 14 : i64} {
  func.func @_scale_body(%arg0: i32, %arg1: memref<1280x128xf32, #tpu.memory_space<vmem>>, %arg2: memref<1x32x2x1280xf32, #tpu.memory_space<vmem>>, %arg3: memref<1280x64xf32, #tpu.memory_space<vmem>>, %arg4: memref<1280x64xf32, #tpu.memory_space<vmem>>) attributes {dimension_semantics = [#tpu.dimension_semantics<arbitrary>], iteration_bounds = array<i64: 8>, scalar_prefetch = 0 : i64, scratch_operands = 0 : i64, tpu.core_type = #tpu.core_type<tc>, window_params = [{transform_indices = @transform_0, window_bounds = array<i64: 1280, 128>}, {transform_indices = @transform_1, window_bounds = array<i64: 1, 32, 2, 1280>}, {transform_indices = @transform_2, window_bounds = array<i64: 1280, 64>}, {transform_indices = @transform_3, window_bounds = array<i64: 1280, 64>}]} {
    %get3A = arith.constant 0 : index
    %get3A_0 = arith.constant 0 : index
    %get3A_1 = arith.constant 0 : index
    %get3A_2 = arith.constant 0 : index
    %get3A_3 = vector.load %arg2[%get3A, %get3A_0, %get3A_1, %get3A_2] : memref<1x32x2x1280xf32, #tpu.memory_space<vmem>>, vector<1x32x2x1280xf32>
    %get3A_4 = vector.shape_cast %get3A_3 : vector<1x32x2x1280xf32> to vector<32x2x1280xf32>
    %slice3A = vector.extract_strided_slice %get3A_4 {offsets = [0, 1, 0], sizes = [32, 1, 1280], strides = [1, 1, 1]} : vector<32x2x1280xf32> to vector<32x1x1280xf32>
    %squeeze3A = vector.shape_cast %slice3A : vector<32x1x1280xf32> to vector<32x1280xf32>
    %reduce_sum3A = arith.constant dense<0.000000e+00> : vector<1280xf32>
    %reduce_sum3A_5 = vector.multi_reduction <add>, %squeeze3A, %reduce_sum3A [0] : vector<32x1280xf32> to vector<1280xf32>
    %add3A = arith.constant 9.99999974E-6 : f32
    %add3A_6 = vector.broadcast %add3A : f32 to vector<1280xf32>
    %add3A_7 = arith.addf %reduce_sum3A_5, %add3A_6 : vector<1280xf32>
    %div3A = arith.constant 1.000000e+00 : f32
    %div3A_8 = vector.broadcast %div3A : f32 to vector<1280xf32>
    %div3A_9 = arith.divf %div3A_8, %add3A_7 : vector<1280xf32>
    %reshape3A = vector.shape_cast %div3A_9 : vector<1280xf32> to vector<1280x1xf32>
    %broadcast_in_dim3A = vector.shape_cast %reshape3A : vector<1280x1xf32> to vector<1280x1xf32>
    %broadcast_in_dim3A_10 = vector.broadcast %broadcast_in_dim3A : vector<1280x1xf32> to vector<1280x64xf32>
    %get3A_11 = arith.constant 0 : index
    %get3A_12 = arith.constant 0 : index
    %get3A_13 = vector.load %arg1[%get3A_11, %get3A_12] : memref<1280x128xf32, #tpu.memory_space<vmem>>, vector<1280x128xf32>
    %slice3A_14 = vector.extract_strided_slice %get3A_13 {offsets = [0, 0], sizes = [1280, 64], strides = [1, 1]} : vector<1280x128xf32> to vector<1280x64xf32>
    %mul3A = arith.mulf %slice3A_14, %broadcast_in_dim3A_10 : vector<1280x64xf32>
    %swap3A = arith.constant 0 : index
    %swap3A_15 = arith.constant 0 : index
    %swap3A_16 = vector.load %arg3[%swap3A, %swap3A_15] : memref<1280x64xf32, #tpu.memory_space<vmem>>, vector<1280x64xf32>
    tpu.vector_store %arg3[%swap3A, %swap3A_15], %mul3A {strides = array<i32>} : memref<1280x64xf32, #tpu.memory_space<vmem>>, vector<1280x64xf32>,
    %slice3A_17 = vector.extract_strided_slice %get3A_13 {offsets = [0, 64], sizes = [1280, 64], strides = [1, 1]} : vector<1280x128xf32> to vector<1280x64xf32>
    %mul3A_18 = arith.mulf %slice3A_17, %broadcast_in_dim3A_10 : vector<1280x64xf32>
    %swap3A_19 = arith.constant 0 : index
    %swap3A_20 = arith.constant 0 : index
    %swap3A_21 = vector.load %arg4[%swap3A_19, %swap3A_20] : memref<1280x64xf32, #tpu.memory_space<vmem>>, vector<1280x64xf32>
    tpu.vector_store %arg4[%swap3A_19, %swap3A_20], %mul3A_18 {strides = array<i32>} : memref<1280x64xf32, #tpu.memory_space<vmem>>, vector<1280x64xf32>,
    return
  }
  func.func @transform_0(%arg0: i32) -> (i32, i32) {
    %c0_i32 = arith.constant 0 : i32
    %c0_i32_0 = arith.constant 0 : i32
    return %arg0, %c0_i32 : i32, i32
  }
  func.func @transform_1(%arg0: i32) -> (i32, i32, i32, i32) {
    %c0_i32 = arith.constant 0 : i32
    %c0_i32_0 = arith.constant 0 : i32
    %c0_i32_1 = arith.constant 0 : i32
    %c0_i32_2 = arith.constant 0 : i32
    return %arg0, %c0_i32, %c0_i32_0, %c0_i32_1 : i32, i32, i32, i32
  }
  func.func @transform_2(%arg0: i32) -> (i32, i32) {
    %c0_i32 = arith.constant 0 : i32
    %c0_i32_0 = arith.constant 0 : i32
    return %arg0, %c0_i32 : i32, i32
  }
  func.func @transform_3(%arg0: i32) -> (i32, i32) {
    %c0_i32 = arith.constant 0 : i32
    %c0_i32_0 = arith.constant 0 : i32
    return %arg0, %c0_i32 : i32, i32
  }
}

module attributes {stable_mosaic.version = 14 : i64} {
  func.func @_finalize_body(%arg0: i32, %arg1: memref<2x1280x128xf32, #tpu.memory_space<vmem>>, %arg2: memref<1x32x2x1280xf32, #tpu.memory_space<vmem>>, %arg3: memref<1280x128xf32, #tpu.memory_space<vmem>>) attributes {dimension_semantics = [#tpu.dimension_semantics<arbitrary>], iteration_bounds = array<i64: 8>, scalar_prefetch = 0 : i64, scratch_operands = 0 : i64, tpu.core_type = #tpu.core_type<tc>, window_params = [{transform_indices = @transform_0, window_bounds = array<i64: 2, 1280, 128>}, {transform_indices = @transform_1, window_bounds = array<i64: 1, 32, 2, 1280>}, {transform_indices = @transform_2, window_bounds = array<i64: 1280, 128>}]} {
    %get3A = arith.constant 0 : index
    %get3A_0 = arith.constant 0 : index
    %get3A_1 = arith.constant 0 : index
    %get3A_2 = vector.load %arg1[%get3A, %get3A_0, %get3A_1] : memref<2x1280x128xf32, #tpu.memory_space<vmem>>, vector<1x1280x128xf32>
    %get3A_3 = vector.shape_cast %get3A_2 : vector<1x1280x128xf32> to vector<1280x128xf32>
    %get3A_4 = arith.constant 1 : index
    %get3A_5 = arith.constant 0 : index
    %get3A_6 = arith.constant 0 : index
    %get3A_7 = vector.load %arg1[%get3A_4, %get3A_5, %get3A_6] : memref<2x1280x128xf32, #tpu.memory_space<vmem>>, vector<1x1280x128xf32>
    %get3A_8 = vector.shape_cast %get3A_7 : vector<1x1280x128xf32> to vector<1280x128xf32>
    %add3A = arith.addf %get3A_3, %get3A_8 : vector<1280x128xf32>
    %get3A_9 = arith.constant 0 : index
    %get3A_10 = arith.constant 0 : index
    %get3A_11 = arith.constant 0 : index
    %get3A_12 = arith.constant 0 : index
    %get3A_13 = vector.load %arg2[%get3A_9, %get3A_10, %get3A_11, %get3A_12] : memref<1x32x2x1280xf32, #tpu.memory_space<vmem>>, vector<1x32x2x1280xf32>
    %get3A_14 = vector.shape_cast %get3A_13 : vector<1x32x2x1280xf32> to vector<32x2x1280xf32>
    %slice3A = vector.extract_strided_slice %get3A_14 {offsets = [0, 0, 0], sizes = [32, 1, 1280], strides = [1, 1, 1]} : vector<32x2x1280xf32> to vector<32x1x1280xf32>
    %squeeze3A = vector.shape_cast %slice3A : vector<32x1x1280xf32> to vector<32x1280xf32>
    %reduce_sum3A = arith.constant dense<0.000000e+00> : vector<1280xf32>
    %reduce_sum3A_15 = vector.multi_reduction <add>, %squeeze3A, %reduce_sum3A [0] : vector<32x1280xf32> to vector<1280xf32>
    %gt3A = arith.constant 0.000000e+00 : f32
    %gt3A_16 = vector.broadcast %gt3A : f32 to vector<1280xf32>
    %gt3A_17 = arith.cmpf ogt, %reduce_sum3A_15, %gt3A_16 : vector<1280xf32>
    %rsqrt3A = math.rsqrt %reduce_sum3A_15 : vector<1280xf32>
    %jit3A = arith.constant 0.000000e+00 : f32
    %broadcast_in_dim3A = vector.broadcast %jit3A : f32 to vector<1280xf32>
    %select_n3A = arith.select %gt3A_17, %rsqrt3A, %broadcast_in_dim3A : vector<1280xi1>, vector<1280xf32>
    %reshape3A = vector.shape_cast %select_n3A : vector<1280xf32> to vector<1280x1xf32>
    %broadcast_in_dim3A_18 = vector.shape_cast %reshape3A : vector<1280x1xf32> to vector<1280x1xf32>
    %broadcast_in_dim3A_19 = vector.broadcast %broadcast_in_dim3A_18 : vector<1280x1xf32> to vector<1280x128xf32>
    %mul3A = arith.mulf %add3A, %broadcast_in_dim3A_19 : vector<1280x128xf32>
    %swap3A = arith.constant 0 : index
    %swap3A_20 = arith.constant 0 : index
    %swap3A_21 = vector.load %arg3[%swap3A, %swap3A_20] : memref<1280x128xf32, #tpu.memory_space<vmem>>, vector<1280x128xf32>
    tpu.vector_store %arg3[%swap3A, %swap3A_20], %mul3A {strides = array<i32>} : memref<1280x128xf32, #tpu.memory_space<vmem>>, vector<1280x128xf32>,
    return
  }
  func.func @transform_0(%arg0: i32) -> (i32, i32, i32) {
    %c0_i32 = arith.constant 0 : i32
    %c0_i32_0 = arith.constant 0 : i32
    %c0_i32_1 = arith.constant 0 : i32
    return %c0_i32, %arg0, %c0_i32_0 : i32, i32, i32
  }
  func.func @transform_1(%arg0: i32) -> (i32, i32, i32, i32) {
    %c0_i32 = arith.constant 0 : i32
    %c0_i32_0 = arith.constant 0 : i32
    %c0_i32_1 = arith.constant 0 : i32
    %c0_i32_2 = arith.constant 0 : i32
    return %arg0, %c0_i32, %c0_i32_0, %c0_i32_1 : i32, i32, i32, i32
  }
  func.func @transform_2(%arg0: i32) -> (i32, i32) {
    %c0_i32 = arith.constant 0 : i32
    %c0_i32_0 = arith.constant 0 : i32
    return %arg0, %c0_i32 : i32, i32
  }
}

</mosaic_0001>

<sc_bundles>
// kernel: kernel.10.cloned.1.call-start
scs
__scs_entry_jumppad:
0x0: {  	(pc) =	sbr.rel $0x88, $3  }
0x1: {  	(tag) =	ssettag $0x0;
	lr =	simm.s32 $0x1  }
0x2: {  	[smem:$0x3F9E] =	sst lr;
	_ =	strace $0xD0000000  }
0x3: {  	_ = 	snop  }
0x4: {  	_ = 	snop  }
0x5: {  	_ = 	snop  }
0x6: {  	_ = 	snop  }
0x7: {  	_ = 	snop  }
__scs_overlays_trampoline_lowered:
0x8: {  	[smem:$0x3FAD] =	sst s0  }
0x9: {  	[smem:$0x3FAE] =	sst s1  }
0xa: {  	[smem:$0x3FAF] =	sst s2  }
0xb: {  	[smem:$0x3FB0] =	sst s3  }
0xc: {  	[smem:$0x3FB1] =	sst s4  }
0xd: {  	[smem:$0x3FB2] =	sst s5  }
0xe: {  	[smem:$0x3FB3] =	sst s6  }
0xf: {  	[smem:$0x3FB4] =	sst s7  }
0x10: {  	[smem:$0x3FB5] =	sst s8  }
0x11: {  	[smem:$0x3FB6] =	sst s9;
	s0 =	simm.s32 @!p0 $0x0  }
0x12: {  	s1 =	sld [smem:$0x3F9C];
	s0 =	simm.s32 @p0 $0x1  }
0x13: {  	[smem:$0x3FB7] =	sst s0;
	s0 =	simm.s32 @!p1 $0x0  }
0x14: {  	s2 =	sld [smem:$0x3F9B];
	s0 =	simm.s32 @p1 $0x1  }
0x15: {  	[smem:$0x3FB8] =	sst s0;
	s0 =	simm.s32 @!p2 $0x0  }
0x16: {  	s3 =	sld [smem:$0x3FDB];
	s0 =	simm.s32 @p2 $0x1  }
0x17: {  	s4 =	simm.s32 $0x1BF5;
	[smem:$0x3FBA] =	sst s0  }
0x18: {  	s0 =	sld [smem:$0x3F9D];
	_ =	swait.ge [sflag:s4], $0x0  }
0x19: {  	s7 =	sld [smem:$0x3F9E]  }
0x1a: {  	s8 =	sadd.s32 $0xFFFFE003, lr  }
0x1b: {  	s9 =	sadd.s32 $0xFFFFFEF7, lr;
	s5 =	simm.s32 $0xFFFFFFFF;
	p2 =	slt.u32 s8, $0xFFFFF086  }
0x1c: {  	p1 =	slt.u32 s9, $0xF7A;
	s5 =	simm.s32 @!p2 $0x0  }
0x1d: {  	s5 =	simm.s32 @p1 $0x1;
	p0 =	seq.s32 s7, s2  }
0x1e: {  	s7 =	smul.u32 @!p0 $0xF7A, s2;
	p2 =	seq.s32 @!p0 s5, $0x0  }
0x1f: {  	s9 =	smul.u32 $0xF7A, s1;
	s8 =	simm.s32 @!p0 $0x1BF5;
	p2 =	por !p2, p0  }
0x20: {  	[sflag:s8] =	ssyncset.s32 @!p0 $0xFFFFF086;
	s6 =	sadd.s32 @!p0 s3, s7;
	s7 =	simm.s32 @!p0 $0x108  }
0x21: {  	s3 =	sadd.s32 s3, s9;
	s6 =	sadd.s32 @!p0 $0x88, s6;
	s7 =	simm.s32 @p2 $0x1082  }
0x22: {  	[simem:s7], [sflag:s8] =	dma.local @!p0 [hbm:s6], $0xF7A  }
0x23: {  	s9 =	sor.u32 $0xD0000000, s2;
	s6 =	simm.s32 $0x108;
	_ =	swait.ge @!p0 [sflag:s8], $0x0  }
0x24: {  	s3 =	sadd.s32 $0x88, s3;
	s6 =	simm.s32 @!p1 $0x1082;
	[sflag:s4] =	ssyncset.s32 $0xFFFFF086  }
0x25: {  	[simem:s6], [sflag:s4] =	dma.local [hbm:s3], $0xF7A  }
0x26: {  	[smem:$0x3F9E] =	sst s1;
	(tag) =	ssettag s2;
	_ =	strace s9  }
0x27: {  	s1 =	sld [smem:$0x3FAE]  }
0x28: {  	s2 =	sld [smem:$0x3FAF]  }
0x29: {  	s4 =	sld [smem:$0x3FB1]  }
0x2a: {  	p0 =	seq.s32 s5, $0x0;
	s5 =	sld [smem:$0x3FB2]  }
0x2b: {  	s6 =	sld [smem:$0x3FB3]  }
0x2c: {  	s7 =	sld [smem:$0x3FB4]  }
0x2d: {  	s3 =	simm.s32 $0x108;
	s8 =	sld [smem:$0x3FB5]  }
0x2e: {  	s3 =	simm.s32 @!p0 $0x1082;
	s9 =	sld [smem:$0x3FB6]  }
0x2f: {  	lr =	sadd.s32 s0, s3;
	s0 =	sld [smem:$0x3FAD]  }
0x30: {  	s3 =	sld [smem:$0x3FB0]  }
0x31: {  	[smem:$0x3FB9] =	sst s10  }
0x32: {  	s10 =	sld [smem:$0x3FB7];
	_ =	sdelay $0x3  }
0x33: {  	p0 =	seq.s32 s10, $0x1;
	s10 =	sld [smem:$0x3FB9];
	_ =	sdelay $0x3  }
0x34: {  	[smem:$0x3FB9] =	sst s10  }
0x35: {  	s10 =	sld [smem:$0x3FB8];
	_ =	sdelay $0x3  }
0x36: {  	p1 =	seq.s32 s10, $0x1;
	s10 =	sld [smem:$0x3FB9];
	_ =	sdelay $0x3  }
0x37: {  	[smem:$0x3FB9] =	sst s10  }
0x38: {  	s10 =	sld [smem:$0x3FBA]  }
0x39: {  	_ = 	snop;
	(pc) =	sbr.ind lr, $3  }
0x3a: {  	_ = 	snop  }
0x3b: {  	_ = 	snop  }
0x3c: {  	p2 =	seq.s32 s10, $0x1;
	s10 =	sld [smem:$0x3FB9]  }
0x3d: {  	_ =	shalt  }
0x3e: {  	_ =	shalt  }
0x3f: {  	_ =	shalt  }
0x40: {  	_ =	shalt  }
0x41: {  	_ =	shalt  }
0x42: {  	_ =	shalt  }
0x43: {  	_ =	shalt  }
0x44: {  	_ =	shalt  }
0x45: {  	_ =	shalt  }
0x46: {  	_ =	shalt  }
0x47: {  	_ =	shalt  }
0x48: {  	_ =	shalt  }
0x49: {  	_ =	shalt  }
0x4a: {  	_ =	shalt  }
0x4b: {  	_ =	shalt  }
0x4c: {  	_ =	shalt  }
0x4d: {  	_ =	shalt  }
0x4e: {  	_ =	shalt  }
0x4f: {  	_ =	shalt  }
0x50: {  	_ =	shalt  }
0x51: {  	_ =	shalt  }
0x52: {  	_ =	shalt  }
0x53: {  	_ =	shalt  }
0x54: {  	_ =	shalt  }
0x55: {  	_ =	shalt  }
0x56: {  	_ =	shalt  }
0x57: {  	_ =	shalt  }
0x58: {  	_ =	shalt  }
0x59: {  	_ =	shalt  }
0x5a: {  	_ =	shalt  }
0x5b: {  	_ =	shalt  }
0x5c: {  	_ =	shalt  }
0x5d: {  	_ =	shalt  }
0x5e: {  	_ =	shalt  }
0x5f: {  	_ =	shalt  }
0x60: {  	_ =	shalt  }
0x61: {  	_ =	shalt  }
0x62: {  	_ =	shalt  }
0x63: {  	_ =	shalt  }
0x64: {  	_ =	shalt  }
0x65: {  	_ =	shalt  }
0x66: {  	_ =	shalt  }
0x67: {  	_ =	shalt  }
0x68: {  	_ =	shalt  }
0x69: {  	_ =	shalt  }
0x6a: {  	_ =	shalt  }
0x6b: {  	_ =	shalt  }
0x6c: {  	_ =	shalt  }
0x6d: {  	_ =	shalt  }
0x6e: {  	_ =	shalt  }
0x6f: {  	_ =	shalt  }
0x70: {  	_ =	shalt  }
0x71: {  	_ =	shalt  }
0x72: {  	_ =	shalt  }
0x73: {  	_ =	shalt  }
0x74: {  	_ =	shalt  }
0x75: {  	_ =	shalt  }
0x76: {  	_ =	shalt  }
0x77: {  	_ =	shalt  }
0x78: {  	_ =	shalt  }
0x79: {  	_ =	shalt  }
0x7a: {  	_ =	shalt  }
0x7b: {  	_ =	shalt  }
0x7c: {  	_ =	shalt  }
0x7d: {  	_ =	shalt  }
0x7e: {  	_ =	shalt  }
0x7f: {  	_ =	shalt  }
0x80: {  	_ =	shalt  }
0x81: {  	_ =	shalt  }
0x82: {  	_ =	shalt  }
0x83: {  	_ =	shalt  }
0x84: {  	_ =	shalt  }
0x85: {  	_ =	shalt  }
0x86: {  	_ =	shalt  }
0x87: {  	_ =	shalt  }
.Lfunc_end0:
.L_simem_size_0:
called_computation.1_lowered:
.L_overlay_start_0:
0x88: {  	s2 =	sld [smem:$0x3FD9]  }
0x89: {  	s3 =	sld [smem:$0x3FFE];
	_ =	sdelay $0x1  }
0x8a: {  	s1 =	srdreg.scid  }
0x8b: {  	s0 =	sand.u32 $0x1, s1  }
0x8c: {  	s17 =	sshll.u32 s0, $0xA;
	s2 =	sadd.s32 s3, s2  }
0x8d: {  	s2 =	sadd.s32 s2, s17  }
0x8e: {  	[smem:$0x3FC5] =	sst s2  }
0x8f: {  	_ = 	snop  }
0x90: {  	s2 =	sld [smem:$0x3FD0];
	(tm) =	ssettm $0x1  }
0x91: {  	s18 =	sld [smem:$0x3FFB];
	_ =	sdelay $0x3  }
0x92: {  	_ =	strace s18  }
0x93: {  	s3 =	sld [smem:$0x3FFC];
	_ =	sdelay $0x3  }
0x94: {  	_ =	strace s3  }
0x95: {  	s3 =	sld [smem:$0x3FFD];
	_ =	sdelay $0x3  }
0x96: {  	_ =	strace s3  }
0x97: {  	_ =	strace $0x8FFFFFFF  }
0x98: {  	s19 =	sld [smem:$0x3FDB];
	_ =	sdelay $0x1  }
0x99: {  	s4 =	simm.s32 $_scs_section_size  }
0x9a: {  	s5 =	simm.s32 $_size__tile_overlayer_lowered;
	s6 =	simm.s32 $_tile_overlayer_lowered  }
0x9b: {  	s22 =	simm.s32 $0x1BFF;
	s21 =	sshll.u32 s6, $0x1;
	s3 =	sadd.s32 s4, s19  }
0x9c: {  	s7 =	simm.s32 $0x0;
	s20 =	sshll.u32 s5, $0x1;
	s5 =	sadd.s32 s21, s3  }
0x9d: {  	[timem:s7], [sflag:s22] =	dma.local [hbm:s5], s20  }
0x9e: {  	_ =	swait.ge [sflag:s22], s20  }
0x9f: {  	s4 =	ssub.s32 $0x0, s20;
	[sflag:s22] =	ssyncset.done $0x0  }
0xa0: {  	[sflag:s22] =	ssyncadd.s32 s4;
	_ =	sdelay $0x1  }
0xa1: {  	s23 =	simm.s32 $0x1B8B  }
0xa2: {  	_ =	swait.ge [sflag:s23], $0x1  }
0xa3: {  	[sflag:s23] =	ssyncset.done $0x0  }
0xa4: {  	s25 =	simm.s32 $0x1B8E;
	s24 =	sld [smem:$0x3FFE];
	[sflag:s23] =	ssyncadd.s32 $0xFFFFFFFF  }
0xa5: {  	s26 =	simm.s32 $execute0_lowered;
	[smem:$0x3FD2] =	sst s25  }
0xa6: {  	s5 =	sshll.u32 s26, $0x1;
	_ =	strace $0x80000049;
	[dreg:$0x1] =	wrdreg $0xFFFFFFFF  }
0xa7: {  	s28 =	simm.s32 $_size_execute0_lowered;
	s3 =	sadd.s32 s3, s5;
	[dreg:$0x0] =	wrdreg $0x0  }
0xa8: {  	s5 =	sshll.u32 s28, $0x1;
	[dreg:$0x2] =	wrdreg s3  }
0xa9: {  	[dreg:$0x3] =	wrdreg s5  }
0xaa: {  	[dreg:$0x4] =	wrdreg $0xC0  }
0xab: {  	_ =	task [dreg:s7], $0x5FFFF  }
0xac: {  	[dreg:$0x1] =	wrdreg $0xFFFFFFFF  }
0xad: {  	[dreg:$0x0] =	wrdreg $0x60  }
0xae: {  	[dreg:$0x2] =	wrdreg s2  }
0xaf: {  	[dreg:$0x3] =	wrdreg s24  }
0xb0: {  	[dreg:$0x4] =	wrdreg $0x12F000  }
0xb1: {  	[dreg:$0x5] =	wrdreg $0x9  }
0xb2: {  	_ =	task.clear_ibuf [dreg:s7], $0x6FFFF;
	_ =	strace $0x90000049  }
0xb3: {  	s29 =	simm.s32 $0x9;
	_ =	strace $0x8000004B  }
0xb4: {  	_ =	swait.ge [sflag:s29], $0x1  }
0xb5: {  	[sflag:s29] =	ssyncadd.s32 $0xFFFFFFFF  }
0xb6: {  	_ =	strace $0x9000004B  }
0xb7: {  	_ =	sfence  }
0xb8: {  	s30 =	sld [smem:$0x0];
	_ =	sdelay $0x2  }
0xb9: {  	s31 =	sshll.u32 s1, $0xD;
	s1 =	sshrl.u32 s1, $0x2  }
0xba: {  	s3 =	sand.u32 $0x4000, s31;
	s1 =	sadd.s32 s1, s30  }
0xbb: {  	s0 =	sor.u32 s3, s0;
	s1 =	sshll.u32 s1, $0x11  }
0xbc: {  	s0 =	sor.u32 s1, s0  }
0xbd: {  	s0 =	sadd.s32 $0x8F2B, s0  }
0xbe: {  	[sflag:s0] =	ssyncadd.remote.s32 $0x1  }
0xbf: {  	_ =	sfence.sel $0xFFFF  }
0xc0: {  	[dreg:$0x0] =	wrdreg $0xFFFFFFFF;
	(pc) =	sbr.abs _section_cstart, $3  }
0xc1: {  	[dreg:$0x1] =	wrdreg $0xFFFFFFFF  }
0xc2: {  	_ =	task.clear_ibuf [dreg:s7], $0x2FFFF;
	_ =	strace $0x9FFFFFFF  }
0xc3: {  	(tm) =	ssettm $0x7FFFFFFF  }
tec
execute0_lowered:
.L_overlay_start_1:
0x0: {  	(tag) =	ssettag $0x1  }
0x1: {  	s0 =	srdreg.scid;
	s1 =	rddreg [dreg:$0x0]  }
0x2: {  	s9 =	stileid.u32;
	s6 =	rddreg [dreg:$0x1]  }
0x3: {  	s3 =	rddreg [dreg:$0x2];
	s4 =	simm.s32 $0x0;
	s16 =	simm.s32 $0x7  }
0x4: {  	s17 =	simm.s32 $0x2780;
	s18 =	simm.s32 $0x10F00;
	s19 =	simm.s32 $0x80  }
0x5: {  	s20 =	simm.s32 $0x4F00;
	s23 =	simm.s32 $0x2800;
	s22 =	simm.s32 $0x6F00  }
0x6: {  	s29 =	simm.s32 $0xCF00;
	s31 =	simm.s32 $0xEF00;
	s10 =	simm.s32 $0x6  }
0x7: {  	s0 =	sand.u32 $0x1, s0;
	s2 =	sshll.u32 s9, $0x1;
	s8 =	smul.u32 $0x14000, s9  }
0x8: {  	[smem:$0x7FF] =	sst s4;
	s5 =	sadd.s32 $0x1A00, s6;
	s9 =	smul.u32 $0x28000, s9  }
0x9: {  	s2 =	sor.u32 s0, s2;
	s7 =	smul.u32 $0x140000, s0;
	s0 =	ssub.s32 $0x2, s0  }
0xa: {  	_ =	strace $0x8000004A;
	s2 =	smul.u32 $0x2780, s2;
	s24 =	sshrl.u32 s0, $0x1  }
0xb: {  	s26 =	sshrl.u32 s9, $0x2;
	s9 =	simm.s32 $0x5;
	s7 =	sadd.s32 s8, s7  }
0xc: {  	s0 =	ssub.s32 s0, s24;
	s8 =	sadd.s32 s26, s3;
	s24 =	simm.s32 $0x8F00  }
0xd: {  	s26 =	simm.s32 $0xAF00;
	s2 =	sshrl.u32 s2, $0x3;
	s7 =	sshrl.u32 s7, $0x3  }
0xe: {  	s0 =	smax.u32 s0, $0x1;
	s12 =	sadd.s32 $0x2000, s8;
	s13 =	sadd.s32 $0x4000, s8  }
0xf: {  	s14 =	sadd.s32 $0x6000, s8;
	s15 =	sadd.s32 $0x8000, s8;
	s2 =	sadd.s32 s2, s6  }
0x10: {  	s6 =	sadd.s32 s7, s6;
	[dreg:$0x8] =	wrdreg s0;
	s25 =	sadd.s32 $0x15A00, s2  }
0x11: {  	s0 =	simm.s32 $0x2;
	s2 =	sadd.s32 $0x1F800, s2;
	[dreg:$0x4] =	wrdreg s25  }
0x12: {  	s7 =	simm.s32 $0x4;
	s28 =	sadd.s32 $0x29600, s6;
	[dreg:$0x5] =	wrdreg s2  }
0x13: {  	s30 =	sadd.s32 $0x29608, s6;
	s6 =	simm.s32 $0x3;
	[dreg:$0x6] =	wrdreg s28  }
0x14: {  	v0 =	vimm.f32 $0.0e+00;
	[dreg:$0x7] =	wrdreg s30;
	s2 =	simm.s32 $0x1;
	s25 =	simm.s32 $0x8  }
.LBB2_1:
0x15: {  	s21 =	simm.s32 $0x100;
	s11 =	simm.s32 $0x0  }
.LBB2_2:
0x16: {  	p0 =	sne.s32 s21, $0x7F00;
	[tilespmem:s11+$0x10F30] =	vst v0;
	s28 =	smov.u32 s21;
	s21 =	sadd.s32 $0x100, s21  }
.Ltmp0:
0x17: {  	[tilespmem:s11+$0x10F20] =	vst v0;
	(pc) =	sbr.rel @p0 .LBB2_2-.Ltmp0, $3  }
0x18: {  	[tilespmem:s11+$0x10F00] =	vst v0  }
0x19: {  	[tilespmem:s11+$0x10F10] =	vst v0;
	_ =	sdelay $0x1  }
0x1a: {  	s11 =	sshra.s32 s28, $0x2  }
0x1b: {  	[tilespmem:s11+$0x10F30] =	vst v0  }
0x1c: {  	[tilespmem:s11+$0x10F20] =	vst v0  }
0x1d: {  	[tilespmem:s11+$0x10F00] =	vst v0  }
0x1e: {  	[tilespmem:s11+$0x10F10] =	vst v0;
	s11 =	simm.s32 $0x0;
	s21 =	rddreg [dreg:$0x4]  }
0x1f: {  	[tilespmem:s11], [sflag:$0x7] =	stream.linear.gather [hbm4b:s21+s11], $0x2780, $0x38;
	[tilespmem:$0x1CF00] =	vst v63  }
0x20: {  	_ =	swait.ge [sflag:s16], $0x2780  }
0x21: {  	[sflag:s16] =	ssyncset.done $0x0  }
0x22: {  	s30 =	rddreg [dreg:$0x5];
	[sflag:s16] =	ssyncadd.s32 $0xFFFFD880  }
0x23: {  	[tilespmem:s17], [sflag:$0x7] =	stream.linear.gather [hbm4b:s30+s11], $0x2780, $0x38;
	[tilespmem:$0x1CF00] =	vst v63  }
0x24: {  	_ =	swait.ge [sflag:s16], $0x2780  }
0x25: {  	[sflag:s16] =	ssyncset.done $0x0  }
0x26: {  	[sflag:s16] =	ssyncadd.s32 $0xFFFFD880  }
0x27: {  	[spmem:s8] =	stream.linear.scatter [tilespmem:s18], [sflag:$0x7], $0x2000, $0x38;
	[tilespmem:$0x1CF00] =	vst v63  }
0x28: {  	_ =	swait.ge [sflag:s16], $0x2000  }
0x29: {  	[sflag:s16] =	ssyncset.done $0x0  }
0x2a: {  	[sflag:s16] =	ssyncadd.s32 $0xFFFFE000  }
0x2b: {  	[spmem:s12] =	stream.linear.scatter [tilespmem:s18], [sflag:$0x7], $0x2000, $0x38;
	[tilespmem:$0x1CF00] =	vst v63  }
0x2c: {  	_ =	swait.ge [sflag:s16], $0x2000  }
0x2d: {  	[sflag:s16] =	ssyncset.done $0x0  }
0x2e: {  	[sflag:s16] =	ssyncadd.s32 $0xFFFFE000  }
0x2f: {  	[spmem:s13] =	stream.linear.scatter [tilespmem:s18], [sflag:$0x7], $0x2000, $0x38;
	[tilespmem:$0x1CF00] =	vst v63  }
0x30: {  	_ =	swait.ge [sflag:s16], $0x2000  }
0x31: {  	[sflag:s16] =	ssyncset.done $0x0  }
0x32: {  	[sflag:s16] =	ssyncadd.s32 $0xFFFFE000  }
0x33: {  	[spmem:s14] =	stream.linear.scatter [tilespmem:s18], [sflag:$0x7], $0x2000, $0x38;
	[tilespmem:$0x1CF00] =	vst v63  }
0x34: {  	_ =	swait.ge [sflag:s16], $0x2000  }
0x35: {  	[sflag:s16] =	ssyncset.done $0x0  }
0x36: {  	[sflag:s16] =	ssyncadd.s32 $0xFFFFE000  }
0x37: {  	[spmem:s15] =	stream.linear.scatter [tilespmem:s18], [sflag:$0x7], $0x2000, $0x38;
	[tilespmem:$0x1CF00] =	vst v63  }
0x38: {  	_ =	swait.ge [sflag:s16], $0x2000  }
0x39: {  	[sflag:s16] =	ssyncset.done $0x0  }
0x3a: {  	[sflag:s16] =	ssyncadd.s32 $0xFFFFE000  }
0x3b: {  	[bflag:$0x0] =	sbarrier.arrive $0xFFFF  }
0x3c: {  	[tilespmem:s20], [sflag:$0x1] =	stream.indirect.gather [hbm4b:s1+s19], $0x40, s17, s19, $0xb8;
	[tilespmem:$0x1CF00] =	vst v63  }
0x3d: {  	_ = 	snop  }
0x3e: {  	[tilespmem:s22], [sflag:$0x2] =	stream.indirect.gather [hbm4b:s1+s19], $0x40, s23, s19, $0xb8;
	[tilespmem:$0x1CF00] =	vst v63  }
0x3f: {  	s30 =	simm.s32 $0x2880  }
0x40: {  	[tilespmem:s24], [sflag:$0x3] =	stream.indirect.gather [hbm4b:s1+s19], $0x40, s30, s19, $0xb8;
	[tilespmem:$0x1CF00] =	vst v63  }
0x41: {  	s21 =	simm.s32 $0x2900  }
0x42: {  	[tilespmem:s26], [sflag:$0x4] =	stream.indirect.gather [hbm4b:s1+s19], $0x40, s21, s19, $0xb8;
	[tilespmem:$0x1CF00] =	vst v63  }
0x43: {  	s30 =	simm.s32 $0x2980  }
0x44: {  	[tilespmem:s29], [sflag:$0x5] =	stream.indirect.gather [hbm4b:s1+s19], $0x40, s30, s19, $0xb8;
	[tilespmem:$0x1CF00] =	vst v63  }
0x45: {  	s21 =	simm.s32 $0x2A00  }
0x46: {  	[tilespmem:s31], [sflag:$0x6] =	stream.indirect.gather [hbm4b:s1+s19], $0x40, s21, s19, $0xb8;
	[tilespmem:$0x1CF00] =	vst v63  }
0x47: {  	_ =	swait.ge [sflag:s2], $0x2000  }
0x48: {  	[sflag:s2] =	ssyncset.done $0x0  }
0x49: {  	s30 =	simm.s32 $0x0;
	[sflag:s2] =	ssyncadd.s32 $0xFFFFE000  }
0x4a: {  	[spmem:s3] =	stream.indirect.scatter.add.f32 [tilespmem:s20], [sflag:$0x7], $0x40, s30, s19, $0xb8;
	[tilespmem:$0x1CF00] =	vst v63  }
0x4b: {  	_ =	swait.ge [sflag:s16], $0x2000  }
0x4c: {  	[sflag:s16] =	ssyncset.done $0x0  }
0x4d: {  	s21 =	simm.s32 $0x2A80;
	[sflag:s16] =	ssyncadd.s32 $0xFFFFE000  }
0x4e: {  	[tilespmem:s20], [sflag:$0x1] =	stream.indirect.gather [hbm4b:s1+s19], $0x40, s21, s19, $0xb8;
	[tilespmem:$0x1CF00] =	vst v63  }
0x4f: {  	_ =	swait.ge [sflag:s0], $0x2000  }
0x50: {  	[sflag:s0] =	ssyncset.done $0x0  }
0x51: {  	s30 =	simm.s32 $0x80;
	[sflag:s0] =	ssyncadd.s32 $0xFFFFE000  }
0x52: {  	[spmem:s3] =	stream.indirect.scatter.add.f32 [tilespmem:s22], [sflag:$0x7], $0x40, s30, s19, $0xb8;
	[tilespmem:$0x1CF00] =	vst v63  }
0x53: {  	_ =	swait.ge [sflag:s16], $0x2000  }
0x54: {  	[sflag:s16] =	ssyncset.done $0x0  }
0x55: {  	s21 =	simm.s32 $0x2B00;
	[sflag:s16] =	ssyncadd.s32 $0xFFFFE000  }
0x56: {  	[tilespmem:s22], [sflag:$0x2] =	stream.indirect.gather [hbm4b:s1+s19], $0x40, s21, s19, $0xb8;
	[tilespmem:$0x1CF00] =	vst v63  }
0x57: {  	_ =	swait.ge [sflag:s6], $0x2000  }
0x58: {  	[sflag:s6] =	ssyncset.done $0x0  }
0x59: {  	s30 =	simm.s32 $0x100;
	[sflag:s6] =	ssyncadd.s32 $0xFFFFE000  }
0x5a: {  	[spmem:s3] =	stream.indirect.scatter.add.f32 [tilespmem:s24], [sflag:$0x7], $0x40, s30, s19, $0xb8;
	[tilespmem:$0x1CF00] =	vst v63  }
0x5b: {  	_ =	swait.ge [sflag:s16], $0x2000  }
0x5c: {  	[sflag:s16] =	ssyncset.done $0x0  }
0x5d: {  	s21 =	simm.s32 $0x2B80;
	[sflag:s16] =	ssyncadd.s32 $0xFFFFE000  }
0x5e: {  	[tilespmem:s24], [sflag:$0x3] =	stream.indirect.gather [hbm4b:s1+s19], $0x40, s21, s19, $0xb8;
	[tilespmem:$0x1CF00] =	vst v63  }
0x5f: {  	_ =	swait.ge [sflag:s7], $0x2000  }
0x60: {  	[sflag:s7] =	ssyncset.done $0x0  }
0x61: {  	s30 =	simm.s32 $0x180;
	[sflag:s7] =	ssyncadd.s32 $0xFFFFE000  }
0x62: {  	[spmem:s3] =	stream.indirect.scatter.add.f32 [tilespmem:s26], [sflag:$0x7], $0x40, s30, s19, $0xb8;
	[tilespmem:$0x1CF00] =	vst v63  }
0x63: {  	_ =	swait.ge [sflag:s16], $0x2000  }
0x64: {  	[sflag:s16] =	ssyncset.done $0x0  }
0x65: {  	s21 =	simm.s32 $0x2C00;
	[sflag:s16] =	ssyncadd.s32 $0xFFFFE000  }
0x66: {  	[tilespmem:s26], [sflag:$0x4] =	stream.indirect.gather [hbm4b:s1+s19], $0x40, s21, s19, $0xb8;
	[tilespmem:$0x1CF00] =	vst v63  }
0x67: {  	_ =	swait.ge [sflag:s9], $0x2000  }
0x68: {  	[sflag:s9] =	ssyncset.done $0x0  }
0x69: {  	s30 =	simm.s32 $0x200;
	[sflag:s9] =	ssyncadd.s32 $0xFFFFE000  }
0x6a: {  	[spmem:s3] =	stream.indirect.scatter.add.f32 [tilespmem:s29], [sflag:$0x7], $0x40, s30, s19, $0xb8;
	[tilespmem:$0x1CF00] =	vst v63  }
0x6b: {  	_ =	swait.ge [sflag:s16], $0x2000  }
0x6c: {  	[sflag:s16] =	ssyncset.done $0x0  }
0x6d: {  	s21 =	simm.s32 $0x2C80;
	[sflag:s16] =	ssyncadd.s32 $0xFFFFE000  }
0x6e: {  	[tilespmem:s29], [sflag:$0x5] =	stream.indirect.gather [hbm4b:s1+s19], $0x40, s21, s19, $0xb8;
	[tilespmem:$0x1CF00] =	vst v63  }
0x6f: {  	_ =	swait.ge [sflag:s10], $0x2000  }
0x70: {  	[sflag:s10] =	ssyncset.done $0x0  }
0x71: {  	s30 =	simm.s32 $0x280;
	[sflag:s10] =	ssyncadd.s32 $0xFFFFE000  }
0x72: {  	[spmem:s3] =	stream.indirect.scatter.add.f32 [tilespmem:s31], [sflag:$0x7], $0x40, s30, s19, $0xb8;
	[tilespmem:$0x1CF00] =	vst v63  }
0x73: {  	_ =	swait.ge [sflag:s16], $0x2000  }
0x74: {  	[sflag:s16] =	ssyncset.done $0x0  }
0x75: {  	s28 =	simm.s32 $0xC00;
	s11 =	simm.s32 $0x2D00;
	[sflag:s16] =	ssyncadd.s32 $0xFFFFE000  }
.LBB2_4:
0x76: {  	[tilespmem:s31], [sflag:$0x6] =	stream.indirect.gather [hbm4b:s1+s19], $0x40, s11, s19, $0xb8;
	[tilespmem:$0x1CF00] =	vst v63  }
0x77: {  	s11 =	smov.u32 s28  }
0x78: {  	p0 =	sne.s32 s28, $0x8400;
	s28 =	sadd.s32 $0xC00, s28;
	_ =	swait.ge [sflag:s2], $0x2000  }
0x79: {  	[sflag:s2] =	ssyncset.done $0x0  }
0x7a: {  	s11 =	sshra.s32 s11, $0x2;
	[sflag:s2] =	ssyncadd.s32 $0xFFFFE000  }
0x7b: {  	[spmem:s3] =	stream.indirect.scatter.add.f32 [tilespmem:s20], [sflag:$0x7], $0x40, s11, s19, $0xb8;
	[tilespmem:$0x1CF00] =	vst v63  }
0x7c: {  	_ =	swait.ge [sflag:s16], $0x2000  }
0x7d: {  	[sflag:s16] =	ssyncset.done $0x0  }
0x7e: {  	s21 =	sadd.s32 $0x2A80, s11;
	[sflag:s16] =	ssyncadd.s32 $0xFFFFE000  }
0x7f: {  	[tilespmem:s20], [sflag:$0x1] =	stream.indirect.gather [hbm4b:s1+s19], $0x40, s21, s19, $0xb8;
	[tilespmem:$0x1CF00] =	vst v63  }
0x80: {  	_ =	swait.ge [sflag:s0], $0x2000  }
0x81: {  	[sflag:s0] =	ssyncset.done $0x0  }
0x82: {  	s21 =	sadd.s32 $0x80, s11;
	[sflag:s0] =	ssyncadd.s32 $0xFFFFE000  }
0x83: {  	[spmem:s3] =	stream.indirect.scatter.add.f32 [tilespmem:s22], [sflag:$0x7], $0x40, s21, s19, $0xb8;
	[tilespmem:$0x1CF00] =	vst v63  }
0x84: {  	_ =	swait.ge [sflag:s16], $0x2000  }
0x85: {  	[sflag:s16] =	ssyncset.done $0x0  }
0x86: {  	s21 =	sadd.s32 $0x2B00, s11;
	[sflag:s16] =	ssyncadd.s32 $0xFFFFE000  }
0x87: {  	[tilespmem:s22], [sflag:$0x2] =	stream.indirect.gather [hbm4b:s1+s19], $0x40, s21, s19, $0xb8;
	[tilespmem:$0x1CF00] =	vst v63  }
0x88: {  	_ =	swait.ge [sflag:s6], $0x2000  }
0x89: {  	[sflag:s6] =	ssyncset.done $0x0  }
0x8a: {  	s21 =	sadd.s32 $0x100, s11;
	[sflag:s6] =	ssyncadd.s32 $0xFFFFE000  }
0x8b: {  	[spmem:s3] =	stream.indirect.scatter.add.f32 [tilespmem:s24], [sflag:$0x7], $0x40, s21, s19, $0xb8;
	[tilespmem:$0x1CF00] =	vst v63  }
0x8c: {  	_ =	swait.ge [sflag:s16], $0x2000  }
0x8d: {  	[sflag:s16] =	ssyncset.done $0x0  }
0x8e: {  	s21 =	sadd.s32 $0x2B80, s11;
	[sflag:s16] =	ssyncadd.s32 $0xFFFFE000  }
0x8f: {  	[tilespmem:s24], [sflag:$0x3] =	stream.indirect.gather [hbm4b:s1+s19], $0x40, s21, s19, $0xb8;
	[tilespmem:$0x1CF00] =	vst v63  }
0x90: {  	_ =	swait.ge [sflag:s7], $0x2000  }
0x91: {  	[sflag:s7] =	ssyncset.done $0x0  }
0x92: {  	s21 =	sadd.s32 $0x180, s11;
	[sflag:s7] =	ssyncadd.s32 $0xFFFFE000  }
0x93: {  	[spmem:s3] =	stream.indirect.scatter.add.f32 [tilespmem:s26], [sflag:$0x7], $0x40, s21, s19, $0xb8;
	[tilespmem:$0x1CF00] =	vst v63  }
0x94: {  	_ =	swait.ge [sflag:s16], $0x2000  }
0x95: {  	[sflag:s16] =	ssyncset.done $0x0  }
0x96: {  	s21 =	sadd.s32 $0x2C00, s11;
	[sflag:s16] =	ssyncadd.s32 $0xFFFFE000  }
0x97: {  	[tilespmem:s26], [sflag:$0x4] =	stream.indirect.gather [hbm4b:s1+s19], $0x40, s21, s19, $0xb8;
	[tilespmem:$0x1CF00] =	vst v63  }
0x98: {  	_ =	swait.ge [sflag:s9], $0x2000  }
0x99: {  	[sflag:s9] =	ssyncset.done $0x0  }
0x9a: {  	s21 =	sadd.s32 $0x200, s11;
	[sflag:s9] =	ssyncadd.s32 $0xFFFFE000  }
0x9b: {  	[spmem:s3] =	stream.indirect.scatter.add.f32 [tilespmem:s29], [sflag:$0x7], $0x40, s21, s19, $0xb8;
	[tilespmem:$0x1CF00] =	vst v63  }
0x9c: {  	_ =	swait.ge [sflag:s16], $0x2000  }
0x9d: {  	[sflag:s16] =	ssyncset.done $0x0  }
0x9e: {  	s21 =	sadd.s32 $0x2C80, s11;
	[sflag:s16] =	ssyncadd.s32 $0xFFFFE000  }
0x9f: {  	[tilespmem:s29], [sflag:$0x5] =	stream.indirect.gather [hbm4b:s1+s19], $0x40, s21, s19, $0xb8;
	[tilespmem:$0x1CF00] =	vst v63  }
0xa0: {  	_ =	swait.ge [sflag:s10], $0x2000  }
0xa1: {  	[sflag:s10] =	ssyncset.done $0x0  }
.Ltmp1:
0xa2: {  	s21 =	sadd.s32 $0x280, s11;
	[sflag:s10] =	ssyncadd.s32 $0xFFFFE000;
	(pc) =	sbr.rel @p0 .LBB2_4-.Ltmp1, $4  }
0xa3: {  	[spmem:s3] =	stream.indirect.scatter.add.f32 [tilespmem:s31], [sflag:$0x7], $0x40, s21, s19, $0xb8;
	[tilespmem:$0x1CF00] =	vst v63  }
0xa4: {  	_ =	swait.ge [sflag:s16], $0x2000  }
0xa5: {  	[sflag:s16] =	ssyncset.done $0x0  }
0xa6: {  	s11 =	sadd.s32 $0x2D00, s11;
	[sflag:s16] =	ssyncadd.s32 $0xFFFFE000  }
0xa7: {  	[tilespmem:s31], [sflag:$0x6] =	stream.indirect.gather [hbm4b:s1+s19], $0x40, s11, s19, $0xb8;
	[tilespmem:$0x1CF00] =	vst v63  }
0xa8: {  	_ =	swait.ge [sflag:s2], $0x2000  }
0xa9: {  	[sflag:s2] =	ssyncset.done $0x0  }
0xaa: {  	s21 =	simm.s32 $0x2400;
	[sflag:s2] =	ssyncadd.s32 $0xFFFFE000  }
0xab: {  	[spmem:s3] =	stream.indirect.scatter.add.f32 [tilespmem:s20], [sflag:$0x7], $0x40, s21, s19, $0xb8;
	[tilespmem:$0x1CF00] =	vst v63  }
0xac: {  	_ =	swait.ge [sflag:s16], $0x2000  }
0xad: {  	[sflag:s16] =	ssyncset.done $0x0  }
0xae: {  	s21 =	simm.s32 $0x4E80;
	[sflag:s16] =	ssyncadd.s32 $0xFFFFE000  }
0xaf: {  	[tilespmem:s20], [sflag:$0x1] =	stream.indirect.gather [hbm4b:s1+s19], $0x40, s21, s19, $0xb8;
	[tilespmem:$0x1CF00] =	vst v63  }
0xb0: {  	_ =	swait.ge [sflag:s0], $0x2000  }
0xb1: {  	[sflag:s0] =	ssyncset.done $0x0  }
0xb2: {  	s21 =	simm.s32 $0x2480;
	[sflag:s0] =	ssyncadd.s32 $0xFFFFE000  }
0xb3: {  	[spmem:s3] =	stream.indirect.scatter.add.f32 [tilespmem:s22], [sflag:$0x7], $0x40, s21, s19, $0xb8;
	[tilespmem:$0x1CF00] =	vst v63  }
0xb4: {  	_ =	swait.ge [sflag:s16], $0x2000  }
0xb5: {  	[sflag:s16] =	ssyncset.done $0x0  }
0xb6: {  	[sflag:s16] =	ssyncadd.s32 $0xFFFFE000  }
0xb7: {  	_ =	swait.ge [sflag:s6], $0x2000  }
0xb8: {  	[sflag:s6] =	ssyncset.done $0x0  }
0xb9: {  	s21 =	simm.s32 $0x2500;
	[sflag:s6] =	ssyncadd.s32 $0xFFFFE000  }
0xba: {  	[spmem:s3] =	stream.indirect.scatter.add.f32 [tilespmem:s24], [sflag:$0x7], $0x40, s21, s19, $0xb8;
	[tilespmem:$0x1CF00] =	vst v63  }
0xbb: {  	_ =	swait.ge [sflag:s16], $0x2000  }
0xbc: {  	[sflag:s16] =	ssyncset.done $0x0  }
0xbd: {  	[sflag:s16] =	ssyncadd.s32 $0xFFFFE000  }
0xbe: {  	_ =	swait.ge [sflag:s7], $0x2000  }
0xbf: {  	[sflag:s7] =	ssyncset.done $0x0  }
0xc0: {  	s21 =	simm.s32 $0x2580;
	[sflag:s7] =	ssyncadd.s32 $0xFFFFE000  }
0xc1: {  	[spmem:s3] =	stream.indirect.scatter.add.f32 [tilespmem:s26], [sflag:$0x7], $0x40, s21, s19, $0xb8;
	[tilespmem:$0x1CF00] =	vst v63  }
0xc2: {  	_ =	swait.ge [sflag:s16], $0x2000  }
0xc3: {  	[sflag:s16] =	ssyncset.done $0x0  }
0xc4: {  	[sflag:s16] =	ssyncadd.s32 $0xFFFFE000  }
0xc5: {  	_ =	swait.ge [sflag:s9], $0x2000  }
0xc6: {  	[sflag:s9] =	ssyncset.done $0x0  }
0xc7: {  	s21 =	simm.s32 $0x2600;
	[sflag:s9] =	ssyncadd.s32 $0xFFFFE000  }
0xc8: {  	[spmem:s3] =	stream.indirect.scatter.add.f32 [tilespmem:s29], [sflag:$0x7], $0x40, s21, s19, $0xb8;
	[tilespmem:$0x1CF00] =	vst v63  }
0xc9: {  	_ =	swait.ge [sflag:s16], $0x2000  }
0xca: {  	[sflag:s16] =	ssyncset.done $0x0  }
0xcb: {  	[sflag:s16] =	ssyncadd.s32 $0xFFFFE000  }
0xcc: {  	_ =	swait.ge [sflag:s10], $0x2000  }
0xcd: {  	[sflag:s10] =	ssyncset.done $0x0  }
0xce: {  	s21 =	simm.s32 $0x2680;
	[sflag:s10] =	ssyncadd.s32 $0xFFFFE000  }
0xcf: {  	[spmem:s3] =	stream.indirect.scatter.add.f32 [tilespmem:s31], [sflag:$0x7], $0x40, s21, s19, $0xb8;
	[tilespmem:$0x1CF00] =	vst v63  }
0xd0: {  	_ =	swait.ge [sflag:s16], $0x2000  }
0xd1: {  	[sflag:s16] =	ssyncset.done $0x0  }
0xd2: {  	[sflag:s16] =	ssyncadd.s32 $0xFFFFE000  }
0xd3: {  	_ =	swait.ge [sflag:s2], $0x2000  }
0xd4: {  	[sflag:s2] =	ssyncset.done $0x0  }
0xd5: {  	s21 =	simm.s32 $0x2700;
	[sflag:s2] =	ssyncadd.s32 $0xFFFFE000  }
0xd6: {  	[spmem:s3] =	stream.indirect.scatter.add.f32 [tilespmem:s20], [sflag:$0x7], $0x40, s21, s19, $0xb8;
	[tilespmem:$0x1CF00] =	vst v63  }
0xd7: {  	_ =	swait.ge [sflag:s16], $0x2000  }
0xd8: {  	[sflag:s16] =	ssyncset.done $0x0  }
0xd9: {  	s21 =	stileid.u32;
	[sflag:s16] =	ssyncadd.s32 $0xFFFFE000  }
0xda: {  	s30 =	sshrl.u32 s8, $0x3;
	s11 =	sshll.u32 s21, $0x6;
	[bflag:$0x0] =	sbarrier.arrive $0xFFFF  }
0xdb: {  	s21 =	simm.s32 $0x10;
	s28 =	sor.u32 $0x1C07, s11;
	s11 =	rddreg [dreg:$0x6]  }
0xdc: {  	[hbm:s11@s21], [sflag:s28] =	dma.strided [spmem:s30@s25], $0x1400, s2, $0x8   }
0xdd: {  	_ =	swait.ge [sflag:s16], $0x1400  }
0xde: {  	[sflag:s16] =	ssyncset.done $0x0  }
0xdf: {  	[sflag:s16] =	ssyncadd.s32 $0xFFFFEC00  }
0xe0: {  	[bflag:$0x0] =	sbarrier.arrive $0xFFFF  }
0xe1: {  	[spmem:s8] =	stream.linear.scatter [tilespmem:s18], [sflag:$0x7], $0x2000, $0x38;
	[tilespmem:$0x1CF00] =	vst v63  }
0xe2: {  	_ =	swait.ge [sflag:s16], $0x2000  }
0xe3: {  	[sflag:s16] =	ssyncset.done $0x0  }
0xe4: {  	[sflag:s16] =	ssyncadd.s32 $0xFFFFE000  }
0xe5: {  	[spmem:s12] =	stream.linear.scatter [tilespmem:s18], [sflag:$0x7], $0x2000, $0x38;
	[tilespmem:$0x1CF00] =	vst v63  }
0xe6: {  	_ =	swait.ge [sflag:s16], $0x2000  }
0xe7: {  	[sflag:s16] =	ssyncset.done $0x0  }
0xe8: {  	[sflag:s16] =	ssyncadd.s32 $0xFFFFE000  }
0xe9: {  	[spmem:s13] =	stream.linear.scatter [tilespmem:s18], [sflag:$0x7], $0x2000, $0x38;
	[tilespmem:$0x1CF00] =	vst v63  }
0xea: {  	_ =	swait.ge [sflag:s16], $0x2000  }
0xeb: {  	[sflag:s16] =	ssyncset.done $0x0  }
0xec: {  	[sflag:s16] =	ssyncadd.s32 $0xFFFFE000  }
0xed: {  	[spmem:s14] =	stream.linear.scatter [tilespmem:s18], [sflag:$0x7], $0x2000, $0x38;
	[tilespmem:$0x1CF00] =	vst v63  }
0xee: {  	_ =	swait.ge [sflag:s16], $0x2000  }
0xef: {  	[sflag:s16] =	ssyncset.done $0x0  }
0xf0: {  	[sflag:s16] =	ssyncadd.s32 $0xFFFFE000  }
0xf1: {  	[spmem:s15] =	stream.linear.scatter [tilespmem:s18], [sflag:$0x7], $0x2000, $0x38;
	[tilespmem:$0x1CF00] =	vst v63  }
0xf2: {  	_ =	swait.ge [sflag:s16], $0x2000  }
0xf3: {  	[sflag:s16] =	ssyncset.done $0x0  }
0xf4: {  	[sflag:s16] =	ssyncadd.s32 $0xFFFFE000  }
0xf5: {  	[bflag:$0x0] =	sbarrier.arrive $0xFFFF  }
0xf6: {  	[tilespmem:s20], [sflag:$0x1] =	stream.indirect.gather [hbm4b:s5+s19], $0x40, s17, s19, $0xb8;
	[tilespmem:$0x1CF00] =	vst v63  }
0xf7: {  	_ = 	snop  }
0xf8: {  	[tilespmem:s22], [sflag:$0x2] =	stream.indirect.gather [hbm4b:s5+s19], $0x40, s23, s19, $0xb8;
	[tilespmem:$0x1CF00] =	vst v63  }
0xf9: {  	s23 =	simm.s32 $0x2880  }
0xfa: {  	[tilespmem:s24], [sflag:$0x3] =	stream.indirect.gather [hbm4b:s5+s19], $0x40, s23, s19, $0xb8;
	[tilespmem:$0x1CF00] =	vst v63  }
0xfb: {  	s21 =	simm.s32 $0x2900  }
0xfc: {  	[tilespmem:s26], [sflag:$0x4] =	stream.indirect.gather [hbm4b:s5+s19], $0x40, s21, s19, $0xb8;
	[tilespmem:$0x1CF00] =	vst v63  }
0xfd: {  	s23 =	simm.s32 $0x2980  }
0xfe: {  	[tilespmem:s29], [sflag:$0x5] =	stream.indirect.gather [hbm4b:s5+s19], $0x40, s23, s19, $0xb8;
	[tilespmem:$0x1CF00] =	vst v63  }
0xff: {  	s21 =	simm.s32 $0x2A00  }
0x100: {  	[tilespmem:s31], [sflag:$0x6] =	stream.indirect.gather [hbm4b:s5+s19], $0x40, s21, s19, $0xb8;
	[tilespmem:$0x1CF00] =	vst v63  }
0x101: {  	_ =	swait.ge [sflag:s2], $0x2000  }
0x102: {  	[sflag:s2] =	ssyncset.done $0x0  }
0x103: {  	s23 =	simm.s32 $0x0;
	[sflag:s2] =	ssyncadd.s32 $0xFFFFE000  }
0x104: {  	[spmem:s3] =	stream.indirect.scatter.add.f32 [tilespmem:s20], [sflag:$0x7], $0x40, s23, s19, $0xb8;
	[tilespmem:$0x1CF00] =	vst v63  }
0x105: {  	_ =	swait.ge [sflag:s16], $0x2000  }
0x106: {  	[sflag:s16] =	ssyncset.done $0x0  }
0x107: {  	s21 =	simm.s32 $0x2A80;
	[sflag:s16] =	ssyncadd.s32 $0xFFFFE000  }
0x108: {  	[tilespmem:s20], [sflag:$0x1] =	stream.indirect.gather [hbm4b:s5+s19], $0x40, s21, s19, $0xb8;
	[tilespmem:$0x1CF00] =	vst v63  }
0x109: {  	_ =	swait.ge [sflag:s0], $0x2000  }
0x10a: {  	[sflag:s0] =	ssyncset.done $0x0  }
0x10b: {  	s23 =	simm.s32 $0x80;
	[sflag:s0] =	ssyncadd.s32 $0xFFFFE000  }
0x10c: {  	[spmem:s3] =	stream.indirect.scatter.add.f32 [tilespmem:s22], [sflag:$0x7], $0x40, s23, s19, $0xb8;
	[tilespmem:$0x1CF00] =	vst v63  }
0x10d: {  	_ =	swait.ge [sflag:s16], $0x2000  }
0x10e: {  	[sflag:s16] =	ssyncset.done $0x0  }
0x10f: {  	s21 =	simm.s32 $0x2B00;
	[sflag:s16] =	ssyncadd.s32 $0xFFFFE000  }
0x110: {  	[tilespmem:s22], [sflag:$0x2] =	stream.indirect.gather [hbm4b:s5+s19], $0x40, s21, s19, $0xb8;
	[tilespmem:$0x1CF00] =	vst v63  }
0x111: {  	_ =	swait.ge [sflag:s6], $0x2000  }
0x112: {  	[sflag:s6] =	ssyncset.done $0x0  }
0x113: {  	s23 =	simm.s32 $0x100;
	[sflag:s6] =	ssyncadd.s32 $0xFFFFE000  }
0x114: {  	[spmem:s3] =	stream.indirect.scatter.add.f32 [tilespmem:s24], [sflag:$0x7], $0x40, s23, s19, $0xb8;
	[tilespmem:$0x1CF00] =	vst v63  }
0x115: {  	_ =	swait.ge [sflag:s16], $0x2000  }
0x116: {  	[sflag:s16] =	ssyncset.done $0x0  }
0x117: {  	s21 =	simm.s32 $0x2B80;
	[sflag:s16] =	ssyncadd.s32 $0xFFFFE000  }
0x118: {  	[tilespmem:s24], [sflag:$0x3] =	stream.indirect.gather [hbm4b:s5+s19], $0x40, s21, s19, $0xb8;
	[tilespmem:$0x1CF00] =	vst v63  }
0x119: {  	_ =	swait.ge [sflag:s7], $0x2000  }
0x11a: {  	[sflag:s7] =	ssyncset.done $0x0  }
0x11b: {  	s23 =	simm.s32 $0x180;
	[sflag:s7] =	ssyncadd.s32 $0xFFFFE000  }
0x11c: {  	[spmem:s3] =	stream.indirect.scatter.add.f32 [tilespmem:s26], [sflag:$0x7], $0x40, s23, s19, $0xb8;
	[tilespmem:$0x1CF00] =	vst v63  }
0x11d: {  	_ =	swait.ge [sflag:s16], $0x2000  }
0x11e: {  	[sflag:s16] =	ssyncset.done $0x0  }
0x11f: {  	s21 =	simm.s32 $0x2C00;
	[sflag:s16] =	ssyncadd.s32 $0xFFFFE000  }
0x120: {  	[tilespmem:s26], [sflag:$0x4] =	stream.indirect.gather [hbm4b:s5+s19], $0x40, s21, s19, $0xb8;
	[tilespmem:$0x1CF00] =	vst v63  }
0x121: {  	_ =	swait.ge [sflag:s9], $0x2000  }
0x122: {  	[sflag:s9] =	ssyncset.done $0x0  }
0x123: {  	s23 =	simm.s32 $0x200;
	[sflag:s9] =	ssyncadd.s32 $0xFFFFE000  }
0x124: {  	[spmem:s3] =	stream.indirect.scatter.add.f32 [tilespmem:s29], [sflag:$0x7], $0x40, s23, s19, $0xb8;
	[tilespmem:$0x1CF00] =	vst v63  }
0x125: {  	_ =	swait.ge [sflag:s16], $0x2000  }
0x126: {  	[sflag:s16] =	ssyncset.done $0x0  }
0x127: {  	s21 =	simm.s32 $0x2C80;
	[sflag:s16] =	ssyncadd.s32 $0xFFFFE000  }
0x128: {  	[tilespmem:s29], [sflag:$0x5] =	stream.indirect.gather [hbm4b:s5+s19], $0x40, s21, s19, $0xb8;
	[tilespmem:$0x1CF00] =	vst v63  }
0x129: {  	_ =	swait.ge [sflag:s10], $0x2000  }
0x12a: {  	[sflag:s10] =	ssyncset.done $0x0  }
0x12b: {  	s23 =	simm.s32 $0x280;
	[sflag:s10] =	ssyncadd.s32 $0xFFFFE000  }
0x12c: {  	[spmem:s3] =	stream.indirect.scatter.add.f32 [tilespmem:s31], [sflag:$0x7], $0x40, s23, s19, $0xb8;
	[tilespmem:$0x1CF00] =	vst v63  }
0x12d: {  	_ =	swait.ge [sflag:s16], $0x2000  }
0x12e: {  	[sflag:s16] =	ssyncset.done $0x0  }
0x12f: {  	s11 =	simm.s32 $0xC00;
	s21 =	simm.s32 $0x2D00;
	[sflag:s16] =	ssyncadd.s32 $0xFFFFE000  }
.LBB2_6:
0x130: {  	[tilespmem:s31], [sflag:$0x6] =	stream.indirect.gather [hbm4b:s5+s19], $0x40, s21, s19, $0xb8;
	[tilespmem:$0x1CF00] =	vst v63  }
0x131: {  	s21 =	smov.u32 s11  }
0x132: {  	p0 =	sne.s32 s11, $0x8400;
	s11 =	sadd.s32 $0xC00, s11;
	_ =	swait.ge [sflag:s2], $0x2000  }
0x133: {  	[sflag:s2] =	ssyncset.done $0x0  }
0x134: {  	s21 =	sshra.s32 s21, $0x2;
	[sflag:s2] =	ssyncadd.s32 $0xFFFFE000  }
0x135: {  	[spmem:s3] =	stream.indirect.scatter.add.f32 [tilespmem:s20], [sflag:$0x7], $0x40, s21, s19, $0xb8;
	[tilespmem:$0x1CF00] =	vst v63  }
0x136: {  	_ =	swait.ge [sflag:s16], $0x2000  }
0x137: {  	[sflag:s16] =	ssyncset.done $0x0  }
0x138: {  	s23 =	sadd.s32 $0x2A80, s21;
	[sflag:s16] =	ssyncadd.s32 $0xFFFFE000  }
0x139: {  	[tilespmem:s20], [sflag:$0x1] =	stream.indirect.gather [hbm4b:s5+s19], $0x40, s23, s19, $0xb8;
	[tilespmem:$0x1CF00] =	vst v63  }
0x13a: {  	_ =	swait.ge [sflag:s0], $0x2000  }
0x13b: {  	[sflag:s0] =	ssyncset.done $0x0  }
0x13c: {  	s23 =	sadd.s32 $0x80, s21;
	[sflag:s0] =	ssyncadd.s32 $0xFFFFE000  }
0x13d: {  	[spmem:s3] =	stream.indirect.scatter.add.f32 [tilespmem:s22], [sflag:$0x7], $0x40, s23, s19, $0xb8;
	[tilespmem:$0x1CF00] =	vst v63  }
0x13e: {  	_ =	swait.ge [sflag:s16], $0x2000  }
0x13f: {  	[sflag:s16] =	ssyncset.done $0x0  }
0x140: {  	s23 =	sadd.s32 $0x2B00, s21;
	[sflag:s16] =	ssyncadd.s32 $0xFFFFE000  }
0x141: {  	[tilespmem:s22], [sflag:$0x2] =	stream.indirect.gather [hbm4b:s5+s19], $0x40, s23, s19, $0xb8;
	[tilespmem:$0x1CF00] =	vst v63  }
0x142: {  	_ =	swait.ge [sflag:s6], $0x2000  }
0x143: {  	[sflag:s6] =	ssyncset.done $0x0  }
0x144: {  	s23 =	sadd.s32 $0x100, s21;
	[sflag:s6] =	ssyncadd.s32 $0xFFFFE000  }
0x145: {  	[spmem:s3] =	stream.indirect.scatter.add.f32 [tilespmem:s24], [sflag:$0x7], $0x40, s23, s19, $0xb8;
	[tilespmem:$0x1CF00] =	vst v63  }
0x146: {  	_ =	swait.ge [sflag:s16], $0x2000  }
0x147: {  	[sflag:s16] =	ssyncset.done $0x0  }
0x148: {  	s23 =	sadd.s32 $0x2B80, s21;
	[sflag:s16] =	ssyncadd.s32 $0xFFFFE000  }
0x149: {  	[tilespmem:s24], [sflag:$0x3] =	stream.indirect.gather [hbm4b:s5+s19], $0x40, s23, s19, $0xb8;
	[tilespmem:$0x1CF00] =	vst v63  }
0x14a: {  	_ =	swait.ge [sflag:s7], $0x2000  }
0x14b: {  	[sflag:s7] =	ssyncset.done $0x0  }
0x14c: {  	s23 =	sadd.s32 $0x180, s21;
	[sflag:s7] =	ssyncadd.s32 $0xFFFFE000  }
0x14d: {  	[spmem:s3] =	stream.indirect.scatter.add.f32 [tilespmem:s26], [sflag:$0x7], $0x40, s23, s19, $0xb8;
	[tilespmem:$0x1CF00] =	vst v63  }
0x14e: {  	_ =	swait.ge [sflag:s16], $0x2000  }
0x14f: {  	[sflag:s16] =	ssyncset.done $0x0  }
0x150: {  	s23 =	sadd.s32 $0x2C00, s21;
	[sflag:s16] =	ssyncadd.s32 $0xFFFFE000  }
0x151: {  	[tilespmem:s26], [sflag:$0x4] =	stream.indirect.gather [hbm4b:s5+s19], $0x40, s23, s19, $0xb8;
	[tilespmem:$0x1CF00] =	vst v63  }
0x152: {  	_ =	swait.ge [sflag:s9], $0x2000  }
0x153: {  	[sflag:s9] =	ssyncset.done $0x0  }
0x154: {  	s23 =	sadd.s32 $0x200, s21;
	[sflag:s9] =	ssyncadd.s32 $0xFFFFE000  }
0x155: {  	[spmem:s3] =	stream.indirect.scatter.add.f32 [tilespmem:s29], [sflag:$0x7], $0x40, s23, s19, $0xb8;
	[tilespmem:$0x1CF00] =	vst v63  }
0x156: {  	_ =	swait.ge [sflag:s16], $0x2000  }
0x157: {  	[sflag:s16] =	ssyncset.done $0x0  }
0x158: {  	s23 =	sadd.s32 $0x2C80, s21;
	[sflag:s16] =	ssyncadd.s32 $0xFFFFE000  }
0x159: {  	[tilespmem:s29], [sflag:$0x5] =	stream.indirect.gather [hbm4b:s5+s19], $0x40, s23, s19, $0xb8;
	[tilespmem:$0x1CF00] =	vst v63  }
0x15a: {  	_ =	swait.ge [sflag:s10], $0x2000  }
0x15b: {  	[sflag:s10] =	ssyncset.done $0x0  }
.Ltmp2:
0x15c: {  	s23 =	sadd.s32 $0x280, s21;
	[sflag:s10] =	ssyncadd.s32 $0xFFFFE000;
	(pc) =	sbr.rel @p0 .LBB2_6-.Ltmp2, $4  }
0x15d: {  	[spmem:s3] =	stream.indirect.scatter.add.f32 [tilespmem:s31], [sflag:$0x7], $0x40, s23, s19, $0xb8;
	[tilespmem:$0x1CF00] =	vst v63  }
0x15e: {  	_ =	swait.ge [sflag:s16], $0x2000  }
0x15f: {  	[sflag:s16] =	ssyncset.done $0x0  }
0x160: {  	s21 =	sadd.s32 $0x2D00, s21;
	[sflag:s16] =	ssyncadd.s32 $0xFFFFE000  }
0x161: {  	[tilespmem:s31], [sflag:$0x6] =	stream.indirect.gather [hbm4b:s5+s19], $0x40, s21, s19, $0xb8;
	[tilespmem:$0x1CF00] =	vst v63  }
0x162: {  	_ =	swait.ge [sflag:s2], $0x2000  }
0x163: {  	[sflag:s2] =	ssyncset.done $0x0  }
0x164: {  	s11 =	simm.s32 $0x2400;
	[sflag:s2] =	ssyncadd.s32 $0xFFFFE000  }
0x165: {  	[spmem:s3] =	stream.indirect.scatter.add.f32 [tilespmem:s20], [sflag:$0x7], $0x40, s11, s19, $0xb8;
	[tilespmem:$0x1CF00] =	vst v63  }
0x166: {  	_ =	swait.ge [sflag:s16], $0x2000  }
0x167: {  	[sflag:s16] =	ssyncset.done $0x0  }
0x168: {  	s23 =	simm.s32 $0x4E80;
	[sflag:s16] =	ssyncadd.s32 $0xFFFFE000  }
0x169: {  	[tilespmem:s20], [sflag:$0x1] =	stream.indirect.gather [hbm4b:s5+s19], $0x40, s23, s19, $0xb8;
	[tilespmem:$0x1CF00] =	vst v63  }
0x16a: {  	_ =	swait.ge [sflag:s0], $0x2000  }
0x16b: {  	[sflag:s0] =	ssyncset.done $0x0  }
0x16c: {  	s21 =	simm.s32 $0x2480;
	[sflag:s0] =	ssyncadd.s32 $0xFFFFE000  }
0x16d: {  	[spmem:s3] =	stream.indirect.scatter.add.f32 [tilespmem:s22], [sflag:$0x7], $0x40, s21, s19, $0xb8;
	[tilespmem:$0x1CF00] =	vst v63  }
0x16e: {  	_ =	swait.ge [sflag:s16], $0x2000  }
0x16f: {  	[sflag:s16] =	ssyncset.done $0x0  }
0x170: {  	[sflag:s16] =	ssyncadd.s32 $0xFFFFE000  }
0x171: {  	_ =	swait.ge [sflag:s6], $0x2000  }
0x172: {  	[sflag:s6] =	ssyncset.done $0x0  }
0x173: {  	s23 =	simm.s32 $0x2500;
	[sflag:s6] =	ssyncadd.s32 $0xFFFFE000  }
0x174: {  	[spmem:s3] =	stream.indirect.scatter.add.f32 [tilespmem:s24], [sflag:$0x7], $0x40, s23, s19, $0xb8;
	[tilespmem:$0x1CF00] =	vst v63  }
0x175: {  	_ =	swait.ge [sflag:s16], $0x2000  }
0x176: {  	[sflag:s16] =	ssyncset.done $0x0  }
0x177: {  	[sflag:s16] =	ssyncadd.s32 $0xFFFFE000  }
0x178: {  	_ =	swait.ge [sflag:s7], $0x2000  }
0x179: {  	[sflag:s7] =	ssyncset.done $0x0  }
0x17a: {  	s21 =	simm.s32 $0x2580;
	[sflag:s7] =	ssyncadd.s32 $0xFFFFE000  }
0x17b: {  	[spmem:s3] =	stream.indirect.scatter.add.f32 [tilespmem:s26], [sflag:$0x7], $0x40, s21, s19, $0xb8;
	[tilespmem:$0x1CF00] =	vst v63  }
0x17c: {  	_ =	swait.ge [sflag:s16], $0x2000  }
0x17d: {  	[sflag:s16] =	ssyncset.done $0x0  }
0x17e: {  	[sflag:s16] =	ssyncadd.s32 $0xFFFFE000  }
0x17f: {  	_ =	swait.ge [sflag:s9], $0x2000  }
0x180: {  	[sflag:s9] =	ssyncset.done $0x0  }
0x181: {  	s23 =	simm.s32 $0x2600;
	[sflag:s9] =	ssyncadd.s32 $0xFFFFE000  }
0x182: {  	[spmem:s3] =	stream.indirect.scatter.add.f32 [tilespmem:s29], [sflag:$0x7], $0x40, s23, s19, $0xb8;
	[tilespmem:$0x1CF00] =	vst v63  }
0x183: {  	_ =	swait.ge [sflag:s16], $0x2000  }
0x184: {  	[sflag:s16] =	ssyncset.done $0x0  }
0x185: {  	[sflag:s16] =	ssyncadd.s32 $0xFFFFE000  }
0x186: {  	_ =	swait.ge [sflag:s10], $0x2000  }
0x187: {  	[sflag:s10] =	ssyncset.done $0x0  }
0x188: {  	s21 =	simm.s32 $0x2680;
	[sflag:s10] =	ssyncadd.s32 $0xFFFFE000  }
0x189: {  	[spmem:s3] =	stream.indirect.scatter.add.f32 [tilespmem:s31], [sflag:$0x7], $0x40, s21, s19, $0xb8;
	[tilespmem:$0x1CF00] =	vst v63  }
0x18a: {  	_ =	swait.ge [sflag:s16], $0x2000  }
0x18b: {  	[sflag:s16] =	ssyncset.done $0x0  }
0x18c: {  	[sflag:s16] =	ssyncadd.s32 $0xFFFFE000  }
0x18d: {  	_ =	swait.ge [sflag:s2], $0x2000  }
0x18e: {  	[sflag:s2] =	ssyncset.done $0x0  }
0x18f: {  	s23 =	simm.s32 $0x2700;
	[sflag:s2] =	ssyncadd.s32 $0xFFFFE000  }
0x190: {  	[spmem:s3] =	stream.indirect.scatter.add.f32 [tilespmem:s20], [sflag:$0x7], $0x40, s23, s19, $0xb8;
	[tilespmem:$0x1CF00] =	vst v63  }
0x191: {  	_ =	swait.ge [sflag:s16], $0x2000  }
0x192: {  	[sflag:s16] =	ssyncset.done $0x0  }
0x193: {  	[sflag:s16] =	ssyncadd.s32 $0xFFFFE000  }
0x194: {  	[bflag:$0x0] =	sbarrier.arrive $0xFFFF  }
0x195: {  	s23 =	simm.s32 $0x10;
	s21 =	rddreg [dreg:$0x7]  }
0x196: {  	[hbm:s21@s23], [sflag:s28] =	dma.strided [spmem:s30@s25], $0x1400, s2, $0x8   }
0x197: {  	_ =	swait.ge [sflag:s16], $0x1400  }
0x198: {  	s4 =	sadd.s32 $0x1, s4;
	s30 =	rddreg [dreg:$0x8]  }
0x199: {  	p0 =	sne.s32 s4, s30  }
.Ltmp3:
0x19a: {  	_ = 	snop;
	(pc) =	sbr.rel @p0 .LBB2_1-.Ltmp3, $4  }
0x19b: {  	[sflag:s16] =	ssyncset.done $0x0  }
0x19c: {  	[sflag:s16] =	ssyncadd.s32 $0xFFFFEC00  }
0x19d: {  	[bflag:$0x0] =	sbarrier.arrive $0xFFFF  }
0x19e: {  	s23 =	simm.s32 $0x2800  }
0x19f: {  	_ =	sfence.sel $0x180000  }
0x1a0: {  	[bflag:$0x0] =	sbarrier.arrive $0xFFFF  }
0x1a1: {  	_ =	strace $0x9000004A  }
0x1a2: {  	s0 =	stileid.u32;
	[bflag:$0x2] =	sbarrier.arrive $0xFFFF  }
0x1a3: {  	p0 =	sne.s32 s0, $0x0;
	s0 =	rddreg [dreg:$0x3]  }
0x1a4: {  	s0 =	sadd.s32 @!p0 $0x100000, s0  }
0x1a5: {  	[sflag:s0] =	ssyncadd.tile.s32 @!p0 $0x1;
	_ =	shalt  }
.Lfunc_end2:
_tile_overlayer_lowered:
.L_overlay_start_2:
0x1a6: {  	(tag) =	ssettag $0x2  }
0x1a7: {  	s0 =	rddreg [dreg:$0x0];
	s2 =	stileid.u32  }
0x1a8: {  	s1 =	rddreg [dreg:$0x1];
	p0 =	sne.s32 s2, $0x0  }
0x1a9: {  	s3 =	rddreg [dreg:$0x2];
	[bflag:$0x3] =	sbarrier.arrive $0xFFFF;
	s2 =	simm.s32 @!p0 $0x1C01  }
0x1aa: {  	[timem:s3], [sflag:s2] =	dma.local @!p0 [hbm:s0], s1  }
0x1ab: {  	s0 =	simm.s32 @!p0 $0x1  }
0x1ac: {  	_ =	swait.ge @!p0 [sflag:s0], s1  }
0x1ad: {  	s1 =	ssub.s32 @!p0 $0x0, s1;
	[sflag:s0] =	ssyncset.done @!p0 $0x0  }
0x1ae: {  	[sflag:s0] =	ssyncadd.s32 @!p0 s1  }
0x1af: {  	[bflag:$0x3] =	sbarrier.arrive $0xFFFF  }
0x1b0: {  	_ =	shalt  }

// kernel: kernel.7.cloned.1.call-start
scs
__scs_entry_jumppad:
0x0: {  	(pc) =	sbr.rel $0x88, $3  }
0x1: {  	(tag) =	ssettag $0x0;
	lr =	simm.s32 $0x1  }
0x2: {  	[smem:$0x3F9E] =	sst lr;
	_ =	strace $0xD0000000  }
0x3: {  	_ = 	snop  }
0x4: {  	_ = 	snop  }
0x5: {  	_ = 	snop  }
0x6: {  	_ = 	snop  }
0x7: {  	_ = 	snop  }
__scs_overlays_trampoline_lowered:
0x8: {  	[smem:$0x3FAD] =	sst s0  }
0x9: {  	[smem:$0x3FAE] =	sst s1  }
0xa: {  	[smem:$0x3FAF] =	sst s2  }
0xb: {  	[smem:$0x3FB0] =	sst s3  }
0xc: {  	[smem:$0x3FB1] =	sst s4  }
0xd: {  	[smem:$0x3FB2] =	sst s5  }
0xe: {  	[smem:$0x3FB3] =	sst s6  }
0xf: {  	[smem:$0x3FB4] =	sst s7  }
0x10: {  	[smem:$0x3FB5] =	sst s8  }
0x11: {  	[smem:$0x3FB6] =	sst s9;
	s0 =	simm.s32 @!p0 $0x0  }
0x12: {  	s1 =	sld [smem:$0x3F9C];
	s0 =	simm.s32 @p0 $0x1  }
0x13: {  	[smem:$0x3FB7] =	sst s0;
	s0 =	simm.s32 @!p1 $0x0  }
0x14: {  	s2 =	sld [smem:$0x3F9B];
	s0 =	simm.s32 @p1 $0x1  }
0x15: {  	[smem:$0x3FB8] =	sst s0;
	s0 =	simm.s32 @!p2 $0x0  }
0x16: {  	s3 =	sld [smem:$0x3FDB];
	s0 =	simm.s32 @p2 $0x1  }
0x17: {  	s4 =	simm.s32 $0x1BF5;
	[smem:$0x3FBA] =	sst s0  }
0x18: {  	s0 =	sld [smem:$0x3F9D];
	_ =	swait.ge [sflag:s4], $0x0  }
0x19: {  	s7 =	sld [smem:$0x3F9E]  }
0x1a: {  	s8 =	sadd.s32 $0xFFFFE003, lr  }
0x1b: {  	s9 =	sadd.s32 $0xFFFFFEF7, lr;
	s5 =	simm.s32 $0xFFFFFFFF;
	p2 =	slt.u32 s8, $0xFFFFF086  }
0x1c: {  	p1 =	slt.u32 s9, $0xF7A;
	s5 =	simm.s32 @!p2 $0x0  }
0x1d: {  	s5 =	simm.s32 @p1 $0x1;
	p0 =	seq.s32 s7, s2  }
0x1e: {  	s7 =	smul.u32 @!p0 $0xF7A, s2;
	p2 =	seq.s32 @!p0 s5, $0x0  }
0x1f: {  	s9 =	smul.u32 $0xF7A, s1;
	s8 =	simm.s32 @!p0 $0x1BF5;
	p2 =	por !p2, p0  }
0x20: {  	[sflag:s8] =	ssyncset.s32 @!p0 $0xFFFFF086;
	s6 =	sadd.s32 @!p0 s3, s7;
	s7 =	simm.s32 @!p0 $0x108  }
0x21: {  	s3 =	sadd.s32 s3, s9;
	s6 =	sadd.s32 @!p0 $0x88, s6;
	s7 =	simm.s32 @p2 $0x1082  }
0x22: {  	[simem:s7], [sflag:s8] =	dma.local @!p0 [hbm:s6], $0xF7A  }
0x23: {  	s9 =	sor.u32 $0xD0000000, s2;
	s6 =	simm.s32 $0x108;
	_ =	swait.ge @!p0 [sflag:s8], $0x0  }
0x24: {  	s3 =	sadd.s32 $0x88, s3;
	s6 =	simm.s32 @!p1 $0x1082;
	[sflag:s4] =	ssyncset.s32 $0xFFFFF086  }
0x25: {  	[simem:s6], [sflag:s4] =	dma.local [hbm:s3], $0xF7A  }
0x26: {  	[smem:$0x3F9E] =	sst s1;
	(tag) =	ssettag s2;
	_ =	strace s9  }
0x27: {  	s1 =	sld [smem:$0x3FAE]  }
0x28: {  	s2 =	sld [smem:$0x3FAF]  }
0x29: {  	s4 =	sld [smem:$0x3FB1]  }
0x2a: {  	p0 =	seq.s32 s5, $0x0;
	s5 =	sld [smem:$0x3FB2]  }
0x2b: {  	s6 =	sld [smem:$0x3FB3]  }
0x2c: {  	s7 =	sld [smem:$0x3FB4]  }
0x2d: {  	s3 =	simm.s32 $0x108;
	s8 =	sld [smem:$0x3FB5]  }
0x2e: {  	s3 =	simm.s32 @!p0 $0x1082;
	s9 =	sld [smem:$0x3FB6]  }
0x2f: {  	lr =	sadd.s32 s0, s3;
	s0 =	sld [smem:$0x3FAD]  }
0x30: {  	s3 =	sld [smem:$0x3FB0]  }
0x31: {  	[smem:$0x3FB9] =	sst s10  }
0x32: {  	s10 =	sld [smem:$0x3FB7];
	_ =	sdelay $0x3  }
0x33: {  	p0 =	seq.s32 s10, $0x1;
	s10 =	sld [smem:$0x3FB9];
	_ =	sdelay $0x3  }
0x34: {  	[smem:$0x3FB9] =	sst s10  }
0x35: {  	s10 =	sld [smem:$0x3FB8];
	_ =	sdelay $0x3  }
0x36: {  	p1 =	seq.s32 s10, $0x1;
	s10 =	sld [smem:$0x3FB9];
	_ =	sdelay $0x3  }
0x37: {  	[smem:$0x3FB9] =	sst s10  }
0x38: {  	s10 =	sld [smem:$0x3FBA]  }
0x39: {  	_ = 	snop;
	(pc) =	sbr.ind lr, $3  }
0x3a: {  	_ = 	snop  }
0x3b: {  	_ = 	snop  }
0x3c: {  	p2 =	seq.s32 s10, $0x1;
	s10 =	sld [smem:$0x3FB9]  }
0x3d: {  	_ =	shalt  }
0x3e: {  	_ =	shalt  }
0x3f: {  	_ =	shalt  }
0x40: {  	_ =	shalt  }
0x41: {  	_ =	shalt  }
0x42: {  	_ =	shalt  }
0x43: {  	_ =	shalt  }
0x44: {  	_ =	shalt  }
0x45: {  	_ =	shalt  }
0x46: {  	_ =	shalt  }
0x47: {  	_ =	shalt  }
0x48: {  	_ =	shalt  }
0x49: {  	_ =	shalt  }
0x4a: {  	_ =	shalt  }
0x4b: {  	_ =	shalt  }
0x4c: {  	_ =	shalt  }
0x4d: {  	_ =	shalt  }
0x4e: {  	_ =	shalt  }
0x4f: {  	_ =	shalt  }
0x50: {  	_ =	shalt  }
0x51: {  	_ =	shalt  }
0x52: {  	_ =	shalt  }
0x53: {  	_ =	shalt  }
0x54: {  	_ =	shalt  }
0x55: {  	_ =	shalt  }
0x56: {  	_ =	shalt  }
0x57: {  	_ =	shalt  }
0x58: {  	_ =	shalt  }
0x59: {  	_ =	shalt  }
0x5a: {  	_ =	shalt  }
0x5b: {  	_ =	shalt  }
0x5c: {  	_ =	shalt  }
0x5d: {  	_ =	shalt  }
0x5e: {  	_ =	shalt  }
0x5f: {  	_ =	shalt  }
0x60: {  	_ =	shalt  }
0x61: {  	_ =	shalt  }
0x62: {  	_ =	shalt  }
0x63: {  	_ =	shalt  }
0x64: {  	_ =	shalt  }
0x65: {  	_ =	shalt  }
0x66: {  	_ =	shalt  }
0x67: {  	_ =	shalt  }
0x68: {  	_ =	shalt  }
0x69: {  	_ =	shalt  }
0x6a: {  	_ =	shalt  }
0x6b: {  	_ =	shalt  }
0x6c: {  	_ =	shalt  }
0x6d: {  	_ =	shalt  }
0x6e: {  	_ =	shalt  }
0x6f: {  	_ =	shalt  }
0x70: {  	_ =	shalt  }
0x71: {  	_ =	shalt  }
0x72: {  	_ =	shalt  }
0x73: {  	_ =	shalt  }
0x74: {  	_ =	shalt  }
0x75: {  	_ =	shalt  }
0x76: {  	_ =	shalt  }
0x77: {  	_ =	shalt  }
0x78: {  	_ =	shalt  }
0x79: {  	_ =	shalt  }
0x7a: {  	_ =	shalt  }
0x7b: {  	_ =	shalt  }
0x7c: {  	_ =	shalt  }
0x7d: {  	_ =	shalt  }
0x7e: {  	_ =	shalt  }
0x7f: {  	_ =	shalt  }
0x80: {  	_ =	shalt  }
0x81: {  	_ =	shalt  }
0x82: {  	_ =	shalt  }
0x83: {  	_ =	shalt  }
0x84: {  	_ =	shalt  }
0x85: {  	_ =	shalt  }
0x86: {  	_ =	shalt  }
0x87: {  	_ =	shalt  }
.Lfunc_end0:
.L_simem_size_0:
called_computation_lowered:
.L_overlay_start_0:
0x88: {  	s2 =	sld [smem:$0x3FD9]  }
0x89: {  	s3 =	sld [smem:$0x3FFE];
	_ =	sdelay $0x1  }
0x8a: {  	s1 =	srdreg.scid  }
0x8b: {  	s0 =	sand.u32 $0x1, s1  }
0x8c: {  	s17 =	sshll.u32 s0, $0xA;
	s2 =	sadd.s32 s3, s2  }
0x8d: {  	s2 =	sadd.s32 s2, s17  }
0x8e: {  	[smem:$0x3FC5] =	sst s2  }
0x8f: {  	_ = 	snop  }
0x90: {  	s2 =	sld [smem:$0x3FD0];
	(tm) =	ssettm $0x1  }
0x91: {  	s18 =	sld [smem:$0x3FFB];
	_ =	sdelay $0x3  }
0x92: {  	_ =	strace s18  }
0x93: {  	s3 =	sld [smem:$0x3FFC];
	_ =	sdelay $0x3  }
0x94: {  	_ =	strace s3  }
0x95: {  	s3 =	sld [smem:$0x3FFD];
	_ =	sdelay $0x3  }
0x96: {  	_ =	strace s3  }
0x97: {  	_ =	strace $0x8FFFFFFF  }
0x98: {  	s19 =	sld [smem:$0x3FDB];
	_ =	sdelay $0x1  }
0x99: {  	s4 =	simm.s32 $_scs_section_size  }
0x9a: {  	s5 =	simm.s32 $_size__tile_overlayer_lowered;
	s6 =	simm.s32 $_tile_overlayer_lowered  }
0x9b: {  	s22 =	simm.s32 $0x1BFF;
	s21 =	sshll.u32 s6, $0x1;
	s3 =	sadd.s32 s4, s19  }
0x9c: {  	s7 =	simm.s32 $0x0;
	s20 =	sshll.u32 s5, $0x1;
	s5 =	sadd.s32 s21, s3  }
0x9d: {  	[timem:s7], [sflag:s22] =	dma.local [hbm:s5], s20  }
0x9e: {  	_ =	swait.ge [sflag:s22], s20  }
0x9f: {  	s4 =	ssub.s32 $0x0, s20;
	[sflag:s22] =	ssyncset.done $0x0  }
0xa0: {  	[sflag:s22] =	ssyncadd.s32 s4;
	_ =	sdelay $0x1  }
0xa1: {  	s23 =	simm.s32 $0x1B8B  }
0xa2: {  	_ =	swait.ge [sflag:s23], $0x1  }
0xa3: {  	[sflag:s23] =	ssyncset.done $0x0  }
0xa4: {  	s25 =	simm.s32 $0x1B8E;
	s24 =	sld [smem:$0x3FFE];
	[sflag:s23] =	ssyncadd.s32 $0xFFFFFFFF  }
0xa5: {  	s26 =	simm.s32 $execute0_lowered;
	[smem:$0x3FD2] =	sst s25  }
0xa6: {  	s5 =	sshll.u32 s26, $0x1;
	_ =	strace $0x80000046;
	[dreg:$0x1] =	wrdreg $0xFFFFFFFF  }
0xa7: {  	s28 =	simm.s32 $_size_execute0_lowered;
	s3 =	sadd.s32 s3, s5;
	[dreg:$0x0] =	wrdreg $0x0  }
0xa8: {  	s5 =	sshll.u32 s28, $0x1;
	[dreg:$0x2] =	wrdreg s3  }
0xa9: {  	[dreg:$0x3] =	wrdreg s5  }
0xaa: {  	[dreg:$0x4] =	wrdreg $0xC0  }
0xab: {  	_ =	task [dreg:s7], $0x5FFFF  }
0xac: {  	[dreg:$0x1] =	wrdreg $0xFFFFFFFF  }
0xad: {  	[dreg:$0x0] =	wrdreg $0x60  }
0xae: {  	[dreg:$0x2] =	wrdreg s2  }
0xaf: {  	[dreg:$0x3] =	wrdreg s24  }
0xb0: {  	[dreg:$0x4] =	wrdreg $0x9  }
0xb1: {  	_ =	task.clear_ibuf [dreg:s7], $0x5FFFF;
	_ =	strace $0x90000046  }
0xb2: {  	s29 =	simm.s32 $0x9;
	_ =	strace $0x80000048  }
0xb3: {  	_ =	swait.ge [sflag:s29], $0x1  }
0xb4: {  	[sflag:s29] =	ssyncadd.s32 $0xFFFFFFFF  }
0xb5: {  	_ =	strace $0x90000048  }
0xb6: {  	_ =	sfence  }
0xb7: {  	s30 =	sld [smem:$0x0];
	_ =	sdelay $0x2  }
0xb8: {  	s31 =	sshll.u32 s1, $0xD;
	s1 =	sshrl.u32 s1, $0x2  }
0xb9: {  	s3 =	sand.u32 $0x4000, s31;
	s1 =	sadd.s32 s1, s30  }
0xba: {  	s0 =	sor.u32 s3, s0;
	s1 =	sshll.u32 s1, $0x11  }
0xbb: {  	s0 =	sor.u32 s1, s0  }
0xbc: {  	s0 =	sadd.s32 $0x8F2B, s0  }
0xbd: {  	[sflag:s0] =	ssyncadd.remote.s32 $0x1  }
0xbe: {  	_ =	sfence.sel $0xFFFF  }
0xbf: {  	[dreg:$0x0] =	wrdreg $0xFFFFFFFF;
	(pc) =	sbr.abs _section_cstart, $3  }
0xc0: {  	[dreg:$0x1] =	wrdreg $0xFFFFFFFF  }
0xc1: {  	_ =	task.clear_ibuf [dreg:s7], $0x2FFFF;
	_ =	strace $0x9FFFFFFF  }
0xc2: {  	(tm) =	ssettm $0x7FFFFFFF  }
0xc3: {  	_ =	shalt  }
tec
execute0_lowered:
.L_overlay_start_1:
0x0: {  	(tag) =	ssettag $0x1  }
0x1: {  	s0 =	rddreg [dreg:$0x0];
	s1 =	srdreg.scid  }
0x2: {  	s2 =	stileid.u32;
	s4 =	rddreg [dreg:$0x1]  }
0x3: {  	s28 =	simm.s32 $0x16D00;
	s29 =	simm.s32 $0x17200;
	s30 =	simm.s32 $0x17700  }
0x4: {  	s31 =	simm.s32 $0x17C00;
	s1 =	sand.u32 $0x1, s1;
	s3 =	sshll.u32 s2, $0x1  }
0x5: {  	s2 =	simm.s32 $0x0;
	s8 =	sadd.s32 $0x1A00, s4;
	s3 =	sor.u32 s1, s3  }
0x6: {  	s10 =	sadd.s32 $0x1A10, s4;
	s1 =	ssub.s32 $0x2, s1;
	s5 =	smul.u32 $0x2800, s3  }
0x7: {  	[smem:$0x7FF] =	sst s2;
	s6 =	sshrl.u32 s1, $0x1;
	s7 =	smul.u32 $0xA00, s3  }
0x8: {  	_ =	strace $0x80000047;
	s1 =	ssub.s32 s1, s6;
	s5 =	sshrl.u32 s5, $0x3  }
0x9: {  	s17 =	sshrl.u32 s7, $0x3;
	s1 =	smax.u32 s1, $0x1;
	s3 =	sadd.s32 s0, s5  }
0xa: {  	s18 =	sadd.s32 s17, s10;
	[dreg:$0x5] =	wrdreg s1;
	s19 =	sadd.s32 $0x2800, s17  }
0xb: {  	s21 =	sadd.s32 s8, s17;
	s23 =	sadd.s32 $0x5000, s17;
	s25 =	sadd.s32 $0x7800, s17  }
0xc: {  	s7 =	sadd.s32 $0xA000, s17;
	s26 =	sadd.s32 $0xC800, s17;
	s20 =	sadd.s32 $0xF000, s17  }
0xd: {  	s4 =	sadd.s32 $0x11800, s17;
	s1 =	simm.s32 $0x18100;
	[dreg:$0x4] =	wrdreg s18  }
0xe: {  	s0 =	sadd.s32 $0xA000, s3;
	[dreg:$0x6] =	wrdreg s21;
	s22 =	sadd.s32 s8, s19  }
0xf: {  	s24 =	sadd.s32 s8, s23;
	s9 =	sadd.s32 s8, s25;
	s11 =	sadd.s32 s8, s7  }
0x10: {  	s12 =	sadd.s32 s8, s26;
	s13 =	sadd.s32 s8, s20;
	s14 =	sadd.s32 s8, s4  }
0x11: {  	s15 =	sadd.s32 s19, s10;
	s16 =	sadd.s32 s23, s10;
	s17 =	sadd.s32 s25, s10  }
0x12: {  	s18 =	sadd.s32 s7, s10;
	s19 =	sadd.s32 s26, s10;
	[dreg:$0x3] =	wrdreg s0  }
0x13: {  	s20 =	sadd.s32 s20, s10;
	s21 =	sadd.s32 s4, s10;
	[dreg:$0x7] =	wrdreg s22  }
0x14: {  	v1 =	vlaneseq.u32;
	s23 =	simm.s32 $0x2800;
	s25 =	simm.s32 $0x100;
	[dreg:$0x8] =	wrdreg s24  }
0x15: {  	v0 =	vimm.f32 $0.0e+00;
	v1 =	vand.u32 $0x7, v1;
	s26 =	simm.s32 $0x16800;
	s4 =	simm.s32 $0x18B00;
	[dreg:$0x9] =	wrdreg s9  }
0x16: {  	v2 =	vimm.f32 $1.000000000e+00;
	vm0 =	vcmask $0x3F20;
	v1 =	vmul.u32 $0x2800, v1;
	s22 =	simm.s32 $0x1;
	s24 =	simm.s32 $0x80;
	s0 =	simm.s32 $0x18600  }
.LBB2_1:
0x17: {  	s5 =	simm.s32 $0x2820  }
0x18: {  	[tilespmem:s5+$0xFFFFFFE0] =	vst v0  }
0x19: {  	[tilespmem:s5+$0x10] =	vst v0  }
0x1a: {  	s6 =	simm.s32 $0x0;
	[tilespmem:s5+$0x0] =	vst v0  }
.LBB2_2:
0x1b: {  	s6 =	sadd.s32 $0x4, s6  }
0x1c: {  	[tilespmem:s5+$0xFFFFFFF0] =	vst v0;
	s5 =	sadd.s32 $0x40, s5;
	p0 =	slt.u32 s6, $0x13FC  }
.Ltmp0:
0x1d: {  	[tilespmem:s5+$0xFFFFFFE0] =	vst v0;
	(pc) =	sbr.rel @p0 .LBB2_2-.Ltmp0, $3  }
0x1e: {  	_ =	sdelay $0x1  }
0x1f: {  	[tilespmem:s5+$0x10] =	vst v0  }
0x20: {  	[tilespmem:s5+$0x0] =	vst v0  }
0x21: {  	[tilespmem:s5+$0xFFFFFFF0] =	vst v0;
	s5 =	simm.s32 $0x0  }
0x22: {  	[tilespmem:s5], [sflag:$0x1] =	stream.linear.gather [hbm4b:s3+s5], $0x2780, $0x38;
	[tilespmem:$0x19000] =	vst v63  }
0x23: {  	_ =	swait.ge [sflag:s22], $0x2780  }
0x24: {  	[sflag:s22] =	ssyncset.done $0x0  }
0x25: {  	s6 =	simm.s32 $0x0;
	[sflag:s22] =	ssyncadd.s32 $0xFFFFD880  }
.LBB2_4:
0x26: {  	s7 =	sshra.s32 s6, $0x2  }
0x27: {  	v3 =	vld [tilespmem:s7+$0x0];
	_ =	sdelay $0x4  }
0x28: {  	v3 =	vadd.s32 v1, v3;
	_ =	sdelay $0x4  }
0x29: {  	[tilespmem:v3+s23+$0x0] =	vst.idx.add.f32.msk $0xff, v2  }
0x2a: {  	[tilespmem:v3+s23+$0x0] =	vst.idx.add.f32.msk vm0, v2  }
0x2b: {  	v3 =	vld [tilespmem:s7+$0x10];
	_ =	sdelay $0x4  }
0x2c: {  	v3 =	vadd.s32 v1, v3;
	_ =	sdelay $0x4  }
0x2d: {  	[tilespmem:v3+s23+$0x0] =	vst.idx.add.f32.msk $0xff, v2  }
0x2e: {  	[tilespmem:v3+s23+$0x0] =	vst.idx.add.f32.msk vm0, v2  }
0x2f: {  	v3 =	vld [tilespmem:s7+$0x20];
	_ =	sdelay $0x4  }
0x30: {  	v3 =	vadd.s32 v1, v3;
	_ =	sdelay $0x4  }
0x31: {  	[tilespmem:v3+s23+$0x0] =	vst.idx.add.f32.msk $0xff, v2  }
0x32: {  	[tilespmem:v3+s23+$0x0] =	vst.idx.add.f32.msk vm0, v2  }
0x33: {  	v3 =	vld [tilespmem:s7+$0x30];
	_ =	sdelay $0x4  }
0x34: {  	v3 =	vadd.s32 v1, v3;
	_ =	sdelay $0x4  }
0x35: {  	[tilespmem:v3+s23+$0x0] =	vst.idx.add.f32.msk $0xff, v2  }
0x36: {  	[tilespmem:v3+s23+$0x0] =	vst.idx.add.f32.msk vm0, v2  }
0x37: {  	v3 =	vld [tilespmem:s7+$0x40];
	_ =	sdelay $0x4  }
0x38: {  	v3 =	vadd.s32 v1, v3;
	_ =	sdelay $0x4  }
0x39: {  	[tilespmem:v3+s23+$0x0] =	vst.idx.add.f32.msk $0xff, v2  }
0x3a: {  	[tilespmem:v3+s23+$0x0] =	vst.idx.add.f32.msk vm0, v2  }
0x3b: {  	v3 =	vld [tilespmem:s7+$0x50];
	_ =	sdelay $0x4  }
0x3c: {  	v3 =	vadd.s32 v1, v3;
	_ =	sdelay $0x4  }
0x3d: {  	[tilespmem:v3+s23+$0x0] =	vst.idx.add.f32.msk $0xff, v2  }
0x3e: {  	[tilespmem:v3+s23+$0x0] =	vst.idx.add.f32.msk vm0, v2  }
0x3f: {  	v3 =	vld [tilespmem:s7+$0x60];
	_ =	sdelay $0x4  }
0x40: {  	v3 =	vadd.s32 v1, v3;
	_ =	sdelay $0x4  }
0x41: {  	[tilespmem:v3+s23+$0x0] =	vst.idx.add.f32.msk $0xff, v2  }
0x42: {  	[tilespmem:v3+s23+$0x0] =	vst.idx.add.f32.msk vm0, v2  }
0x43: {  	v3 =	vld [tilespmem:s7+$0x70];
	_ =	sdelay $0x4  }
0x44: {  	v3 =	vadd.s32 v1, v3  }
0x45: {  	p0 =	sne.s32 s6, $0x9C00  }
.Ltmp1:
0x46: {  	_ = 	snop;
	(pc) =	sbr.rel @p0 .LBB2_4-.Ltmp1, $3  }
0x47: {  	_ =	sdelay $0x1  }
0x48: {  	[tilespmem:v3+s23+$0x0] =	vst.idx.add.f32.msk $0xff, v2  }
0x49: {  	s6 =	sadd.s32 $0x200, s6;
	[tilespmem:v3+s23+$0x0] =	vst.idx.add.f32.msk vm0, v2  }
0x4a: {  	s6 =	simm.s32 $0x0  }
0x4b: {  	v10 =	vld [tilespmem:s6+$0x14030]  }
0x4c: {  	v6 =	vld [tilespmem:s6+$0x11830]  }
0x4d: {  	v7 =	vld [tilespmem:s6+$0xF010]  }
0x4e: {  	v8 =	vld [tilespmem:s6+$0xF030]  }
0x4f: {  	v9 =	vld [tilespmem:s6+$0xC810]  }
0x50: {  	v11 =	vld [tilespmem:s6+$0xC820]  }
0x51: {  	v12 =	vld [tilespmem:s6+$0xC830]  }
0x52: {  	v13 =	vld [tilespmem:s6+$0xA030]  }
0x53: {  	v3 =	vld [tilespmem:s6+$0x7830]  }
0x54: {  	v4 =	vld [tilespmem:s6+$0x2810]  }
0x55: {  	v5 =	vld [tilespmem:s6+$0x5010]  }
0x56: {  	v14 =	vld [tilespmem:s6+$0x2830]  }
0x57: {  	v15 =	vld [tilespmem:s6+$0x5030]  }
0x58: {  	v16 =	vld [tilespmem:s6+$0x2820]  }
0x59: {  	v17 =	vld [tilespmem:s6+$0x5020]  }
0x5a: {  	v18 =	vld [tilespmem:s6+$0x7810]  }
0x5b: {  	v19 =	vld [tilespmem:s6+$0x7820]  }
0x5c: {  	v20 =	vld [tilespmem:s6+$0xA010];
	v14 =	vadd.f32 v15, v14  }
0x5d: {  	v21 =	vld [tilespmem:s6+$0xA020];
	v15 =	vadd.f32 v5, v4  }
0x5e: {  	s9 =	sand.u32 $0x3FC0, s5;
	v62 =	vld [tilespmem:s6+$0x11810];
	v16 =	vadd.f32 v17, v16;
	v14 =	vadd.f32 v3, v14  }
0x5f: {  	v4 =	vld [tilespmem:s9+$0xF000];
	v15 =	vadd.f32 v18, v15  }
0x60: {  	v5 =	vld [tilespmem:s9+$0x11800];
	v16 =	vadd.f32 v19, v16;
	v13 =	vadd.f32 v13, v14  }
0x61: {  	v14 =	vadd.f32 v20, v15;
	v15 =	vld [tilespmem:s6+$0xF020]  }
0x62: {  	v3 =	vld [tilespmem:s9+$0x14000];
	v16 =	vadd.f32 v21, v16;
	v12 =	vadd.f32 v12, v13  }
0x63: {  	v9 =	vadd.f32 v9, v14;
	v13 =	vld [tilespmem:s6+$0x11820]  }
0x64: {  	v14 =	vld [tilespmem:s6+$0x14010];
	v11 =	vadd.f32 v11, v16;
	v8 =	vadd.f32 v8, v12  }
0x65: {  	v12 =	vadd.f32 v7, v9;
	v9 =	vld [tilespmem:s6+$0x14020]  }
0x66: {  	v7 =	vld [tilespmem:s6+$0x2800];
	v11 =	vadd.f32 v15, v11;
	v15 =	vadd.f32 v6, v8  }
0x67: {  	v6 =	vld [tilespmem:s9+$0xC800];
	v63 =	vadd.f32 v62, v12  }
0x68: {  	v8 =	vld [tilespmem:s9+$0xA000];
	v11 =	vadd.f32 v13, v11;
	v12 =	vadd.f32 v10, v15  }
0x69: {  	s7 =	simm.s32 $0x0;
	s8 =	simm.s32 $0x100;
	v10 =	vld [tilespmem:s9+$0x7800];
	v13 =	vadd.f32 v14, v63  }
.LBB2_6:
0x6a: {  	s10 =	sshra.s32 s8, $0x2;
	v14 =	vld [tilespmem:s9+$0x5000];
	v9 =	vadd.f32 v9, v11;
	[tilespmem:s6+$0x16830] =	vst v12  }
0x6b: {  	v12 =	vld [tilespmem:s10+$0x14030];
	[tilespmem:s6+$0x16810] =	vst v13  }
0x6c: {  	v11 =	vld [tilespmem:s10+$0x11830];
	[tilespmem:s6+$0x16820] =	vst v9  }
0x6d: {  	v9 =	vld [tilespmem:s10+$0xF010]  }
0x6e: {  	v13 =	vld [tilespmem:s10+$0xF030]  }
0x6f: {  	v15 =	vld [tilespmem:s10+$0xC810];
	v7 =	vadd.f32 v14, v7  }
0x70: {  	v14 =	vld [tilespmem:s10+$0xC820]  }
0x71: {  	v16 =	vld [tilespmem:s10+$0xC830];
	v7 =	vadd.f32 v10, v7  }
0x72: {  	v10 =	vld [tilespmem:s10+$0xA030]  }
0x73: {  	v17 =	vld [tilespmem:s10+$0x7830];
	v7 =	vadd.f32 v8, v7  }
0x74: {  	v8 =	vld [tilespmem:s10+$0x2810]  }
0x75: {  	v18 =	vld [tilespmem:s10+$0x5010];
	v6 =	vadd.f32 v6, v7  }
0x76: {  	s7 =	sadd.s32 $0x4, s7;
	v7 =	vld [tilespmem:s10+$0x2830]  }
0x77: {  	p0 =	slt.u32 s7, $0x27C;
	v19 =	vld [tilespmem:s10+$0x5030];
	v4 =	vadd.f32 v4, v6  }
0x78: {  	v6 =	vld [tilespmem:s10+$0x2820]  }
0x79: {  	v20 =	vld [tilespmem:s10+$0x5020];
	v4 =	vadd.f32 v5, v4  }
0x7a: {  	v21 =	vld [tilespmem:s10+$0x7810]  }
0x7b: {  	v22 =	vld [tilespmem:s10+$0x7820];
	v3 =	vadd.f32 v3, v4  }
0x7c: {  	s5 =	sadd.s32 $0x40, s5;
	v23 =	vld [tilespmem:s10+$0xA010];
	v5 =	vadd.f32 v19, v7  }
0x7d: {  	s9 =	sand.u32 $0x3FC0, s5;
	v7 =	vadd.f32 v18, v8;
	v8 =	vld [tilespmem:s10+$0xA020];
	[tilespmem:s6+$0x16800] =	vst v3;
	s6 =	smov.u32 s10  }
0x7e: {  	v4 =	vld [tilespmem:s9+$0xF000];
	v6 =	vadd.f32 v20, v6;
	v17 =	vadd.f32 v17, v5  }
0x7f: {  	v5 =	vld [tilespmem:s9+$0x11800];
	v7 =	vadd.f32 v21, v7  }
0x80: {  	v3 =	vld [tilespmem:s9+$0x14000];
	v6 =	vadd.f32 v22, v6;
	v10 =	vadd.f32 v10, v17  }
0x81: {  	v7 =	vadd.f32 v23, v7;
	v17 =	vld [tilespmem:s6+$0xF020]  }
0x82: {  	v18 =	vld [tilespmem:s6+$0x11810];
	v6 =	vadd.f32 v8, v6;
	v8 =	vadd.f32 v16, v10  }
0x83: {  	v7 =	vadd.f32 v15, v7;
	v10 =	vld [tilespmem:s6+$0x11820]  }
0x84: {  	v15 =	vld [tilespmem:s6+$0x14010];
	v6 =	vadd.f32 v14, v6;
	v8 =	vadd.f32 v13, v8  }
.Ltmp2:
0x85: {  	v13 =	vadd.f32 v9, v7;
	v9 =	vld [tilespmem:s6+$0x14020];
	(pc) =	sbr.rel @p0 .LBB2_6-.Ltmp2, $4  }
0x86: {  	v7 =	vld [tilespmem:s6+$0x2800];
	v14 =	vadd.f32 v17, v6;
	v16 =	vadd.f32 v11, v8  }
0x87: {  	v6 =	vld [tilespmem:s9+$0xC800];
	v13 =	vadd.f32 v18, v13  }
0x88: {  	v8 =	vld [tilespmem:s9+$0xA000];
	v11 =	vadd.f32 v10, v14;
	v12 =	vadd.f32 v12, v16  }
0x89: {  	s8 =	sadd.s32 $0x100, s8;
	v10 =	vld [tilespmem:s9+$0x7800];
	v13 =	vadd.f32 v15, v13  }
0x8a: {  	v14 =	vld [tilespmem:s9+$0x5000];
	_ =	sdelay $0x4  }
0x8b: {  	v7 =	vadd.f32 v14, v7;
	_ =	sdelay $0x1  }
0x8c: {  	v7 =	vadd.f32 v10, v7;
	_ =	sdelay $0x1  }
0x8d: {  	v7 =	vadd.f32 v8, v7;
	_ =	sdelay $0x1  }
0x8e: {  	v6 =	vadd.f32 v6, v7;
	_ =	sdelay $0x1  }
0x8f: {  	v4 =	vadd.f32 v4, v6;
	_ =	sdelay $0x1  }
0x90: {  	v4 =	vadd.f32 v5, v4  }
0x91: {  	v63 =	vadd.f32 v9, v11;
	[tilespmem:s6+$0x16830] =	vst v12  }
0x92: {  	[tilespmem:s6+$0x16810] =	vst v13;
	v3 =	vadd.f32 v3, v4  }
0x93: {  	[tilespmem:s6+$0x16820] =	vst v63  }
0x94: {  	s5 =	rddreg [dreg:$0x6];
	[tilespmem:s6+$0x16800] =	vst v3  }
0x95: {  	[hbm4b:s5+s24] =	stream.strided.scatter [tilespmem:s26], [sflag:$0x1], $0x500, s25, s24, $0x38;
	[tilespmem:$0x19000] =	vst v63  }
0x96: {  	_ =	swait.ge [sflag:s22], $0x500  }
0x97: {  	[sflag:s22] =	ssyncset.done $0x0  }
0x98: {  	s7 =	rddreg [dreg:$0x7];
	[sflag:s22] =	ssyncadd.s32 $0xFFFFFB00  }
0x99: {  	[hbm4b:s7+s24] =	stream.strided.scatter [tilespmem:s28], [sflag:$0x1], $0x500, s25, s24, $0x38;
	[tilespmem:$0x19000] =	vst v63  }
0x9a: {  	_ =	swait.ge [sflag:s22], $0x500  }
0x9b: {  	[sflag:s22] =	ssyncset.done $0x0  }
0x9c: {  	s8 =	rddreg [dreg:$0x8];
	[sflag:s22] =	ssyncadd.s32 $0xFFFFFB00  }
0x9d: {  	[hbm4b:s8+s24] =	stream.strided.scatter [tilespmem:s29], [sflag:$0x1], $0x500, s25, s24, $0x38;
	[tilespmem:$0x19000] =	vst v63  }
0x9e: {  	_ =	swait.ge [sflag:s22], $0x500  }
0x9f: {  	[sflag:s22] =	ssyncset.done $0x0  }
0xa0: {  	s9 =	rddreg [dreg:$0x9];
	[sflag:s22] =	ssyncadd.s32 $0xFFFFFB00  }
0xa1: {  	[hbm4b:s9+s24] =	stream.strided.scatter [tilespmem:s30], [sflag:$0x1], $0x500, s25, s24, $0x38;
	[tilespmem:$0x19000] =	vst v63  }
0xa2: {  	_ =	swait.ge [sflag:s22], $0x500  }
0xa3: {  	[sflag:s22] =	ssyncset.done $0x0  }
0xa4: {  	[sflag:s22] =	ssyncadd.s32 $0xFFFFFB00  }
0xa5: {  	[hbm4b:s11+s24] =	stream.strided.scatter [tilespmem:s31], [sflag:$0x1], $0x500, s25, s24, $0x38;
	[tilespmem:$0x19000] =	vst v63  }
0xa6: {  	_ =	swait.ge [sflag:s22], $0x500  }
0xa7: {  	[sflag:s22] =	ssyncset.done $0x0  }
0xa8: {  	[sflag:s22] =	ssyncadd.s32 $0xFFFFFB00  }
0xa9: {  	[hbm4b:s12+s24] =	stream.strided.scatter [tilespmem:s1], [sflag:$0x1], $0x500, s25, s24, $0x38;
	[tilespmem:$0x19000] =	vst v63  }
0xaa: {  	_ =	swait.ge [sflag:s22], $0x500  }
0xab: {  	[sflag:s22] =	ssyncset.done $0x0  }
0xac: {  	[sflag:s22] =	ssyncadd.s32 $0xFFFFFB00  }
0xad: {  	[hbm4b:s13+s24] =	stream.strided.scatter [tilespmem:s0], [sflag:$0x1], $0x500, s25, s24, $0x38;
	[tilespmem:$0x19000] =	vst v63  }
0xae: {  	_ =	swait.ge [sflag:s22], $0x500  }
0xaf: {  	[sflag:s22] =	ssyncset.done $0x0  }
0xb0: {  	[sflag:s22] =	ssyncadd.s32 $0xFFFFFB00  }
0xb1: {  	[hbm4b:s14+s24] =	stream.strided.scatter [tilespmem:s4], [sflag:$0x1], $0x500, s25, s24, $0x38;
	[tilespmem:$0x19000] =	vst v63  }
0xb2: {  	_ =	swait.ge [sflag:s22], $0x500  }
0xb3: {  	[sflag:s22] =	ssyncset.done $0x0  }
0xb4: {  	s5 =	simm.s32 $0x0;
	s10 =	rddreg [dreg:$0x3];
	[sflag:s22] =	ssyncadd.s32 $0xFFFFFB00  }
0xb5: {  	[tilespmem:s5], [sflag:$0x1] =	stream.linear.gather [hbm4b:s10+s5], $0x2780, $0x38;
	[tilespmem:$0x19000] =	vst v63  }
0xb6: {  	_ =	swait.ge [sflag:s22], $0x2780  }
0xb7: {  	[sflag:s22] =	ssyncset.done $0x0  }
0xb8: {  	s6 =	simm.s32 $0x0;
	[sflag:s22] =	ssyncadd.s32 $0xFFFFD880  }
.LBB2_8:
0xb9: {  	s7 =	sshra.s32 s6, $0x2  }
0xba: {  	v3 =	vld [tilespmem:s7+$0x0];
	_ =	sdelay $0x4  }
0xbb: {  	v3 =	vadd.s32 v1, v3;
	_ =	sdelay $0x4  }
0xbc: {  	[tilespmem:v3+s23+$0x0] =	vst.idx.add.f32.msk $0xff, v2  }
0xbd: {  	[tilespmem:v3+s23+$0x0] =	vst.idx.add.f32.msk vm0, v2  }
0xbe: {  	v3 =	vld [tilespmem:s7+$0x10];
	_ =	sdelay $0x4  }
0xbf: {  	v3 =	vadd.s32 v1, v3;
	_ =	sdelay $0x4  }
0xc0: {  	[tilespmem:v3+s23+$0x0] =	vst.idx.add.f32.msk $0xff, v2  }
0xc1: {  	[tilespmem:v3+s23+$0x0] =	vst.idx.add.f32.msk vm0, v2  }
0xc2: {  	v3 =	vld [tilespmem:s7+$0x20];
	_ =	sdelay $0x4  }
0xc3: {  	v3 =	vadd.s32 v1, v3;
	_ =	sdelay $0x4  }
0xc4: {  	[tilespmem:v3+s23+$0x0] =	vst.idx.add.f32.msk $0xff, v2  }
0xc5: {  	[tilespmem:v3+s23+$0x0] =	vst.idx.add.f32.msk vm0, v2  }
0xc6: {  	v3 =	vld [tilespmem:s7+$0x30];
	_ =	sdelay $0x4  }
0xc7: {  	v3 =	vadd.s32 v1, v3;
	_ =	sdelay $0x4  }
0xc8: {  	[tilespmem:v3+s23+$0x0] =	vst.idx.add.f32.msk $0xff, v2  }
0xc9: {  	[tilespmem:v3+s23+$0x0] =	vst.idx.add.f32.msk vm0, v2  }
0xca: {  	v3 =	vld [tilespmem:s7+$0x40];
	_ =	sdelay $0x4  }
0xcb: {  	v3 =	vadd.s32 v1, v3;
	_ =	sdelay $0x4  }
0xcc: {  	[tilespmem:v3+s23+$0x0] =	vst.idx.add.f32.msk $0xff, v2  }
0xcd: {  	[tilespmem:v3+s23+$0x0] =	vst.idx.add.f32.msk vm0, v2  }
0xce: {  	v3 =	vld [tilespmem:s7+$0x50];
	_ =	sdelay $0x4  }
0xcf: {  	v3 =	vadd.s32 v1, v3;
	_ =	sdelay $0x4  }
0xd0: {  	[tilespmem:v3+s23+$0x0] =	vst.idx.add.f32.msk $0xff, v2  }
0xd1: {  	[tilespmem:v3+s23+$0x0] =	vst.idx.add.f32.msk vm0, v2  }
0xd2: {  	v3 =	vld [tilespmem:s7+$0x60];
	_ =	sdelay $0x4  }
0xd3: {  	v3 =	vadd.s32 v1, v3;
	_ =	sdelay $0x4  }
0xd4: {  	[tilespmem:v3+s23+$0x0] =	vst.idx.add.f32.msk $0xff, v2  }
0xd5: {  	[tilespmem:v3+s23+$0x0] =	vst.idx.add.f32.msk vm0, v2  }
0xd6: {  	v3 =	vld [tilespmem:s7+$0x70];
	_ =	sdelay $0x4  }
0xd7: {  	v3 =	vadd.s32 v1, v3  }
0xd8: {  	p0 =	sne.s32 s6, $0x9C00  }
.Ltmp3:
0xd9: {  	_ = 	snop;
	(pc) =	sbr.rel @p0 .LBB2_8-.Ltmp3, $3  }
0xda: {  	_ =	sdelay $0x1  }
0xdb: {  	[tilespmem:v3+s23+$0x0] =	vst.idx.add.f32.msk $0xff, v2  }
0xdc: {  	s6 =	sadd.s32 $0x200, s6;
	[tilespmem:v3+s23+$0x0] =	vst.idx.add.f32.msk vm0, v2  }
0xdd: {  	s6 =	simm.s32 $0x0  }
0xde: {  	v9 =	vld [tilespmem:s6+$0x16830]  }
0xdf: {  	v6 =	vld [tilespmem:s6+$0x14030]  }
0xe0: {  	v7 =	vld [tilespmem:s6+$0x11830]  }
0xe1: {  	v8 =	vld [tilespmem:s6+$0xF010]  }
0xe2: {  	v10 =	vld [tilespmem:s6+$0xF030]  }
0xe3: {  	v11 =	vld [tilespmem:s6+$0xC810]  }
0xe4: {  	v12 =	vld [tilespmem:s6+$0xC820]  }
0xe5: {  	v13 =	vld [tilespmem:s6+$0xC830]  }
0xe6: {  	v14 =	vld [tilespmem:s6+$0xA030]  }
0xe7: {  	v3 =	vld [tilespmem:s6+$0x7830]  }
0xe8: {  	v4 =	vld [tilespmem:s6+$0x2810]  }
0xe9: {  	v5 =	vld [tilespmem:s6+$0x5010]  }
0xea: {  	v15 =	vld [tilespmem:s6+$0x2830]  }
0xeb: {  	v16 =	vld [tilespmem:s6+$0x5030]  }
0xec: {  	v17 =	vld [tilespmem:s6+$0x2820]  }
0xed: {  	v18 =	vld [tilespmem:s6+$0x5020]  }
0xee: {  	v19 =	vld [tilespmem:s6+$0x7810]  }
0xef: {  	v20 =	vld [tilespmem:s6+$0x7820]  }
0xf0: {  	v21 =	vld [tilespmem:s6+$0xA010];
	v15 =	vadd.f32 v16, v15  }
0xf1: {  	v59 =	vld [tilespmem:s6+$0xA020];
	v22 =	vadd.f32 v5, v4  }
0xf2: {  	v61 =	vld [tilespmem:s6+$0x11810];
	v17 =	vadd.f32 v18, v17;
	v15 =	vadd.f32 v3, v15  }
0xf3: {  	s7 =	sand.u32 $0x3FC0, s5;
	v62 =	vld [tilespmem:s6+$0x14010];
	v60 =	vadd.f32 v19, v22  }
0xf4: {  	v5 =	vld [tilespmem:s7+$0xF000];
	v17 =	vadd.f32 v20, v17;
	v14 =	vadd.f32 v14, v15  }
0xf5: {  	v15 =	vld [tilespmem:s6+$0xF020];
	v18 =	vadd.f32 v21, v60  }
0xf6: {  	v4 =	vld [tilespmem:s7+$0x11800];
	v16 =	vadd.f32 v59, v17;
	v13 =	vadd.f32 v13, v14  }
0xf7: {  	v14 =	vld [tilespmem:s6+$0x11820];
	v11 =	vadd.f32 v11, v18  }
0xf8: {  	v3 =	vld [tilespmem:s7+$0x14000];
	v12 =	vadd.f32 v12, v16;
	v10 =	vadd.f32 v10, v13  }
0xf9: {  	v13 =	vld [tilespmem:s6+$0x14020];
	v8 =	vadd.f32 v8, v11  }
0xfa: {  	v11 =	vld [tilespmem:s6+$0x16810];
	v12 =	vadd.f32 v15, v12;
	v10 =	vadd.f32 v7, v10  }
0xfb: {  	v15 =	vld [tilespmem:s6+$0x16820];
	v8 =	vadd.f32 v61, v8  }
0xfc: {  	v7 =	vld [tilespmem:s6+$0x2800];
	v12 =	vadd.f32 v14, v12;
	v10 =	vadd.f32 v6, v10  }
0xfd: {  	v6 =	vld [tilespmem:s7+$0xC800];
	v14 =	vadd.f32 v62, v8  }
0xfe: {  	v8 =	vld [tilespmem:s7+$0xA000];
	v13 =	vadd.f32 v13, v12;
	v63 =	vsub.f32 v10, v9  }
0xff: {  	v9 =	vld [tilespmem:s7+$0x7800];
	v12 =	vsub.f32 v14, v11  }
0x100: {  	s8 =	simm.s32 $0x100;
	v10 =	vld [tilespmem:s7+$0x5000];
	s7 =	simm.s32 $0x0;
	v11 =	vsub.f32 v13, v15;
	[tilespmem:s6+$0x16830] =	vst v63  }
.LBB2_10:
0x101: {  	s9 =	sshra.s32 s8, $0x2;
	v13 =	vld [tilespmem:s6+$0x16800];
	[tilespmem:s6+$0x16810] =	vst v12  }
0x102: {  	v12 =	vld [tilespmem:s9+$0x16830];
	[tilespmem:s6+$0x16820] =	vst v11  }
0x103: {  	v11 =	vld [tilespmem:s9+$0x14030]  }
0x104: {  	v14 =	vld [tilespmem:s9+$0x11830]  }
0x105: {  	v15 =	vld [tilespmem:s9+$0xF010];
	v7 =	vadd.f32 v10, v7  }
0x106: {  	v10 =	vld [tilespmem:s9+$0xF030]  }
0x107: {  	v16 =	vld [tilespmem:s9+$0xC810];
	v7 =	vadd.f32 v9, v7  }
0x108: {  	v9 =	vld [tilespmem:s9+$0xC820]  }
0x109: {  	v17 =	vld [tilespmem:s9+$0xC830];
	v7 =	vadd.f32 v8, v7  }
0x10a: {  	v8 =	vld [tilespmem:s9+$0xA030]  }
0x10b: {  	v18 =	vld [tilespmem:s9+$0x7830];
	v6 =	vadd.f32 v6, v7  }
0x10c: {  	v7 =	vld [tilespmem:s9+$0x2810]  }
0x10d: {  	v19 =	vld [tilespmem:s9+$0x5010];
	v5 =	vadd.f32 v5, v6  }
0x10e: {  	s7 =	sadd.s32 $0x4, s7;
	v6 =	vld [tilespmem:s9+$0x2830]  }
0x10f: {  	p0 =	slt.u32 s7, $0x27C;
	v20 =	vld [tilespmem:s9+$0x5030];
	v4 =	vadd.f32 v4, v5  }
0x110: {  	v21 =	vld [tilespmem:s9+$0x2820]  }
0x111: {  	v22 =	vld [tilespmem:s9+$0x5020];
	v3 =	vadd.f32 v3, v4  }
0x112: {  	v23 =	vld [tilespmem:s9+$0x7810]  }
0x113: {  	v24 =	vld [tilespmem:s9+$0x7820];
	v3 =	vsub.f32 v3, v13  }
0x114: {  	s5 =	sadd.s32 $0x40, s5;
	v13 =	vld [tilespmem:s9+$0xA010];
	v4 =	vadd.f32 v20, v6  }
0x115: {  	s10 =	sand.u32 $0x3FC0, s5;
	v6 =	vadd.f32 v19, v7;
	v7 =	vld [tilespmem:s9+$0xA020];
	[tilespmem:s6+$0x16800] =	vst v3;
	s6 =	smov.u32 s9  }
0x116: {  	v5 =	vld [tilespmem:s10+$0xF000];
	v19 =	vadd.f32 v22, v21;
	v18 =	vadd.f32 v18, v4  }
0x117: {  	v4 =	vld [tilespmem:s10+$0x11800];
	v6 =	vadd.f32 v23, v6  }
0x118: {  	v3 =	vld [tilespmem:s10+$0x14000];
	v19 =	vadd.f32 v24, v19;
	v8 =	vadd.f32 v8, v18  }
0x119: {  	v6 =	vadd.f32 v13, v6;
	v13 =	vld [tilespmem:s6+$0xF020]  }
0x11a: {  	v18 =	vld [tilespmem:s6+$0x11810];
	v7 =	vadd.f32 v7, v19;
	v8 =	vadd.f32 v17, v8  }
0x11b: {  	v6 =	vadd.f32 v16, v6;
	v16 =	vld [tilespmem:s6+$0x11820]  }
0x11c: {  	v17 =	vld [tilespmem:s6+$0x14010];
	v7 =	vadd.f32 v9, v7;
	v8 =	vadd.f32 v10, v8  }
0x11d: {  	v6 =	vadd.f32 v15, v6;
	v9 =	vld [tilespmem:s6+$0x14020]  }
0x11e: {  	v10 =	vld [tilespmem:s6+$0x16810];
	v13 =	vadd.f32 v13, v7;
	v8 =	vadd.f32 v14, v8  }
0x11f: {  	v14 =	vadd.f32 v18, v6;
	v15 =	vld [tilespmem:s6+$0x16820]  }
.Ltmp4:
0x120: {  	v7 =	vld [tilespmem:s6+$0x2800];
	v13 =	vadd.f32 v16, v13;
	v11 =	vadd.f32 v11, v8;
	(pc) =	sbr.rel @p0 .LBB2_10-.Ltmp4, $4  }
0x121: {  	v6 =	vld [tilespmem:s10+$0xC800];
	v14 =	vadd.f32 v17, v14  }
0x122: {  	v8 =	vld [tilespmem:s10+$0xA000];
	v13 =	vadd.f32 v9, v13;
	v16 =	vsub.f32 v11, v12  }
0x123: {  	v9 =	vld [tilespmem:s10+$0x7800];
	v12 =	vsub.f32 v14, v10  }
0x124: {  	s8 =	sadd.s32 $0x100, s8;
	v10 =	vld [tilespmem:s10+$0x5000];
	v11 =	vsub.f32 v13, v15;
	[tilespmem:s6+$0x16830] =	vst v16  }
0x125: {  	_ =	sdelay $0x3  }
0x126: {  	v7 =	vadd.f32 v10, v7;
	_ =	sdelay $0x1  }
0x127: {  	v7 =	vadd.f32 v9, v7;
	_ =	sdelay $0x1  }
0x128: {  	v7 =	vadd.f32 v8, v7;
	_ =	sdelay $0x1  }
0x129: {  	v6 =	vadd.f32 v6, v7;
	_ =	sdelay $0x1  }
0x12a: {  	v5 =	vadd.f32 v5, v6  }
0x12b: {  	v63 =	vld [tilespmem:s6+$0x16800]  }
0x12c: {  	v4 =	vadd.f32 v4, v5;
	_ =	sdelay $0x1  }
0x12d: {  	v3 =	vadd.f32 v3, v4;
	_ =	sdelay $0x1  }
0x12e: {  	[tilespmem:s6+$0x16810] =	vst v12;
	v3 =	vsub.f32 v3, v63  }
0x12f: {  	[tilespmem:s6+$0x16820] =	vst v11  }
0x130: {  	s5 =	rddreg [dreg:$0x4];
	[tilespmem:s6+$0x16800] =	vst v3  }
0x131: {  	[hbm4b:s5+s24] =	stream.strided.scatter [tilespmem:s26], [sflag:$0x1], $0x500, s25, s24, $0x38;
	[tilespmem:$0x19000] =	vst v63  }
0x132: {  	_ =	swait.ge [sflag:s22], $0x500  }
0x133: {  	[sflag:s22] =	ssyncset.done $0x0  }
0x134: {  	[sflag:s22] =	ssyncadd.s32 $0xFFFFFB00  }
0x135: {  	[hbm4b:s15+s24] =	stream.strided.scatter [tilespmem:s28], [sflag:$0x1], $0x500, s25, s24, $0x38;
	[tilespmem:$0x19000] =	vst v63  }
0x136: {  	_ =	swait.ge [sflag:s22], $0x500  }
0x137: {  	[sflag:s22] =	ssyncset.done $0x0  }
0x138: {  	[sflag:s22] =	ssyncadd.s32 $0xFFFFFB00  }
0x139: {  	[hbm4b:s16+s24] =	stream.strided.scatter [tilespmem:s29], [sflag:$0x1], $0x500, s25, s24, $0x38;
	[tilespmem:$0x19000] =	vst v63  }
0x13a: {  	_ =	swait.ge [sflag:s22], $0x500  }
0x13b: {  	[sflag:s22] =	ssyncset.done $0x0  }
0x13c: {  	[sflag:s22] =	ssyncadd.s32 $0xFFFFFB00  }
0x13d: {  	[hbm4b:s17+s24] =	stream.strided.scatter [tilespmem:s30], [sflag:$0x1], $0x500, s25, s24, $0x38;
	[tilespmem:$0x19000] =	vst v63  }
0x13e: {  	_ =	swait.ge [sflag:s22], $0x500  }
0x13f: {  	[sflag:s22] =	ssyncset.done $0x0  }
0x140: {  	[sflag:s22] =	ssyncadd.s32 $0xFFFFFB00  }
0x141: {  	[hbm4b:s18+s24] =	stream.strided.scatter [tilespmem:s31], [sflag:$0x1], $0x500, s25, s24, $0x38;
	[tilespmem:$0x19000] =	vst v63  }
0x142: {  	_ =	swait.ge [sflag:s22], $0x500  }
0x143: {  	[sflag:s22] =	ssyncset.done $0x0  }
0x144: {  	[sflag:s22] =	ssyncadd.s32 $0xFFFFFB00  }
0x145: {  	[hbm4b:s19+s24] =	stream.strided.scatter [tilespmem:s1], [sflag:$0x1], $0x500, s25, s24, $0x38;
	[tilespmem:$0x19000] =	vst v63  }
0x146: {  	_ =	swait.ge [sflag:s22], $0x500  }
0x147: {  	[sflag:s22] =	ssyncset.done $0x0  }
0x148: {  	[sflag:s22] =	ssyncadd.s32 $0xFFFFFB00  }
0x149: {  	[hbm4b:s20+s24] =	stream.strided.scatter [tilespmem:s0], [sflag:$0x1], $0x500, s25, s24, $0x38;
	[tilespmem:$0x19000] =	vst v63  }
0x14a: {  	_ =	swait.ge [sflag:s22], $0x500  }
0x14b: {  	[sflag:s22] =	ssyncset.done $0x0  }
0x14c: {  	[sflag:s22] =	ssyncadd.s32 $0xFFFFFB00  }
0x14d: {  	[hbm4b:s21+s24] =	stream.strided.scatter [tilespmem:s4], [sflag:$0x1], $0x500, s25, s24, $0x38;
	[tilespmem:$0x19000] =	vst v63  }
0x14e: {  	_ =	swait.ge [sflag:s22], $0x500  }
0x14f: {  	s2 =	sadd.s32 $0x1, s2;
	s10 =	rddreg [dreg:$0x5]  }
0x150: {  	p0 =	sne.s32 s2, s10  }
.Ltmp5:
0x151: {  	_ = 	snop;
	(pc) =	sbr.rel @p0 .LBB2_1-.Ltmp5, $3  }
0x152: {  	_ =	sdelay $0x1  }
0x153: {  	[sflag:s22] =	ssyncset.done $0x0  }
0x154: {  	[sflag:s22] =	ssyncadd.s32 $0xFFFFFB00  }
0x155: {  	_ =	sfence.sel $0x180000  }
0x156: {  	[bflag:$0x0] =	sbarrier.arrive $0xFFFF  }
0x157: {  	_ =	strace $0x90000047  }
0x158: {  	s0 =	stileid.u32;
	[bflag:$0x2] =	sbarrier.arrive $0xFFFF  }
0x159: {  	p0 =	sne.s32 s0, $0x0;
	s0 =	rddreg [dreg:$0x2]  }
0x15a: {  	s0 =	sadd.s32 @!p0 $0x100000, s0  }
0x15b: {  	[sflag:s0] =	ssyncadd.tile.s32 @!p0 $0x1;
	_ =	shalt  }
.Lfunc_end2:
_tile_overlayer_lowered:
.L_overlay_start_2:
0x15c: {  	(tag) =	ssettag $0x2  }
0x15d: {  	s0 =	rddreg [dreg:$0x0];
	s2 =	stileid.u32  }
0x15e: {  	s1 =	rddreg [dreg:$0x1];
	p0 =	sne.s32 s2, $0x0  }
0x15f: {  	s3 =	rddreg [dreg:$0x2];
	[bflag:$0x3] =	sbarrier.arrive $0xFFFF;
	s2 =	simm.s32 @!p0 $0x1C01  }
0x160: {  	[timem:s3], [sflag:s2] =	dma.local @!p0 [hbm:s0], s1  }
0x161: {  	s0 =	simm.s32 @!p0 $0x1  }
0x162: {  	_ =	swait.ge @!p0 [sflag:s0], s1  }
0x163: {  	s1 =	ssub.s32 @!p0 $0x0, s1;
	[sflag:s0] =	ssyncset.done @!p0 $0x0  }
0x164: {  	[sflag:s0] =	ssyncadd.s32 @!p0 s1  }
0x165: {  	[bflag:$0x3] =	sbarrier.arrive $0xFFFF  }
0x166: {  	_ =	shalt  }

</sc_bundles>
